<compile_context>
chip_gen: v7x
topology: tpu7x:2x2x1
jax: 0.10.2.dev20260603
libtpu: 0.0.44.dev20260713+nightly
codegen_flags: <defaults>
</compile_context>

<pallas_src>
import functools

import jax
import jax.numpy as jnp
from jax import lax
from jax.experimental import pallas as pl
from jax.experimental.pallas import tpu as pltpu
from jax.experimental.pallas import tpu_sc as plsc

BATCH = 16384
NUM_FIELDS = 26
NUM_WORKERS = 32
COLS_W = BATCH // NUM_WORKERS
PER_W = COLS_W * NUM_FIELDS
N_CHUNK = 13
CHUNK = PER_W // N_CHUNK
ROWS_PER_CHUNK = NUM_FIELDS // N_CHUNK


def _make_kernel():
    mesh = plsc.VectorSubcoreMesh(core_axis_name="c", subcore_axis_name="s")

    @functools.partial(
        pl.kernel,
        mesh=mesh,
        out_type=jax.ShapeDtypeStruct((NUM_FIELDS, BATCH), jnp.int32),
        compiler_params=pltpu.CompilerParams(needs_layout_passes=False),
        scratch_types=[
            pltpu.VMEM((PER_W,), jnp.int32),
            pltpu.VMEM((PER_W,), jnp.int32),
            pltpu.SemaphoreType.DMA,
            pltpu.SemaphoreType.DMA,
        ]
        + [pltpu.SemaphoreType.DMA for _ in range(N_CHUNK)],
    )
    def k(idx_hbm, table_hbm, out_hbm, idx_v, rows_v, sem_i, sem_o, *gsems):
        wid = lax.axis_index("s") * 2 + lax.axis_index("c")
        cbase = wid * COLS_W
        stages = [
            pltpu.async_copy(
                idx_hbm.at[r, pl.ds(cbase, COLS_W)],
                idx_v.at[pl.ds(r * COLS_W, COLS_W)],
                sem_i,
            )
            for r in range(NUM_FIELDS)
        ]
        for st in stages:
            st.wait()

        gathers = [
            pltpu.async_copy(
                table_hbm.at[idx_v.at[pl.ds(j * CHUNK, CHUNK)]],
                rows_v.at[pl.ds(j * CHUNK, CHUNK)],
                gsems[j],
            )
            for j in range(N_CHUNK)
        ]
        outs = []
        for j in range(N_CHUNK):
            gathers[j].wait()
            for r in range(j * ROWS_PER_CHUNK, (j + 1) * ROWS_PER_CHUNK):
                outs.append(
                    pltpu.async_copy(
                        rows_v.at[pl.ds(r * COLS_W, COLS_W)],
                        out_hbm.at[r, pl.ds(cbase, COLS_W)],
                        sem_o,
                    )
                )
        for c in outs:
            c.wait()

    return k


_gather_kernel = _make_kernel()


def kernel(inputs, table_vals):
    out_t = _gather_kernel(inputs.T, table_vals)
    return out_t.T

# --- scband reference (transcript-rebuilt; emitter-appended) ---
"""Pipeline reference for scband-lookup-layer-10806137717166 (READ-ONLY COPY).

The authoritative reference and input builder live on the scoring server;
editing this copy changes nothing except your own understanding.
"""

import jax, jax.numpy as jnp
import numpy as np

VOCAB_SIZE = 1000000
KEY_SPACE = 2000000  # hashed key space; keys >= in-vocab set map to the single OOV bucket
NUM_OOV_BUCKETS = 1
BATCH = 16384
NUM_FIELDS = 26


def setup_inputs(seed: int = 0) -> dict:
    key = jax.random.key(seed)
    k1, k2 = jax.random.split(key)
    # StaticVocabularyTable semantics: in-vocab keys map to their id in
    # [0, VOCAB_SIZE); out-of-vocab keys map to VOCAB_SIZE + hash(key) % 1 == VOCAB_SIZE.
    # We model the hashed string keys as integers in [0, KEY_SPACE) and
    # materialize the key->value map as a dense gatherable table.
    ids = jnp.concatenate([
        jnp.arange(VOCAB_SIZE, dtype=jnp.int32),
        jnp.full((KEY_SPACE - VOCAB_SIZE,), VOCAB_SIZE, dtype=jnp.int32),
    ])
    table_vals = jax.random.permutation(k1, ids)
    inputs = jax.random.randint(k2, (BATCH, NUM_FIELDS), 0, KEY_SPACE, dtype=jnp.int32)
    return {"inputs": inputs, "table_vals": table_vals}


def reference(inputs, table_vals):
    # self.lookup.lookup(inputs): pure hash-table gather -> jnp.take
    return jnp.take(table_vals, inputs, axis=0)

if __name__ == "__main__":
    import jax
    _d = setup_inputs()
    print(jax.jit(kernel)(*tuple(_d.values())))

</pallas_src>

<mosaic_0001>
#map = affine_map<(d0, d1) -> (0, 0)>
#map1 = affine_map<(d0, d1) -> (0)>
module attributes {stable_mosaic.version = 14 : i64} {
  func.func @k(%arg0: i32, %arg1: i32, %arg2: memref<26x16384xi32, #tpu.memory_space<hbm>>, %arg3: memref<2000000xi32, #tpu.memory_space<hbm>>, %arg4: memref<26x16384xi32, #tpu.memory_space<hbm>>, %arg5: memref<13312xi32, #tpu.memory_space<vmem>>, %arg6: memref<13312xi32, #tpu.memory_space<vmem>>, %arg7: memref<!tpu.dma_semaphore, #tpu.memory_space<semaphore_mem>>, %arg8: memref<!tpu.dma_semaphore, #tpu.memory_space<semaphore_mem>>, %arg9: memref<!tpu.dma_semaphore, #tpu.memory_space<semaphore_mem>>, %arg10: memref<!tpu.dma_semaphore, #tpu.memory_space<semaphore_mem>>, %arg11: memref<!tpu.dma_semaphore, #tpu.memory_space<semaphore_mem>>, %arg12: memref<!tpu.dma_semaphore, #tpu.memory_space<semaphore_mem>>, %arg13: memref<!tpu.dma_semaphore, #tpu.memory_space<semaphore_mem>>, %arg14: memref<!tpu.dma_semaphore, #tpu.memory_space<semaphore_mem>>, %arg15: memref<!tpu.dma_semaphore, #tpu.memory_space<semaphore_mem>>, %arg16: memref<!tpu.dma_semaphore, #tpu.memory_space<semaphore_mem>>, %arg17: memref<!tpu.dma_semaphore, #tpu.memory_space<semaphore_mem>>, %arg18: memref<!tpu.dma_semaphore, #tpu.memory_space<semaphore_mem>>, %arg19: memref<!tpu.dma_semaphore, #tpu.memory_space<semaphore_mem>>, %arg20: memref<!tpu.dma_semaphore, #tpu.memory_space<semaphore_mem>>, %arg21: memref<!tpu.dma_semaphore, #tpu.memory_space<semaphore_mem>>) attributes {dimension_semantics = [#tpu.dimension_semantics<core_parallel>, #tpu.dimension_semantics<subcore_parallel>], iteration_bounds = array<i64: 2, 16>, scalar_prefetch = 0 : i64, scratch_operands = 17 : i64, tpu.core_type = #tpu.core_type<sc_vector_subcore>, window_params = [{transform_indices = #map}, {transform_indices = #map1}, {transform_indices = #map}]} {
    %mul3A = arith.constant 2 : i32
    %mul3A_0 = arith.muli %arg1, %mul3A : i32
    %add3A = arith.addi %mul3A_0, %arg0 : i32
    %mul3A_1 = arith.constant 512 : i32
    %mul3A_2 = arith.muli %add3A, %mul3A_1 : i32
    %dma_start3A = arith.constant 0 : i32
    %dma_start3A_3 = arith.constant 0 : i32
    %dma_start3A_4 = tpu.memref_slice %arg5[%dma_start3A_3] : memref<13312xi32, #tpu.memory_space<vmem>> -> memref<512xi32, #tpu.memory_space<vmem>>
    %dma_start3A_5 = tpu.memref_slice %arg2[%dma_start3A, %mul3A_2] : memref<26x16384xi32, #tpu.memory_space<hbm>> -> memref<1x512xi32, #tpu.memory_space<hbm>>
    %dma_start3A_6 = tpu.memref_squeeze %dma_start3A_5 : memref<1x512xi32, #tpu.memory_space<hbm>> -> memref<512xi32, #tpu.memory_space<hbm>>
    %dma_start3A_7 = arith.constant 0 : i32
    %dma_start3A_8 = tpu.memref_slice %arg5[%dma_start3A_7] : memref<13312xi32, #tpu.memory_space<vmem>> -> memref<512xi32, #tpu.memory_space<vmem>>
    %dma_start3A_9 = tpu.memref_slice %arg2[%dma_start3A, %mul3A_2] : memref<26x16384xi32, #tpu.memory_space<hbm>> -> memref<1x512xi32, #tpu.memory_space<hbm>>
    %dma_start3A_10 = tpu.memref_squeeze %dma_start3A_9 : memref<1x512xi32, #tpu.memory_space<hbm>> -> memref<512xi32, #tpu.memory_space<hbm>>
    tpu.enqueue_dma source(%dma_start3A_10 : memref<512xi32, #tpu.memory_space<hbm>>) target(%dma_start3A_8 : memref<512xi32, #tpu.memory_space<vmem>>) target_semaphore(%arg7 : memref<!tpu.dma_semaphore, #tpu.memory_space<semaphore_mem>>)
    %dma_start3A_11 = arith.constant 1 : i32
    %dma_start3A_12 = arith.constant 512 : i32
    %dma_start3A_13 = tpu.memref_slice %arg5[%dma_start3A_12] : memref<13312xi32, #tpu.memory_space<vmem>> -> memref<512xi32, #tpu.memory_space<vmem>>
    %dma_start3A_14 = tpu.memref_slice %arg2[%dma_start3A_11, %mul3A_2] : memref<26x16384xi32, #tpu.memory_space<hbm>> -> memref<1x512xi32, #tpu.memory_space<hbm>>
    %dma_start3A_15 = tpu.memref_squeeze %dma_start3A_14 : memref<1x512xi32, #tpu.memory_space<hbm>> -> memref<512xi32, #tpu.memory_space<hbm>>
    %dma_start3A_16 = arith.constant 512 : i32
    %dma_start3A_17 = tpu.memref_slice %arg5[%dma_start3A_16] : memref<13312xi32, #tpu.memory_space<vmem>> -> memref<512xi32, #tpu.memory_space<vmem>>
    %dma_start3A_18 = tpu.memref_slice %arg2[%dma_start3A_11, %mul3A_2] : memref<26x16384xi32, #tpu.memory_space<hbm>> -> memref<1x512xi32, #tpu.memory_space<hbm>>
    %dma_start3A_19 = tpu.memref_squeeze %dma_start3A_18 : memref<1x512xi32, #tpu.memory_space<hbm>> -> memref<512xi32, #tpu.memory_space<hbm>>
    tpu.enqueue_dma source(%dma_start3A_19 : memref<512xi32, #tpu.memory_space<hbm>>) target(%dma_start3A_17 : memref<512xi32, #tpu.memory_space<vmem>>) target_semaphore(%arg7 : memref<!tpu.dma_semaphore, #tpu.memory_space<semaphore_mem>>)
    %dma_start3A_20 = arith.constant 2 : i32
    %dma_start3A_21 = arith.constant 1024 : i32
    %dma_start3A_22 = tpu.memref_slice %arg5[%dma_start3A_21] : memref<13312xi32, #tpu.memory_space<vmem>> -> memref<512xi32, #tpu.memory_space<vmem>>
    %dma_start3A_23 = tpu.memref_slice %arg2[%dma_start3A_20, %mul3A_2] : memref<26x16384xi32, #tpu.memory_space<hbm>> -> memref<1x512xi32, #tpu.memory_space<hbm>>
    %dma_start3A_24 = tpu.memref_squeeze %dma_start3A_23 : memref<1x512xi32, #tpu.memory_space<hbm>> -> memref<512xi32, #tpu.memory_space<hbm>>
    %dma_start3A_25 = arith.constant 1024 : i32
    %dma_start3A_26 = tpu.memref_slice %arg5[%dma_start3A_25] : memref<13312xi32, #tpu.memory_space<vmem>> -> memref<512xi32, #tpu.memory_space<vmem>>
    %dma_start3A_27 = tpu.memref_slice %arg2[%dma_start3A_20, %mul3A_2] : memref<26x16384xi32, #tpu.memory_space<hbm>> -> memref<1x512xi32, #tpu.memory_space<hbm>>
    %dma_start3A_28 = tpu.memref_squeeze %dma_start3A_27 : memref<1x512xi32, #tpu.memory_space<hbm>> -> memref<512xi32, #tpu.memory_space<hbm>>
    tpu.enqueue_dma source(%dma_start3A_28 : memref<512xi32, #tpu.memory_space<hbm>>) target(%dma_start3A_26 : memref<512xi32, #tpu.memory_space<vmem>>) target_semaphore(%arg7 : memref<!tpu.dma_semaphore, #tpu.memory_space<semaphore_mem>>)
    %dma_start3A_29 = arith.constant 3 : i32
    %dma_start3A_30 = arith.constant 1536 : i32
    %dma_start3A_31 = tpu.memref_slice %arg5[%dma_start3A_30] : memref<13312xi32, #tpu.memory_space<vmem>> -> memref<512xi32, #tpu.memory_space<vmem>>
    %dma_start3A_32 = tpu.memref_slice %arg2[%dma_start3A_29, %mul3A_2] : memref<26x16384xi32, #tpu.memory_space<hbm>> -> memref<1x512xi32, #tpu.memory_space<hbm>>
    %dma_start3A_33 = tpu.memref_squeeze %dma_start3A_32 : memref<1x512xi32, #tpu.memory_space<hbm>> -> memref<512xi32, #tpu.memory_space<hbm>>
    %dma_start3A_34 = arith.constant 1536 : i32
    %dma_start3A_35 = tpu.memref_slice %arg5[%dma_start3A_34] : memref<13312xi32, #tpu.memory_space<vmem>> -> memref<512xi32, #tpu.memory_space<vmem>>
    %dma_start3A_36 = tpu.memref_slice %arg2[%dma_start3A_29, %mul3A_2] : memref<26x16384xi32, #tpu.memory_space<hbm>> -> memref<1x512xi32, #tpu.memory_space<hbm>>
    %dma_start3A_37 = tpu.memref_squeeze %dma_start3A_36 : memref<1x512xi32, #tpu.memory_space<hbm>> -> memref<512xi32, #tpu.memory_space<hbm>>
    tpu.enqueue_dma source(%dma_start3A_37 : memref<512xi32, #tpu.memory_space<hbm>>) target(%dma_start3A_35 : memref<512xi32, #tpu.memory_space<vmem>>) target_semaphore(%arg7 : memref<!tpu.dma_semaphore, #tpu.memory_space<semaphore_mem>>)
    %dma_start3A_38 = arith.constant 4 : i32
    %dma_start3A_39 = arith.constant 2048 : i32
    %dma_start3A_40 = tpu.memref_slice %arg5[%dma_start3A_39] : memref<13312xi32, #tpu.memory_space<vmem>> -> memref<512xi32, #tpu.memory_space<vmem>>
    %dma_start3A_41 = tpu.memref_slice %arg2[%dma_start3A_38, %mul3A_2] : memref<26x16384xi32, #tpu.memory_space<hbm>> -> memref<1x512xi32, #tpu.memory_space<hbm>>
    %dma_start3A_42 = tpu.memref_squeeze %dma_start3A_41 : memref<1x512xi32, #tpu.memory_space<hbm>> -> memref<512xi32, #tpu.memory_space<hbm>>
    %dma_start3A_43 = arith.constant 2048 : i32
    %dma_start3A_44 = tpu.memref_slice %arg5[%dma_start3A_43] : memref<13312xi32, #tpu.memory_space<vmem>> -> memref<512xi32, #tpu.memory_space<vmem>>
    %dma_start3A_45 = tpu.memref_slice %arg2[%dma_start3A_38, %mul3A_2] : memref<26x16384xi32, #tpu.memory_space<hbm>> -> memref<1x512xi32, #tpu.memory_space<hbm>>
    %dma_start3A_46 = tpu.memref_squeeze %dma_start3A_45 : memref<1x512xi32, #tpu.memory_space<hbm>> -> memref<512xi32, #tpu.memory_space<hbm>>
    tpu.enqueue_dma source(%dma_start3A_46 : memref<512xi32, #tpu.memory_space<hbm>>) target(%dma_start3A_44 : memref<512xi32, #tpu.memory_space<vmem>>) target_semaphore(%arg7 : memref<!tpu.dma_semaphore, #tpu.memory_space<semaphore_mem>>)
    %dma_start3A_47 = arith.constant 5 : i32
    %dma_start3A_48 = arith.constant 2560 : i32
    %dma_start3A_49 = tpu.memref_slice %arg5[%dma_start3A_48] : memref<13312xi32, #tpu.memory_space<vmem>> -> memref<512xi32, #tpu.memory_space<vmem>>
    %dma_start3A_50 = tpu.memref_slice %arg2[%dma_start3A_47, %mul3A_2] : memref<26x16384xi32, #tpu.memory_space<hbm>> -> memref<1x512xi32, #tpu.memory_space<hbm>>
    %dma_start3A_51 = tpu.memref_squeeze %dma_start3A_50 : memref<1x512xi32, #tpu.memory_space<hbm>> -> memref<512xi32, #tpu.memory_space<hbm>>
    %dma_start3A_52 = arith.constant 2560 : i32
    %dma_start3A_53 = tpu.memref_slice %arg5[%dma_start3A_52] : memref<13312xi32, #tpu.memory_space<vmem>> -> memref<512xi32, #tpu.memory_space<vmem>>
    %dma_start3A_54 = tpu.memref_slice %arg2[%dma_start3A_47, %mul3A_2] : memref<26x16384xi32, #tpu.memory_space<hbm>> -> memref<1x512xi32, #tpu.memory_space<hbm>>
    %dma_start3A_55 = tpu.memref_squeeze %dma_start3A_54 : memref<1x512xi32, #tpu.memory_space<hbm>> -> memref<512xi32, #tpu.memory_space<hbm>>
    tpu.enqueue_dma source(%dma_start3A_55 : memref<512xi32, #tpu.memory_space<hbm>>) target(%dma_start3A_53 : memref<512xi32, #tpu.memory_space<vmem>>) target_semaphore(%arg7 : memref<!tpu.dma_semaphore, #tpu.memory_space<semaphore_mem>>)
    %dma_start3A_56 = arith.constant 6 : i32
    %dma_start3A_57 = arith.constant 3072 : i32
    %dma_start3A_58 = tpu.memref_slice %arg5[%dma_start3A_57] : memref<13312xi32, #tpu.memory_space<vmem>> -> memref<512xi32, #tpu.memory_space<vmem>>
    %dma_start3A_59 = tpu.memref_slice %arg2[%dma_start3A_56, %mul3A_2] : memref<26x16384xi32, #tpu.memory_space<hbm>> -> memref<1x512xi32, #tpu.memory_space<hbm>>
    %dma_start3A_60 = tpu.memref_squeeze %dma_start3A_59 : memref<1x512xi32, #tpu.memory_space<hbm>> -> memref<512xi32, #tpu.memory_space<hbm>>
    %dma_start3A_61 = arith.constant 3072 : i32
    %dma_start3A_62 = tpu.memref_slice %arg5[%dma_start3A_61] : memref<13312xi32, #tpu.memory_space<vmem>> -> memref<512xi32, #tpu.memory_space<vmem>>
    %dma_start3A_63 = tpu.memref_slice %arg2[%dma_start3A_56, %mul3A_2] : memref<26x16384xi32, #tpu.memory_space<hbm>> -> memref<1x512xi32, #tpu.memory_space<hbm>>
    %dma_start3A_64 = tpu.memref_squeeze %dma_start3A_63 : memref<1x512xi32, #tpu.memory_space<hbm>> -> memref<512xi32, #tpu.memory_space<hbm>>
    tpu.enqueue_dma source(%dma_start3A_64 : memref<512xi32, #tpu.memory_space<hbm>>) target(%dma_start3A_62 : memref<512xi32, #tpu.memory_space<vmem>>) target_semaphore(%arg7 : memref<!tpu.dma_semaphore, #tpu.memory_space<semaphore_mem>>)
    %dma_start3A_65 = arith.constant 7 : i32
    %dma_start3A_66 = arith.constant 3584 : i32
    %dma_start3A_67 = tpu.memref_slice %arg5[%dma_start3A_66] : memref<13312xi32, #tpu.memory_space<vmem>> -> memref<512xi32, #tpu.memory_space<vmem>>
    %dma_start3A_68 = tpu.memref_slice %arg2[%dma_start3A_65, %mul3A_2] : memref<26x16384xi32, #tpu.memory_space<hbm>> -> memref<1x512xi32, #tpu.memory_space<hbm>>
    %dma_start3A_69 = tpu.memref_squeeze %dma_start3A_68 : memref<1x512xi32, #tpu.memory_space<hbm>> -> memref<512xi32, #tpu.memory_space<hbm>>
    %dma_start3A_70 = arith.constant 3584 : i32
    %dma_start3A_71 = tpu.memref_slice %arg5[%dma_start3A_70] : memref<13312xi32, #tpu.memory_space<vmem>> -> memref<512xi32, #tpu.memory_space<vmem>>
    %dma_start3A_72 = tpu.memref_slice %arg2[%dma_start3A_65, %mul3A_2] : memref<26x16384xi32, #tpu.memory_space<hbm>> -> memref<1x512xi32, #tpu.memory_space<hbm>>
    %dma_start3A_73 = tpu.memref_squeeze %dma_start3A_72 : memref<1x512xi32, #tpu.memory_space<hbm>> -> memref<512xi32, #tpu.memory_space<hbm>>
    tpu.enqueue_dma source(%dma_start3A_73 : memref<512xi32, #tpu.memory_space<hbm>>) target(%dma_start3A_71 : memref<512xi32, #tpu.memory_space<vmem>>) target_semaphore(%arg7 : memref<!tpu.dma_semaphore, #tpu.memory_space<semaphore_mem>>)
    %dma_start3A_74 = arith.constant 8 : i32
    %dma_start3A_75 = arith.constant 4096 : i32
    %dma_start3A_76 = tpu.memref_slice %arg5[%dma_start3A_75] : memref<13312xi32, #tpu.memory_space<vmem>> -> memref<512xi32, #tpu.memory_space<vmem>>
    %dma_start3A_77 = tpu.memref_slice %arg2[%dma_start3A_74, %mul3A_2] : memref<26x16384xi32, #tpu.memory_space<hbm>> -> memref<1x512xi32, #tpu.memory_space<hbm>>
    %dma_start3A_78 = tpu.memref_squeeze %dma_start3A_77 : memref<1x512xi32, #tpu.memory_space<hbm>> -> memref<512xi32, #tpu.memory_space<hbm>>
    %dma_start3A_79 = arith.constant 4096 : i32
    %dma_start3A_80 = tpu.memref_slice %arg5[%dma_start3A_79] : memref<13312xi32, #tpu.memory_space<vmem>> -> memref<512xi32, #tpu.memory_space<vmem>>
    %dma_start3A_81 = tpu.memref_slice %arg2[%dma_start3A_74, %mul3A_2] : memref<26x16384xi32, #tpu.memory_space<hbm>> -> memref<1x512xi32, #tpu.memory_space<hbm>>
    %dma_start3A_82 = tpu.memref_squeeze %dma_start3A_81 : memref<1x512xi32, #tpu.memory_space<hbm>> -> memref<512xi32, #tpu.memory_space<hbm>>
    tpu.enqueue_dma source(%dma_start3A_82 : memref<512xi32, #tpu.memory_space<hbm>>) target(%dma_start3A_80 : memref<512xi32, #tpu.memory_space<vmem>>) target_semaphore(%arg7 : memref<!tpu.dma_semaphore, #tpu.memory_space<semaphore_mem>>)
    %dma_start3A_83 = arith.constant 9 : i32
    %dma_start3A_84 = arith.constant 4608 : i32
    %dma_start3A_85 = tpu.memref_slice %arg5[%dma_start3A_84] : memref<13312xi32, #tpu.memory_space<vmem>> -> memref<512xi32, #tpu.memory_space<vmem>>
    %dma_start3A_86 = tpu.memref_slice %arg2[%dma_start3A_83, %mul3A_2] : memref<26x16384xi32, #tpu.memory_space<hbm>> -> memref<1x512xi32, #tpu.memory_space<hbm>>
    %dma_start3A_87 = tpu.memref_squeeze %dma_start3A_86 : memref<1x512xi32, #tpu.memory_space<hbm>> -> memref<512xi32, #tpu.memory_space<hbm>>
    %dma_start3A_88 = arith.constant 4608 : i32
    %dma_start3A_89 = tpu.memref_slice %arg5[%dma_start3A_88] : memref<13312xi32, #tpu.memory_space<vmem>> -> memref<512xi32, #tpu.memory_space<vmem>>
    %dma_start3A_90 = tpu.memref_slice %arg2[%dma_start3A_83, %mul3A_2] : memref<26x16384xi32, #tpu.memory_space<hbm>> -> memref<1x512xi32, #tpu.memory_space<hbm>>
    %dma_start3A_91 = tpu.memref_squeeze %dma_start3A_90 : memref<1x512xi32, #tpu.memory_space<hbm>> -> memref<512xi32, #tpu.memory_space<hbm>>
    tpu.enqueue_dma source(%dma_start3A_91 : memref<512xi32, #tpu.memory_space<hbm>>) target(%dma_start3A_89 : memref<512xi32, #tpu.memory_space<vmem>>) target_semaphore(%arg7 : memref<!tpu.dma_semaphore, #tpu.memory_space<semaphore_mem>>)
    %dma_start3A_92 = arith.constant 10 : i32
    %dma_start3A_93 = arith.constant 5120 : i32
    %dma_start3A_94 = tpu.memref_slice %arg5[%dma_start3A_93] : memref<13312xi32, #tpu.memory_space<vmem>> -> memref<512xi32, #tpu.memory_space<vmem>>
    %dma_start3A_95 = tpu.memref_slice %arg2[%dma_start3A_92, %mul3A_2] : memref<26x16384xi32, #tpu.memory_space<hbm>> -> memref<1x512xi32, #tpu.memory_space<hbm>>
    %dma_start3A_96 = tpu.memref_squeeze %dma_start3A_95 : memref<1x512xi32, #tpu.memory_space<hbm>> -> memref<512xi32, #tpu.memory_space<hbm>>
    %dma_start3A_97 = arith.constant 5120 : i32
    %dma_start3A_98 = tpu.memref_slice %arg5[%dma_start3A_97] : memref<13312xi32, #tpu.memory_space<vmem>> -> memref<512xi32, #tpu.memory_space<vmem>>
    %dma_start3A_99 = tpu.memref_slice %arg2[%dma_start3A_92, %mul3A_2] : memref<26x16384xi32, #tpu.memory_space<hbm>> -> memref<1x512xi32, #tpu.memory_space<hbm>>
    %dma_start3A_100 = tpu.memref_squeeze %dma_start3A_99 : memref<1x512xi32, #tpu.memory_space<hbm>> -> memref<512xi32, #tpu.memory_space<hbm>>
    tpu.enqueue_dma source(%dma_start3A_100 : memref<512xi32, #tpu.memory_space<hbm>>) target(%dma_start3A_98 : memref<512xi32, #tpu.memory_space<vmem>>) target_semaphore(%arg7 : memref<!tpu.dma_semaphore, #tpu.memory_space<semaphore_mem>>)
    %dma_start3A_101 = arith.constant 11 : i32
    %dma_start3A_102 = arith.constant 5632 : i32
    %dma_start3A_103 = tpu.memref_slice %arg5[%dma_start3A_102] : memref<13312xi32, #tpu.memory_space<vmem>> -> memref<512xi32, #tpu.memory_space<vmem>>
    %dma_start3A_104 = tpu.memref_slice %arg2[%dma_start3A_101, %mul3A_2] : memref<26x16384xi32, #tpu.memory_space<hbm>> -> memref<1x512xi32, #tpu.memory_space<hbm>>
    %dma_start3A_105 = tpu.memref_squeeze %dma_start3A_104 : memref<1x512xi32, #tpu.memory_space<hbm>> -> memref<512xi32, #tpu.memory_space<hbm>>
    %dma_start3A_106 = arith.constant 5632 : i32
    %dma_start3A_107 = tpu.memref_slice %arg5[%dma_start3A_106] : memref<13312xi32, #tpu.memory_space<vmem>> -> memref<512xi32, #tpu.memory_space<vmem>>
    %dma_start3A_108 = tpu.memref_slice %arg2[%dma_start3A_101, %mul3A_2] : memref<26x16384xi32, #tpu.memory_space<hbm>> -> memref<1x512xi32, #tpu.memory_space<hbm>>
    %dma_start3A_109 = tpu.memref_squeeze %dma_start3A_108 : memref<1x512xi32, #tpu.memory_space<hbm>> -> memref<512xi32, #tpu.memory_space<hbm>>
    tpu.enqueue_dma source(%dma_start3A_109 : memref<512xi32, #tpu.memory_space<hbm>>) target(%dma_start3A_107 : memref<512xi32, #tpu.memory_space<vmem>>) target_semaphore(%arg7 : memref<!tpu.dma_semaphore, #tpu.memory_space<semaphore_mem>>)
    %dma_start3A_110 = arith.constant 12 : i32
    %dma_start3A_111 = arith.constant 6144 : i32
    %dma_start3A_112 = tpu.memref_slice %arg5[%dma_start3A_111] : memref<13312xi32, #tpu.memory_space<vmem>> -> memref<512xi32, #tpu.memory_space<vmem>>
    %dma_start3A_113 = tpu.memref_slice %arg2[%dma_start3A_110, %mul3A_2] : memref<26x16384xi32, #tpu.memory_space<hbm>> -> memref<1x512xi32, #tpu.memory_space<hbm>>
    %dma_start3A_114 = tpu.memref_squeeze %dma_start3A_113 : memref<1x512xi32, #tpu.memory_space<hbm>> -> memref<512xi32, #tpu.memory_space<hbm>>
    %dma_start3A_115 = arith.constant 6144 : i32
    %dma_start3A_116 = tpu.memref_slice %arg5[%dma_start3A_115] : memref<13312xi32, #tpu.memory_space<vmem>> -> memref<512xi32, #tpu.memory_space<vmem>>
    %dma_start3A_117 = tpu.memref_slice %arg2[%dma_start3A_110, %mul3A_2] : memref<26x16384xi32, #tpu.memory_space<hbm>> -> memref<1x512xi32, #tpu.memory_space<hbm>>
    %dma_start3A_118 = tpu.memref_squeeze %dma_start3A_117 : memref<1x512xi32, #tpu.memory_space<hbm>> -> memref<512xi32, #tpu.memory_space<hbm>>
    tpu.enqueue_dma source(%dma_start3A_118 : memref<512xi32, #tpu.memory_space<hbm>>) target(%dma_start3A_116 : memref<512xi32, #tpu.memory_space<vmem>>) target_semaphore(%arg7 : memref<!tpu.dma_semaphore, #tpu.memory_space<semaphore_mem>>)
    %dma_start3A_119 = arith.constant 13 : i32
    %dma_start3A_120 = arith.constant 6656 : i32
    %dma_start3A_121 = tpu.memref_slice %arg5[%dma_start3A_120] : memref<13312xi32, #tpu.memory_space<vmem>> -> memref<512xi32, #tpu.memory_space<vmem>>
    %dma_start3A_122 = tpu.memref_slice %arg2[%dma_start3A_119, %mul3A_2] : memref<26x16384xi32, #tpu.memory_space<hbm>> -> memref<1x512xi32, #tpu.memory_space<hbm>>
    %dma_start3A_123 = tpu.memref_squeeze %dma_start3A_122 : memref<1x512xi32, #tpu.memory_space<hbm>> -> memref<512xi32, #tpu.memory_space<hbm>>
    %dma_start3A_124 = arith.constant 6656 : i32
    %dma_start3A_125 = tpu.memref_slice %arg5[%dma_start3A_124] : memref<13312xi32, #tpu.memory_space<vmem>> -> memref<512xi32, #tpu.memory_space<vmem>>
    %dma_start3A_126 = tpu.memref_slice %arg2[%dma_start3A_119, %mul3A_2] : memref<26x16384xi32, #tpu.memory_space<hbm>> -> memref<1x512xi32, #tpu.memory_space<hbm>>
    %dma_start3A_127 = tpu.memref_squeeze %dma_start3A_126 : memref<1x512xi32, #tpu.memory_space<hbm>> -> memref<512xi32, #tpu.memory_space<hbm>>
    tpu.enqueue_dma source(%dma_start3A_127 : memref<512xi32, #tpu.memory_space<hbm>>) target(%dma_start3A_125 : memref<512xi32, #tpu.memory_space<vmem>>) target_semaphore(%arg7 : memref<!tpu.dma_semaphore, #tpu.memory_space<semaphore_mem>>)
    %dma_start3A_128 = arith.constant 14 : i32
    %dma_start3A_129 = arith.constant 7168 : i32
    %dma_start3A_130 = tpu.memref_slice %arg5[%dma_start3A_129] : memref<13312xi32, #tpu.memory_space<vmem>> -> memref<512xi32, #tpu.memory_space<vmem>>
    %dma_start3A_131 = tpu.memref_slice %arg2[%dma_start3A_128, %mul3A_2] : memref<26x16384xi32, #tpu.memory_space<hbm>> -> memref<1x512xi32, #tpu.memory_space<hbm>>
    %dma_start3A_132 = tpu.memref_squeeze %dma_start3A_131 : memref<1x512xi32, #tpu.memory_space<hbm>> -> memref<512xi32, #tpu.memory_space<hbm>>
    %dma_start3A_133 = arith.constant 7168 : i32
    %dma_start3A_134 = tpu.memref_slice %arg5[%dma_start3A_133] : memref<13312xi32, #tpu.memory_space<vmem>> -> memref<512xi32, #tpu.memory_space<vmem>>
    %dma_start3A_135 = tpu.memref_slice %arg2[%dma_start3A_128, %mul3A_2] : memref<26x16384xi32, #tpu.memory_space<hbm>> -> memref<1x512xi32, #tpu.memory_space<hbm>>
    %dma_start3A_136 = tpu.memref_squeeze %dma_start3A_135 : memref<1x512xi32, #tpu.memory_space<hbm>> -> memref<512xi32, #tpu.memory_space<hbm>>
    tpu.enqueue_dma source(%dma_start3A_136 : memref<512xi32, #tpu.memory_space<hbm>>) target(%dma_start3A_134 : memref<512xi32, #tpu.memory_space<vmem>>) target_semaphore(%arg7 : memref<!tpu.dma_semaphore, #tpu.memory_space<semaphore_mem>>)
    %dma_start3A_137 = arith.constant 15 : i32
    %dma_start3A_138 = arith.constant 7680 : i32
    %dma_start3A_139 = tpu.memref_slice %arg5[%dma_start3A_138] : memref<13312xi32, #tpu.memory_space<vmem>> -> memref<512xi32, #tpu.memory_space<vmem>>
    %dma_start3A_140 = tpu.memref_slice %arg2[%dma_start3A_137, %mul3A_2] : memref<26x16384xi32, #tpu.memory_space<hbm>> -> memref<1x512xi32, #tpu.memory_space<hbm>>
    %dma_start3A_141 = tpu.memref_squeeze %dma_start3A_140 : memref<1x512xi32, #tpu.memory_space<hbm>> -> memref<512xi32, #tpu.memory_space<hbm>>
    %dma_start3A_142 = arith.constant 7680 : i32
    %dma_start3A_143 = tpu.memref_slice %arg5[%dma_start3A_142] : memref<13312xi32, #tpu.memory_space<vmem>> -> memref<512xi32, #tpu.memory_space<vmem>>
    %dma_start3A_144 = tpu.memref_slice %arg2[%dma_start3A_137, %mul3A_2] : memref<26x16384xi32, #tpu.memory_space<hbm>> -> memref<1x512xi32, #tpu.memory_space<hbm>>
    %dma_start3A_145 = tpu.memref_squeeze %dma_start3A_144 : memref<1x512xi32, #tpu.memory_space<hbm>> -> memref<512xi32, #tpu.memory_space<hbm>>
    tpu.enqueue_dma source(%dma_start3A_145 : memref<512xi32, #tpu.memory_space<hbm>>) target(%dma_start3A_143 : memref<512xi32, #tpu.memory_space<vmem>>) target_semaphore(%arg7 : memref<!tpu.dma_semaphore, #tpu.memory_space<semaphore_mem>>)
    %dma_start3A_146 = arith.constant 16 : i32
    %dma_start3A_147 = arith.constant 8192 : i32
    %dma_start3A_148 = tpu.memref_slice %arg5[%dma_start3A_147] : memref<13312xi32, #tpu.memory_space<vmem>> -> memref<512xi32, #tpu.memory_space<vmem>>
    %dma_start3A_149 = tpu.memref_slice %arg2[%dma_start3A_146, %mul3A_2] : memref<26x16384xi32, #tpu.memory_space<hbm>> -> memref<1x512xi32, #tpu.memory_space<hbm>>
    %dma_start3A_150 = tpu.memref_squeeze %dma_start3A_149 : memref<1x512xi32, #tpu.memory_space<hbm>> -> memref<512xi32, #tpu.memory_space<hbm>>
    %dma_start3A_151 = arith.constant 8192 : i32
    %dma_start3A_152 = tpu.memref_slice %arg5[%dma_start3A_151] : memref<13312xi32, #tpu.memory_space<vmem>> -> memref<512xi32, #tpu.memory_space<vmem>>
    %dma_start3A_153 = tpu.memref_slice %arg2[%dma_start3A_146, %mul3A_2] : memref<26x16384xi32, #tpu.memory_space<hbm>> -> memref<1x512xi32, #tpu.memory_space<hbm>>
    %dma_start3A_154 = tpu.memref_squeeze %dma_start3A_153 : memref<1x512xi32, #tpu.memory_space<hbm>> -> memref<512xi32, #tpu.memory_space<hbm>>
    tpu.enqueue_dma source(%dma_start3A_154 : memref<512xi32, #tpu.memory_space<hbm>>) target(%dma_start3A_152 : memref<512xi32, #tpu.memory_space<vmem>>) target_semaphore(%arg7 : memref<!tpu.dma_semaphore, #tpu.memory_space<semaphore_mem>>)
    %dma_start3A_155 = arith.constant 17 : i32
    %dma_start3A_156 = arith.constant 8704 : i32
    %dma_start3A_157 = tpu.memref_slice %arg5[%dma_start3A_156] : memref<13312xi32, #tpu.memory_space<vmem>> -> memref<512xi32, #tpu.memory_space<vmem>>
    %dma_start3A_158 = tpu.memref_slice %arg2[%dma_start3A_155, %mul3A_2] : memref<26x16384xi32, #tpu.memory_space<hbm>> -> memref<1x512xi32, #tpu.memory_space<hbm>>
    %dma_start3A_159 = tpu.memref_squeeze %dma_start3A_158 : memref<1x512xi32, #tpu.memory_space<hbm>> -> memref<512xi32, #tpu.memory_space<hbm>>
    %dma_start3A_160 = arith.constant 8704 : i32
    %dma_start3A_161 = tpu.memref_slice %arg5[%dma_start3A_160] : memref<13312xi32, #tpu.memory_space<vmem>> -> memref<512xi32, #tpu.memory_space<vmem>>
    %dma_start3A_162 = tpu.memref_slice %arg2[%dma_start3A_155, %mul3A_2] : memref<26x16384xi32, #tpu.memory_space<hbm>> -> memref<1x512xi32, #tpu.memory_space<hbm>>
    %dma_start3A_163 = tpu.memref_squeeze %dma_start3A_162 : memref<1x512xi32, #tpu.memory_space<hbm>> -> memref<512xi32, #tpu.memory_space<hbm>>
    tpu.enqueue_dma source(%dma_start3A_163 : memref<512xi32, #tpu.memory_space<hbm>>) target(%dma_start3A_161 : memref<512xi32, #tpu.memory_space<vmem>>) target_semaphore(%arg7 : memref<!tpu.dma_semaphore, #tpu.memory_space<semaphore_mem>>)
    %dma_start3A_164 = arith.constant 18 : i32
    %dma_start3A_165 = arith.constant 9216 : i32
    %dma_start3A_166 = tpu.memref_slice %arg5[%dma_start3A_165] : memref<13312xi32, #tpu.memory_space<vmem>> -> memref<512xi32, #tpu.memory_space<vmem>>
    %dma_start3A_167 = tpu.memref_slice %arg2[%dma_start3A_164, %mul3A_2] : memref<26x16384xi32, #tpu.memory_space<hbm>> -> memref<1x512xi32, #tpu.memory_space<hbm>>
    %dma_start3A_168 = tpu.memref_squeeze %dma_start3A_167 : memref<1x512xi32, #tpu.memory_space<hbm>> -> memref<512xi32, #tpu.memory_space<hbm>>
    %dma_start3A_169 = arith.constant 9216 : i32
    %dma_start3A_170 = tpu.memref_slice %arg5[%dma_start3A_169] : memref<13312xi32, #tpu.memory_space<vmem>> -> memref<512xi32, #tpu.memory_space<vmem>>
    %dma_start3A_171 = tpu.memref_slice %arg2[%dma_start3A_164, %mul3A_2] : memref<26x16384xi32, #tpu.memory_space<hbm>> -> memref<1x512xi32, #tpu.memory_space<hbm>>
    %dma_start3A_172 = tpu.memref_squeeze %dma_start3A_171 : memref<1x512xi32, #tpu.memory_space<hbm>> -> memref<512xi32, #tpu.memory_space<hbm>>
    tpu.enqueue_dma source(%dma_start3A_172 : memref<512xi32, #tpu.memory_space<hbm>>) target(%dma_start3A_170 : memref<512xi32, #tpu.memory_space<vmem>>) target_semaphore(%arg7 : memref<!tpu.dma_semaphore, #tpu.memory_space<semaphore_mem>>)
    %dma_start3A_173 = arith.constant 19 : i32
    %dma_start3A_174 = arith.constant 9728 : i32
    %dma_start3A_175 = tpu.memref_slice %arg5[%dma_start3A_174] : memref<13312xi32, #tpu.memory_space<vmem>> -> memref<512xi32, #tpu.memory_space<vmem>>
    %dma_start3A_176 = tpu.memref_slice %arg2[%dma_start3A_173, %mul3A_2] : memref<26x16384xi32, #tpu.memory_space<hbm>> -> memref<1x512xi32, #tpu.memory_space<hbm>>
    %dma_start3A_177 = tpu.memref_squeeze %dma_start3A_176 : memref<1x512xi32, #tpu.memory_space<hbm>> -> memref<512xi32, #tpu.memory_space<hbm>>
    %dma_start3A_178 = arith.constant 9728 : i32
    %dma_start3A_179 = tpu.memref_slice %arg5[%dma_start3A_178] : memref<13312xi32, #tpu.memory_space<vmem>> -> memref<512xi32, #tpu.memory_space<vmem>>
    %dma_start3A_180 = tpu.memref_slice %arg2[%dma_start3A_173, %mul3A_2] : memref<26x16384xi32, #tpu.memory_space<hbm>> -> memref<1x512xi32, #tpu.memory_space<hbm>>
    %dma_start3A_181 = tpu.memref_squeeze %dma_start3A_180 : memref<1x512xi32, #tpu.memory_space<hbm>> -> memref<512xi32, #tpu.memory_space<hbm>>
    tpu.enqueue_dma source(%dma_start3A_181 : memref<512xi32, #tpu.memory_space<hbm>>) target(%dma_start3A_179 : memref<512xi32, #tpu.memory_space<vmem>>) target_semaphore(%arg7 : memref<!tpu.dma_semaphore, #tpu.memory_space<semaphore_mem>>)
    %dma_start3A_182 = arith.constant 20 : i32
    %dma_start3A_183 = arith.constant 10240 : i32
    %dma_start3A_184 = tpu.memref_slice %arg5[%dma_start3A_183] : memref<13312xi32, #tpu.memory_space<vmem>> -> memref<512xi32, #tpu.memory_space<vmem>>
    %dma_start3A_185 = tpu.memref_slice %arg2[%dma_start3A_182, %mul3A_2] : memref<26x16384xi32, #tpu.memory_space<hbm>> -> memref<1x512xi32, #tpu.memory_space<hbm>>
    %dma_start3A_186 = tpu.memref_squeeze %dma_start3A_185 : memref<1x512xi32, #tpu.memory_space<hbm>> -> memref<512xi32, #tpu.memory_space<hbm>>
    %dma_start3A_187 = arith.constant 10240 : i32
    %dma_start3A_188 = tpu.memref_slice %arg5[%dma_start3A_187] : memref<13312xi32, #tpu.memory_space<vmem>> -> memref<512xi32, #tpu.memory_space<vmem>>
    %dma_start3A_189 = tpu.memref_slice %arg2[%dma_start3A_182, %mul3A_2] : memref<26x16384xi32, #tpu.memory_space<hbm>> -> memref<1x512xi32, #tpu.memory_space<hbm>>
    %dma_start3A_190 = tpu.memref_squeeze %dma_start3A_189 : memref<1x512xi32, #tpu.memory_space<hbm>> -> memref<512xi32, #tpu.memory_space<hbm>>
    tpu.enqueue_dma source(%dma_start3A_190 : memref<512xi32, #tpu.memory_space<hbm>>) target(%dma_start3A_188 : memref<512xi32, #tpu.memory_space<vmem>>) target_semaphore(%arg7 : memref<!tpu.dma_semaphore, #tpu.memory_space<semaphore_mem>>)
    %dma_start3A_191 = arith.constant 21 : i32
    %dma_start3A_192 = arith.constant 10752 : i32
    %dma_start3A_193 = tpu.memref_slice %arg5[%dma_start3A_192] : memref<13312xi32, #tpu.memory_space<vmem>> -> memref<512xi32, #tpu.memory_space<vmem>>
    %dma_start3A_194 = tpu.memref_slice %arg2[%dma_start3A_191, %mul3A_2] : memref<26x16384xi32, #tpu.memory_space<hbm>> -> memref<1x512xi32, #tpu.memory_space<hbm>>
    %dma_start3A_195 = tpu.memref_squeeze %dma_start3A_194 : memref<1x512xi32, #tpu.memory_space<hbm>> -> memref<512xi32, #tpu.memory_space<hbm>>
    %dma_start3A_196 = arith.constant 10752 : i32
    %dma_start3A_197 = tpu.memref_slice %arg5[%dma_start3A_196] : memref<13312xi32, #tpu.memory_space<vmem>> -> memref<512xi32, #tpu.memory_space<vmem>>
    %dma_start3A_198 = tpu.memref_slice %arg2[%dma_start3A_191, %mul3A_2] : memref<26x16384xi32, #tpu.memory_space<hbm>> -> memref<1x512xi32, #tpu.memory_space<hbm>>
    %dma_start3A_199 = tpu.memref_squeeze %dma_start3A_198 : memref<1x512xi32, #tpu.memory_space<hbm>> -> memref<512xi32, #tpu.memory_space<hbm>>
    tpu.enqueue_dma source(%dma_start3A_199 : memref<512xi32, #tpu.memory_space<hbm>>) target(%dma_start3A_197 : memref<512xi32, #tpu.memory_space<vmem>>) target_semaphore(%arg7 : memref<!tpu.dma_semaphore, #tpu.memory_space<semaphore_mem>>)
    %dma_start3A_200 = arith.constant 22 : i32
    %dma_start3A_201 = arith.constant 11264 : i32
    %dma_start3A_202 = tpu.memref_slice %arg5[%dma_start3A_201] : memref<13312xi32, #tpu.memory_space<vmem>> -> memref<512xi32, #tpu.memory_space<vmem>>
    %dma_start3A_203 = tpu.memref_slice %arg2[%dma_start3A_200, %mul3A_2] : memref<26x16384xi32, #tpu.memory_space<hbm>> -> memref<1x512xi32, #tpu.memory_space<hbm>>
    %dma_start3A_204 = tpu.memref_squeeze %dma_start3A_203 : memref<1x512xi32, #tpu.memory_space<hbm>> -> memref<512xi32, #tpu.memory_space<hbm>>
    %dma_start3A_205 = arith.constant 11264 : i32
    %dma_start3A_206 = tpu.memref_slice %arg5[%dma_start3A_205] : memref<13312xi32, #tpu.memory_space<vmem>> -> memref<512xi32, #tpu.memory_space<vmem>>
    %dma_start3A_207 = tpu.memref_slice %arg2[%dma_start3A_200, %mul3A_2] : memref<26x16384xi32, #tpu.memory_space<hbm>> -> memref<1x512xi32, #tpu.memory_space<hbm>>
    %dma_start3A_208 = tpu.memref_squeeze %dma_start3A_207 : memref<1x512xi32, #tpu.memory_space<hbm>> -> memref<512xi32, #tpu.memory_space<hbm>>
    tpu.enqueue_dma source(%dma_start3A_208 : memref<512xi32, #tpu.memory_space<hbm>>) target(%dma_start3A_206 : memref<512xi32, #tpu.memory_space<vmem>>) target_semaphore(%arg7 : memref<!tpu.dma_semaphore, #tpu.memory_space<semaphore_mem>>)
    %dma_start3A_209 = arith.constant 23 : i32
    %dma_start3A_210 = arith.constant 11776 : i32
    %dma_start3A_211 = tpu.memref_slice %arg5[%dma_start3A_210] : memref<13312xi32, #tpu.memory_space<vmem>> -> memref<512xi32, #tpu.memory_space<vmem>>
    %dma_start3A_212 = tpu.memref_slice %arg2[%dma_start3A_209, %mul3A_2] : memref<26x16384xi32, #tpu.memory_space<hbm>> -> memref<1x512xi32, #tpu.memory_space<hbm>>
    %dma_start3A_213 = tpu.memref_squeeze %dma_start3A_212 : memref<1x512xi32, #tpu.memory_space<hbm>> -> memref<512xi32, #tpu.memory_space<hbm>>
    %dma_start3A_214 = arith.constant 11776 : i32
    %dma_start3A_215 = tpu.memref_slice %arg5[%dma_start3A_214] : memref<13312xi32, #tpu.memory_space<vmem>> -> memref<512xi32, #tpu.memory_space<vmem>>
    %dma_start3A_216 = tpu.memref_slice %arg2[%dma_start3A_209, %mul3A_2] : memref<26x16384xi32, #tpu.memory_space<hbm>> -> memref<1x512xi32, #tpu.memory_space<hbm>>
    %dma_start3A_217 = tpu.memref_squeeze %dma_start3A_216 : memref<1x512xi32, #tpu.memory_space<hbm>> -> memref<512xi32, #tpu.memory_space<hbm>>
    tpu.enqueue_dma source(%dma_start3A_217 : memref<512xi32, #tpu.memory_space<hbm>>) target(%dma_start3A_215 : memref<512xi32, #tpu.memory_space<vmem>>) target_semaphore(%arg7 : memref<!tpu.dma_semaphore, #tpu.memory_space<semaphore_mem>>)
    %dma_start3A_218 = arith.constant 24 : i32
    %dma_start3A_219 = arith.constant 12288 : i32
    %dma_start3A_220 = tpu.memref_slice %arg5[%dma_start3A_219] : memref<13312xi32, #tpu.memory_space<vmem>> -> memref<512xi32, #tpu.memory_space<vmem>>
    %dma_start3A_221 = tpu.memref_slice %arg2[%dma_start3A_218, %mul3A_2] : memref<26x16384xi32, #tpu.memory_space<hbm>> -> memref<1x512xi32, #tpu.memory_space<hbm>>
    %dma_start3A_222 = tpu.memref_squeeze %dma_start3A_221 : memref<1x512xi32, #tpu.memory_space<hbm>> -> memref<512xi32, #tpu.memory_space<hbm>>
    %dma_start3A_223 = arith.constant 12288 : i32
    %dma_start3A_224 = tpu.memref_slice %arg5[%dma_start3A_223] : memref<13312xi32, #tpu.memory_space<vmem>> -> memref<512xi32, #tpu.memory_space<vmem>>
    %dma_start3A_225 = tpu.memref_slice %arg2[%dma_start3A_218, %mul3A_2] : memref<26x16384xi32, #tpu.memory_space<hbm>> -> memref<1x512xi32, #tpu.memory_space<hbm>>
    %dma_start3A_226 = tpu.memref_squeeze %dma_start3A_225 : memref<1x512xi32, #tpu.memory_space<hbm>> -> memref<512xi32, #tpu.memory_space<hbm>>
    tpu.enqueue_dma source(%dma_start3A_226 : memref<512xi32, #tpu.memory_space<hbm>>) target(%dma_start3A_224 : memref<512xi32, #tpu.memory_space<vmem>>) target_semaphore(%arg7 : memref<!tpu.dma_semaphore, #tpu.memory_space<semaphore_mem>>)
    %dma_start3A_227 = arith.constant 25 : i32
    %dma_start3A_228 = arith.constant 12800 : i32
    %dma_start3A_229 = tpu.memref_slice %arg5[%dma_start3A_228] : memref<13312xi32, #tpu.memory_space<vmem>> -> memref<512xi32, #tpu.memory_space<vmem>>
    %dma_start3A_230 = tpu.memref_slice %arg2[%dma_start3A_227, %mul3A_2] : memref<26x16384xi32, #tpu.memory_space<hbm>> -> memref<1x512xi32, #tpu.memory_space<hbm>>
    %dma_start3A_231 = tpu.memref_squeeze %dma_start3A_230 : memref<1x512xi32, #tpu.memory_space<hbm>> -> memref<512xi32, #tpu.memory_space<hbm>>
    %dma_start3A_232 = arith.constant 12800 : i32
    %dma_start3A_233 = tpu.memref_slice %arg5[%dma_start3A_232] : memref<13312xi32, #tpu.memory_space<vmem>> -> memref<512xi32, #tpu.memory_space<vmem>>
    %dma_start3A_234 = tpu.memref_slice %arg2[%dma_start3A_227, %mul3A_2] : memref<26x16384xi32, #tpu.memory_space<hbm>> -> memref<1x512xi32, #tpu.memory_space<hbm>>
    %dma_start3A_235 = tpu.memref_squeeze %dma_start3A_234 : memref<1x512xi32, #tpu.memory_space<hbm>> -> memref<512xi32, #tpu.memory_space<hbm>>
    tpu.enqueue_dma source(%dma_start3A_235 : memref<512xi32, #tpu.memory_space<hbm>>) target(%dma_start3A_233 : memref<512xi32, #tpu.memory_space<vmem>>) target_semaphore(%arg7 : memref<!tpu.dma_semaphore, #tpu.memory_space<semaphore_mem>>)
    %dma_wait3A = arith.constant 0 : i32
    %dma_wait3A_236 = arith.constant 0 : i32
    %dma_wait3A_237 = tpu.memref_slice %arg5[%dma_wait3A_236] : memref<13312xi32, #tpu.memory_space<vmem>> -> memref<512xi32, #tpu.memory_space<vmem>>
    %dma_wait3A_238 = tpu.memref_slice %arg2[%dma_wait3A, %mul3A_2] : memref<26x16384xi32, #tpu.memory_space<hbm>> -> memref<1x512xi32, #tpu.memory_space<hbm>>
    %dma_wait3A_239 = tpu.memref_squeeze %dma_wait3A_238 : memref<1x512xi32, #tpu.memory_space<hbm>> -> memref<512xi32, #tpu.memory_space<hbm>>
    %dma_wait3A_240 = arith.constant 0 : i32
    %dma_wait3A_241 = tpu.memref_slice %arg5[%dma_wait3A_240] : memref<13312xi32, #tpu.memory_space<vmem>> -> memref<512xi32, #tpu.memory_space<vmem>>
    %dma_wait3A_242 = tpu.memref_slice %arg2[%dma_wait3A, %mul3A_2] : memref<26x16384xi32, #tpu.memory_space<hbm>> -> memref<1x512xi32, #tpu.memory_space<hbm>>
    %dma_wait3A_243 = tpu.memref_squeeze %dma_wait3A_242 : memref<1x512xi32, #tpu.memory_space<hbm>> -> memref<512xi32, #tpu.memory_space<hbm>>
    tpu.wait_dma2 semaphore(%arg7 : memref<!tpu.dma_semaphore, #tpu.memory_space<semaphore_mem>>) src(%dma_wait3A_243 : memref<512xi32, #tpu.memory_space<hbm>>) dst(%dma_wait3A_241 : memref<512xi32, #tpu.memory_space<vmem>>)
    %dma_wait3A_244 = arith.constant 1 : i32
    %dma_wait3A_245 = arith.constant 512 : i32
    %dma_wait3A_246 = tpu.memref_slice %arg5[%dma_wait3A_245] : memref<13312xi32, #tpu.memory_space<vmem>> -> memref<512xi32, #tpu.memory_space<vmem>>
    %dma_wait3A_247 = tpu.memref_slice %arg2[%dma_wait3A_244, %mul3A_2] : memref<26x16384xi32, #tpu.memory_space<hbm>> -> memref<1x512xi32, #tpu.memory_space<hbm>>
    %dma_wait3A_248 = tpu.memref_squeeze %dma_wait3A_247 : memref<1x512xi32, #tpu.memory_space<hbm>> -> memref<512xi32, #tpu.memory_space<hbm>>
    %dma_wait3A_249 = arith.constant 512 : i32
    %dma_wait3A_250 = tpu.memref_slice %arg5[%dma_wait3A_249] : memref<13312xi32, #tpu.memory_space<vmem>> -> memref<512xi32, #tpu.memory_space<vmem>>
    %dma_wait3A_251 = tpu.memref_slice %arg2[%dma_wait3A_244, %mul3A_2] : memref<26x16384xi32, #tpu.memory_space<hbm>> -> memref<1x512xi32, #tpu.memory_space<hbm>>
    %dma_wait3A_252 = tpu.memref_squeeze %dma_wait3A_251 : memref<1x512xi32, #tpu.memory_space<hbm>> -> memref<512xi32, #tpu.memory_space<hbm>>
    tpu.wait_dma2 semaphore(%arg7 : memref<!tpu.dma_semaphore, #tpu.memory_space<semaphore_mem>>) src(%dma_wait3A_252 : memref<512xi32, #tpu.memory_space<hbm>>) dst(%dma_wait3A_250 : memref<512xi32, #tpu.memory_space<vmem>>)
    %dma_wait3A_253 = arith.constant 2 : i32
    %dma_wait3A_254 = arith.constant 1024 : i32
    %dma_wait3A_255 = tpu.memref_slice %arg5[%dma_wait3A_254] : memref<13312xi32, #tpu.memory_space<vmem>> -> memref<512xi32, #tpu.memory_space<vmem>>
    %dma_wait3A_256 = tpu.memref_slice %arg2[%dma_wait3A_253, %mul3A_2] : memref<26x16384xi32, #tpu.memory_space<hbm>> -> memref<1x512xi32, #tpu.memory_space<hbm>>
    %dma_wait3A_257 = tpu.memref_squeeze %dma_wait3A_256 : memref<1x512xi32, #tpu.memory_space<hbm>> -> memref<512xi32, #tpu.memory_space<hbm>>
    %dma_wait3A_258 = arith.constant 1024 : i32
    %dma_wait3A_259 = tpu.memref_slice %arg5[%dma_wait3A_258] : memref<13312xi32, #tpu.memory_space<vmem>> -> memref<512xi32, #tpu.memory_space<vmem>>
    %dma_wait3A_260 = tpu.memref_slice %arg2[%dma_wait3A_253, %mul3A_2] : memref<26x16384xi32, #tpu.memory_space<hbm>> -> memref<1x512xi32, #tpu.memory_space<hbm>>
    %dma_wait3A_261 = tpu.memref_squeeze %dma_wait3A_260 : memref<1x512xi32, #tpu.memory_space<hbm>> -> memref<512xi32, #tpu.memory_space<hbm>>
    tpu.wait_dma2 semaphore(%arg7 : memref<!tpu.dma_semaphore, #tpu.memory_space<semaphore_mem>>) src(%dma_wait3A_261 : memref<512xi32, #tpu.memory_space<hbm>>) dst(%dma_wait3A_259 : memref<512xi32, #tpu.memory_space<vmem>>)
    %dma_wait3A_262 = arith.constant 3 : i32
    %dma_wait3A_263 = arith.constant 1536 : i32
    %dma_wait3A_264 = tpu.memref_slice %arg5[%dma_wait3A_263] : memref<13312xi32, #tpu.memory_space<vmem>> -> memref<512xi32, #tpu.memory_space<vmem>>
    %dma_wait3A_265 = tpu.memref_slice %arg2[%dma_wait3A_262, %mul3A_2] : memref<26x16384xi32, #tpu.memory_space<hbm>> -> memref<1x512xi32, #tpu.memory_space<hbm>>
    %dma_wait3A_266 = tpu.memref_squeeze %dma_wait3A_265 : memref<1x512xi32, #tpu.memory_space<hbm>> -> memref<512xi32, #tpu.memory_space<hbm>>
    %dma_wait3A_267 = arith.constant 1536 : i32
    %dma_wait3A_268 = tpu.memref_slice %arg5[%dma_wait3A_267] : memref<13312xi32, #tpu.memory_space<vmem>> -> memref<512xi32, #tpu.memory_space<vmem>>
    %dma_wait3A_269 = tpu.memref_slice %arg2[%dma_wait3A_262, %mul3A_2] : memref<26x16384xi32, #tpu.memory_space<hbm>> -> memref<1x512xi32, #tpu.memory_space<hbm>>
    %dma_wait3A_270 = tpu.memref_squeeze %dma_wait3A_269 : memref<1x512xi32, #tpu.memory_space<hbm>> -> memref<512xi32, #tpu.memory_space<hbm>>
    tpu.wait_dma2 semaphore(%arg7 : memref<!tpu.dma_semaphore, #tpu.memory_space<semaphore_mem>>) src(%dma_wait3A_270 : memref<512xi32, #tpu.memory_space<hbm>>) dst(%dma_wait3A_268 : memref<512xi32, #tpu.memory_space<vmem>>)
    %dma_wait3A_271 = arith.constant 4 : i32
    %dma_wait3A_272 = arith.constant 2048 : i32
    %dma_wait3A_273 = tpu.memref_slice %arg5[%dma_wait3A_272] : memref<13312xi32, #tpu.memory_space<vmem>> -> memref<512xi32, #tpu.memory_space<vmem>>
    %dma_wait3A_274 = tpu.memref_slice %arg2[%dma_wait3A_271, %mul3A_2] : memref<26x16384xi32, #tpu.memory_space<hbm>> -> memref<1x512xi32, #tpu.memory_space<hbm>>
    %dma_wait3A_275 = tpu.memref_squeeze %dma_wait3A_274 : memref<1x512xi32, #tpu.memory_space<hbm>> -> memref<512xi32, #tpu.memory_space<hbm>>
    %dma_wait3A_276 = arith.constant 2048 : i32
    %dma_wait3A_277 = tpu.memref_slice %arg5[%dma_wait3A_276] : memref<13312xi32, #tpu.memory_space<vmem>> -> memref<512xi32, #tpu.memory_space<vmem>>
    %dma_wait3A_278 = tpu.memref_slice %arg2[%dma_wait3A_271, %mul3A_2] : memref<26x16384xi32, #tpu.memory_space<hbm>> -> memref<1x512xi32, #tpu.memory_space<hbm>>
    %dma_wait3A_279 = tpu.memref_squeeze %dma_wait3A_278 : memref<1x512xi32, #tpu.memory_space<hbm>> -> memref<512xi32, #tpu.memory_space<hbm>>
    tpu.wait_dma2 semaphore(%arg7 : memref<!tpu.dma_semaphore, #tpu.memory_space<semaphore_mem>>) src(%dma_wait3A_279 : memref<512xi32, #tpu.memory_space<hbm>>) dst(%dma_wait3A_277 : memref<512xi32, #tpu.memory_space<vmem>>)
    %dma_wait3A_280 = arith.constant 5 : i32
    %dma_wait3A_281 = arith.constant 2560 : i32
    %dma_wait3A_282 = tpu.memref_slice %arg5[%dma_wait3A_281] : memref<13312xi32, #tpu.memory_space<vmem>> -> memref<512xi32, #tpu.memory_space<vmem>>
    %dma_wait3A_283 = tpu.memref_slice %arg2[%dma_wait3A_280, %mul3A_2] : memref<26x16384xi32, #tpu.memory_space<hbm>> -> memref<1x512xi32, #tpu.memory_space<hbm>>
    %dma_wait3A_284 = tpu.memref_squeeze %dma_wait3A_283 : memref<1x512xi32, #tpu.memory_space<hbm>> -> memref<512xi32, #tpu.memory_space<hbm>>
    %dma_wait3A_285 = arith.constant 2560 : i32
    %dma_wait3A_286 = tpu.memref_slice %arg5[%dma_wait3A_285] : memref<13312xi32, #tpu.memory_space<vmem>> -> memref<512xi32, #tpu.memory_space<vmem>>
    %dma_wait3A_287 = tpu.memref_slice %arg2[%dma_wait3A_280, %mul3A_2] : memref<26x16384xi32, #tpu.memory_space<hbm>> -> memref<1x512xi32, #tpu.memory_space<hbm>>
    %dma_wait3A_288 = tpu.memref_squeeze %dma_wait3A_287 : memref<1x512xi32, #tpu.memory_space<hbm>> -> memref<512xi32, #tpu.memory_space<hbm>>
    tpu.wait_dma2 semaphore(%arg7 : memref<!tpu.dma_semaphore, #tpu.memory_space<semaphore_mem>>) src(%dma_wait3A_288 : memref<512xi32, #tpu.memory_space<hbm>>) dst(%dma_wait3A_286 : memref<512xi32, #tpu.memory_space<vmem>>)
    %dma_wait3A_289 = arith.constant 6 : i32
    %dma_wait3A_290 = arith.constant 3072 : i32
    %dma_wait3A_291 = tpu.memref_slice %arg5[%dma_wait3A_290] : memref<13312xi32, #tpu.memory_space<vmem>> -> memref<512xi32, #tpu.memory_space<vmem>>
    %dma_wait3A_292 = tpu.memref_slice %arg2[%dma_wait3A_289, %mul3A_2] : memref<26x16384xi32, #tpu.memory_space<hbm>> -> memref<1x512xi32, #tpu.memory_space<hbm>>
    %dma_wait3A_293 = tpu.memref_squeeze %dma_wait3A_292 : memref<1x512xi32, #tpu.memory_space<hbm>> -> memref<512xi32, #tpu.memory_space<hbm>>
    %dma_wait3A_294 = arith.constant 3072 : i32
    %dma_wait3A_295 = tpu.memref_slice %arg5[%dma_wait3A_294] : memref<13312xi32, #tpu.memory_space<vmem>> -> memref<512xi32, #tpu.memory_space<vmem>>
    %dma_wait3A_296 = tpu.memref_slice %arg2[%dma_wait3A_289, %mul3A_2] : memref<26x16384xi32, #tpu.memory_space<hbm>> -> memref<1x512xi32, #tpu.memory_space<hbm>>
    %dma_wait3A_297 = tpu.memref_squeeze %dma_wait3A_296 : memref<1x512xi32, #tpu.memory_space<hbm>> -> memref<512xi32, #tpu.memory_space<hbm>>
    tpu.wait_dma2 semaphore(%arg7 : memref<!tpu.dma_semaphore, #tpu.memory_space<semaphore_mem>>) src(%dma_wait3A_297 : memref<512xi32, #tpu.memory_space<hbm>>) dst(%dma_wait3A_295 : memref<512xi32, #tpu.memory_space<vmem>>)
    %dma_wait3A_298 = arith.constant 7 : i32
    %dma_wait3A_299 = arith.constant 3584 : i32
    %dma_wait3A_300 = tpu.memref_slice %arg5[%dma_wait3A_299] : memref<13312xi32, #tpu.memory_space<vmem>> -> memref<512xi32, #tpu.memory_space<vmem>>
    %dma_wait3A_301 = tpu.memref_slice %arg2[%dma_wait3A_298, %mul3A_2] : memref<26x16384xi32, #tpu.memory_space<hbm>> -> memref<1x512xi32, #tpu.memory_space<hbm>>
    %dma_wait3A_302 = tpu.memref_squeeze %dma_wait3A_301 : memref<1x512xi32, #tpu.memory_space<hbm>> -> memref<512xi32, #tpu.memory_space<hbm>>
    %dma_wait3A_303 = arith.constant 3584 : i32
    %dma_wait3A_304 = tpu.memref_slice %arg5[%dma_wait3A_303] : memref<13312xi32, #tpu.memory_space<vmem>> -> memref<512xi32, #tpu.memory_space<vmem>>
    %dma_wait3A_305 = tpu.memref_slice %arg2[%dma_wait3A_298, %mul3A_2] : memref<26x16384xi32, #tpu.memory_space<hbm>> -> memref<1x512xi32, #tpu.memory_space<hbm>>
    %dma_wait3A_306 = tpu.memref_squeeze %dma_wait3A_305 : memref<1x512xi32, #tpu.memory_space<hbm>> -> memref<512xi32, #tpu.memory_space<hbm>>
    tpu.wait_dma2 semaphore(%arg7 : memref<!tpu.dma_semaphore, #tpu.memory_space<semaphore_mem>>) src(%dma_wait3A_306 : memref<512xi32, #tpu.memory_space<hbm>>) dst(%dma_wait3A_304 : memref<512xi32, #tpu.memory_space<vmem>>)
    %dma_wait3A_307 = arith.constant 8 : i32
    %dma_wait3A_308 = arith.constant 4096 : i32
    %dma_wait3A_309 = tpu.memref_slice %arg5[%dma_wait3A_308] : memref<13312xi32, #tpu.memory_space<vmem>> -> memref<512xi32, #tpu.memory_space<vmem>>
    %dma_wait3A_310 = tpu.memref_slice %arg2[%dma_wait3A_307, %mul3A_2] : memref<26x16384xi32, #tpu.memory_space<hbm>> -> memref<1x512xi32, #tpu.memory_space<hbm>>
    %dma_wait3A_311 = tpu.memref_squeeze %dma_wait3A_310 : memref<1x512xi32, #tpu.memory_space<hbm>> -> memref<512xi32, #tpu.memory_space<hbm>>
    %dma_wait3A_312 = arith.constant 4096 : i32
    %dma_wait3A_313 = tpu.memref_slice %arg5[%dma_wait3A_312] : memref<13312xi32, #tpu.memory_space<vmem>> -> memref<512xi32, #tpu.memory_space<vmem>>
    %dma_wait3A_314 = tpu.memref_slice %arg2[%dma_wait3A_307, %mul3A_2] : memref<26x16384xi32, #tpu.memory_space<hbm>> -> memref<1x512xi32, #tpu.memory_space<hbm>>
    %dma_wait3A_315 = tpu.memref_squeeze %dma_wait3A_314 : memref<1x512xi32, #tpu.memory_space<hbm>> -> memref<512xi32, #tpu.memory_space<hbm>>
    tpu.wait_dma2 semaphore(%arg7 : memref<!tpu.dma_semaphore, #tpu.memory_space<semaphore_mem>>) src(%dma_wait3A_315 : memref<512xi32, #tpu.memory_space<hbm>>) dst(%dma_wait3A_313 : memref<512xi32, #tpu.memory_space<vmem>>)
    %dma_wait3A_316 = arith.constant 9 : i32
    %dma_wait3A_317 = arith.constant 4608 : i32
    %dma_wait3A_318 = tpu.memref_slice %arg5[%dma_wait3A_317] : memref<13312xi32, #tpu.memory_space<vmem>> -> memref<512xi32, #tpu.memory_space<vmem>>
    %dma_wait3A_319 = tpu.memref_slice %arg2[%dma_wait3A_316, %mul3A_2] : memref<26x16384xi32, #tpu.memory_space<hbm>> -> memref<1x512xi32, #tpu.memory_space<hbm>>
    %dma_wait3A_320 = tpu.memref_squeeze %dma_wait3A_319 : memref<1x512xi32, #tpu.memory_space<hbm>> -> memref<512xi32, #tpu.memory_space<hbm>>
    %dma_wait3A_321 = arith.constant 4608 : i32
    %dma_wait3A_322 = tpu.memref_slice %arg5[%dma_wait3A_321] : memref<13312xi32, #tpu.memory_space<vmem>> -> memref<512xi32, #tpu.memory_space<vmem>>
    %dma_wait3A_323 = tpu.memref_slice %arg2[%dma_wait3A_316, %mul3A_2] : memref<26x16384xi32, #tpu.memory_space<hbm>> -> memref<1x512xi32, #tpu.memory_space<hbm>>
    %dma_wait3A_324 = tpu.memref_squeeze %dma_wait3A_323 : memref<1x512xi32, #tpu.memory_space<hbm>> -> memref<512xi32, #tpu.memory_space<hbm>>
    tpu.wait_dma2 semaphore(%arg7 : memref<!tpu.dma_semaphore, #tpu.memory_space<semaphore_mem>>) src(%dma_wait3A_324 : memref<512xi32, #tpu.memory_space<hbm>>) dst(%dma_wait3A_322 : memref<512xi32, #tpu.memory_space<vmem>>)
    %dma_wait3A_325 = arith.constant 10 : i32
    %dma_wait3A_326 = arith.constant 5120 : i32
    %dma_wait3A_327 = tpu.memref_slice %arg5[%dma_wait3A_326] : memref<13312xi32, #tpu.memory_space<vmem>> -> memref<512xi32, #tpu.memory_space<vmem>>
    %dma_wait3A_328 = tpu.memref_slice %arg2[%dma_wait3A_325, %mul3A_2] : memref<26x16384xi32, #tpu.memory_space<hbm>> -> memref<1x512xi32, #tpu.memory_space<hbm>>
    %dma_wait3A_329 = tpu.memref_squeeze %dma_wait3A_328 : memref<1x512xi32, #tpu.memory_space<hbm>> -> memref<512xi32, #tpu.memory_space<hbm>>
    %dma_wait3A_330 = arith.constant 5120 : i32
    %dma_wait3A_331 = tpu.memref_slice %arg5[%dma_wait3A_330] : memref<13312xi32, #tpu.memory_space<vmem>> -> memref<512xi32, #tpu.memory_space<vmem>>
    %dma_wait3A_332 = tpu.memref_slice %arg2[%dma_wait3A_325, %mul3A_2] : memref<26x16384xi32, #tpu.memory_space<hbm>> -> memref<1x512xi32, #tpu.memory_space<hbm>>
    %dma_wait3A_333 = tpu.memref_squeeze %dma_wait3A_332 : memref<1x512xi32, #tpu.memory_space<hbm>> -> memref<512xi32, #tpu.memory_space<hbm>>
    tpu.wait_dma2 semaphore(%arg7 : memref<!tpu.dma_semaphore, #tpu.memory_space<semaphore_mem>>) src(%dma_wait3A_333 : memref<512xi32, #tpu.memory_space<hbm>>) dst(%dma_wait3A_331 : memref<512xi32, #tpu.memory_space<vmem>>)
    %dma_wait3A_334 = arith.constant 11 : i32
    %dma_wait3A_335 = arith.constant 5632 : i32
    %dma_wait3A_336 = tpu.memref_slice %arg5[%dma_wait3A_335] : memref<13312xi32, #tpu.memory_space<vmem>> -> memref<512xi32, #tpu.memory_space<vmem>>
    %dma_wait3A_337 = tpu.memref_slice %arg2[%dma_wait3A_334, %mul3A_2] : memref<26x16384xi32, #tpu.memory_space<hbm>> -> memref<1x512xi32, #tpu.memory_space<hbm>>
    %dma_wait3A_338 = tpu.memref_squeeze %dma_wait3A_337 : memref<1x512xi32, #tpu.memory_space<hbm>> -> memref<512xi32, #tpu.memory_space<hbm>>
    %dma_wait3A_339 = arith.constant 5632 : i32
    %dma_wait3A_340 = tpu.memref_slice %arg5[%dma_wait3A_339] : memref<13312xi32, #tpu.memory_space<vmem>> -> memref<512xi32, #tpu.memory_space<vmem>>
    %dma_wait3A_341 = tpu.memref_slice %arg2[%dma_wait3A_334, %mul3A_2] : memref<26x16384xi32, #tpu.memory_space<hbm>> -> memref<1x512xi32, #tpu.memory_space<hbm>>
    %dma_wait3A_342 = tpu.memref_squeeze %dma_wait3A_341 : memref<1x512xi32, #tpu.memory_space<hbm>> -> memref<512xi32, #tpu.memory_space<hbm>>
    tpu.wait_dma2 semaphore(%arg7 : memref<!tpu.dma_semaphore, #tpu.memory_space<semaphore_mem>>) src(%dma_wait3A_342 : memref<512xi32, #tpu.memory_space<hbm>>) dst(%dma_wait3A_340 : memref<512xi32, #tpu.memory_space<vmem>>)
    %dma_wait3A_343 = arith.constant 12 : i32
    %dma_wait3A_344 = arith.constant 6144 : i32
    %dma_wait3A_345 = tpu.memref_slice %arg5[%dma_wait3A_344] : memref<13312xi32, #tpu.memory_space<vmem>> -> memref<512xi32, #tpu.memory_space<vmem>>
    %dma_wait3A_346 = tpu.memref_slice %arg2[%dma_wait3A_343, %mul3A_2] : memref<26x16384xi32, #tpu.memory_space<hbm>> -> memref<1x512xi32, #tpu.memory_space<hbm>>
    %dma_wait3A_347 = tpu.memref_squeeze %dma_wait3A_346 : memref<1x512xi32, #tpu.memory_space<hbm>> -> memref<512xi32, #tpu.memory_space<hbm>>
    %dma_wait3A_348 = arith.constant 6144 : i32
    %dma_wait3A_349 = tpu.memref_slice %arg5[%dma_wait3A_348] : memref<13312xi32, #tpu.memory_space<vmem>> -> memref<512xi32, #tpu.memory_space<vmem>>
    %dma_wait3A_350 = tpu.memref_slice %arg2[%dma_wait3A_343, %mul3A_2] : memref<26x16384xi32, #tpu.memory_space<hbm>> -> memref<1x512xi32, #tpu.memory_space<hbm>>
    %dma_wait3A_351 = tpu.memref_squeeze %dma_wait3A_350 : memref<1x512xi32, #tpu.memory_space<hbm>> -> memref<512xi32, #tpu.memory_space<hbm>>
    tpu.wait_dma2 semaphore(%arg7 : memref<!tpu.dma_semaphore, #tpu.memory_space<semaphore_mem>>) src(%dma_wait3A_351 : memref<512xi32, #tpu.memory_space<hbm>>) dst(%dma_wait3A_349 : memref<512xi32, #tpu.memory_space<vmem>>)
    %dma_wait3A_352 = arith.constant 13 : i32
    %dma_wait3A_353 = arith.constant 6656 : i32
    %dma_wait3A_354 = tpu.memref_slice %arg5[%dma_wait3A_353] : memref<13312xi32, #tpu.memory_space<vmem>> -> memref<512xi32, #tpu.memory_space<vmem>>
    %dma_wait3A_355 = tpu.memref_slice %arg2[%dma_wait3A_352, %mul3A_2] : memref<26x16384xi32, #tpu.memory_space<hbm>> -> memref<1x512xi32, #tpu.memory_space<hbm>>
    %dma_wait3A_356 = tpu.memref_squeeze %dma_wait3A_355 : memref<1x512xi32, #tpu.memory_space<hbm>> -> memref<512xi32, #tpu.memory_space<hbm>>
    %dma_wait3A_357 = arith.constant 6656 : i32
    %dma_wait3A_358 = tpu.memref_slice %arg5[%dma_wait3A_357] : memref<13312xi32, #tpu.memory_space<vmem>> -> memref<512xi32, #tpu.memory_space<vmem>>
    %dma_wait3A_359 = tpu.memref_slice %arg2[%dma_wait3A_352, %mul3A_2] : memref<26x16384xi32, #tpu.memory_space<hbm>> -> memref<1x512xi32, #tpu.memory_space<hbm>>
    %dma_wait3A_360 = tpu.memref_squeeze %dma_wait3A_359 : memref<1x512xi32, #tpu.memory_space<hbm>> -> memref<512xi32, #tpu.memory_space<hbm>>
    tpu.wait_dma2 semaphore(%arg7 : memref<!tpu.dma_semaphore, #tpu.memory_space<semaphore_mem>>) src(%dma_wait3A_360 : memref<512xi32, #tpu.memory_space<hbm>>) dst(%dma_wait3A_358 : memref<512xi32, #tpu.memory_space<vmem>>)
    %dma_wait3A_361 = arith.constant 14 : i32
    %dma_wait3A_362 = arith.constant 7168 : i32
    %dma_wait3A_363 = tpu.memref_slice %arg5[%dma_wait3A_362] : memref<13312xi32, #tpu.memory_space<vmem>> -> memref<512xi32, #tpu.memory_space<vmem>>
    %dma_wait3A_364 = tpu.memref_slice %arg2[%dma_wait3A_361, %mul3A_2] : memref<26x16384xi32, #tpu.memory_space<hbm>> -> memref<1x512xi32, #tpu.memory_space<hbm>>
    %dma_wait3A_365 = tpu.memref_squeeze %dma_wait3A_364 : memref<1x512xi32, #tpu.memory_space<hbm>> -> memref<512xi32, #tpu.memory_space<hbm>>
    %dma_wait3A_366 = arith.constant 7168 : i32
    %dma_wait3A_367 = tpu.memref_slice %arg5[%dma_wait3A_366] : memref<13312xi32, #tpu.memory_space<vmem>> -> memref<512xi32, #tpu.memory_space<vmem>>
    %dma_wait3A_368 = tpu.memref_slice %arg2[%dma_wait3A_361, %mul3A_2] : memref<26x16384xi32, #tpu.memory_space<hbm>> -> memref<1x512xi32, #tpu.memory_space<hbm>>
    %dma_wait3A_369 = tpu.memref_squeeze %dma_wait3A_368 : memref<1x512xi32, #tpu.memory_space<hbm>> -> memref<512xi32, #tpu.memory_space<hbm>>
    tpu.wait_dma2 semaphore(%arg7 : memref<!tpu.dma_semaphore, #tpu.memory_space<semaphore_mem>>) src(%dma_wait3A_369 : memref<512xi32, #tpu.memory_space<hbm>>) dst(%dma_wait3A_367 : memref<512xi32, #tpu.memory_space<vmem>>)
    %dma_wait3A_370 = arith.constant 15 : i32
    %dma_wait3A_371 = arith.constant 7680 : i32
    %dma_wait3A_372 = tpu.memref_slice %arg5[%dma_wait3A_371] : memref<13312xi32, #tpu.memory_space<vmem>> -> memref<512xi32, #tpu.memory_space<vmem>>
    %dma_wait3A_373 = tpu.memref_slice %arg2[%dma_wait3A_370, %mul3A_2] : memref<26x16384xi32, #tpu.memory_space<hbm>> -> memref<1x512xi32, #tpu.memory_space<hbm>>
    %dma_wait3A_374 = tpu.memref_squeeze %dma_wait3A_373 : memref<1x512xi32, #tpu.memory_space<hbm>> -> memref<512xi32, #tpu.memory_space<hbm>>
    %dma_wait3A_375 = arith.constant 7680 : i32
    %dma_wait3A_376 = tpu.memref_slice %arg5[%dma_wait3A_375] : memref<13312xi32, #tpu.memory_space<vmem>> -> memref<512xi32, #tpu.memory_space<vmem>>
    %dma_wait3A_377 = tpu.memref_slice %arg2[%dma_wait3A_370, %mul3A_2] : memref<26x16384xi32, #tpu.memory_space<hbm>> -> memref<1x512xi32, #tpu.memory_space<hbm>>
    %dma_wait3A_378 = tpu.memref_squeeze %dma_wait3A_377 : memref<1x512xi32, #tpu.memory_space<hbm>> -> memref<512xi32, #tpu.memory_space<hbm>>
    tpu.wait_dma2 semaphore(%arg7 : memref<!tpu.dma_semaphore, #tpu.memory_space<semaphore_mem>>) src(%dma_wait3A_378 : memref<512xi32, #tpu.memory_space<hbm>>) dst(%dma_wait3A_376 : memref<512xi32, #tpu.memory_space<vmem>>)
    %dma_wait3A_379 = arith.constant 16 : i32
    %dma_wait3A_380 = arith.constant 8192 : i32
    %dma_wait3A_381 = tpu.memref_slice %arg5[%dma_wait3A_380] : memref<13312xi32, #tpu.memory_space<vmem>> -> memref<512xi32, #tpu.memory_space<vmem>>
    %dma_wait3A_382 = tpu.memref_slice %arg2[%dma_wait3A_379, %mul3A_2] : memref<26x16384xi32, #tpu.memory_space<hbm>> -> memref<1x512xi32, #tpu.memory_space<hbm>>
    %dma_wait3A_383 = tpu.memref_squeeze %dma_wait3A_382 : memref<1x512xi32, #tpu.memory_space<hbm>> -> memref<512xi32, #tpu.memory_space<hbm>>
    %dma_wait3A_384 = arith.constant 8192 : i32
    %dma_wait3A_385 = tpu.memref_slice %arg5[%dma_wait3A_384] : memref<13312xi32, #tpu.memory_space<vmem>> -> memref<512xi32, #tpu.memory_space<vmem>>
    %dma_wait3A_386 = tpu.memref_slice %arg2[%dma_wait3A_379, %mul3A_2] : memref<26x16384xi32, #tpu.memory_space<hbm>> -> memref<1x512xi32, #tpu.memory_space<hbm>>
    %dma_wait3A_387 = tpu.memref_squeeze %dma_wait3A_386 : memref<1x512xi32, #tpu.memory_space<hbm>> -> memref<512xi32, #tpu.memory_space<hbm>>
    tpu.wait_dma2 semaphore(%arg7 : memref<!tpu.dma_semaphore, #tpu.memory_space<semaphore_mem>>) src(%dma_wait3A_387 : memref<512xi32, #tpu.memory_space<hbm>>) dst(%dma_wait3A_385 : memref<512xi32, #tpu.memory_space<vmem>>)
    %dma_wait3A_388 = arith.constant 17 : i32
    %dma_wait3A_389 = arith.constant 8704 : i32
    %dma_wait3A_390 = tpu.memref_slice %arg5[%dma_wait3A_389] : memref<13312xi32, #tpu.memory_space<vmem>> -> memref<512xi32, #tpu.memory_space<vmem>>
    %dma_wait3A_391 = tpu.memref_slice %arg2[%dma_wait3A_388, %mul3A_2] : memref<26x16384xi32, #tpu.memory_space<hbm>> -> memref<1x512xi32, #tpu.memory_space<hbm>>
    %dma_wait3A_392 = tpu.memref_squeeze %dma_wait3A_391 : memref<1x512xi32, #tpu.memory_space<hbm>> -> memref<512xi32, #tpu.memory_space<hbm>>
    %dma_wait3A_393 = arith.constant 8704 : i32
    %dma_wait3A_394 = tpu.memref_slice %arg5[%dma_wait3A_393] : memref<13312xi32, #tpu.memory_space<vmem>> -> memref<512xi32, #tpu.memory_space<vmem>>
    %dma_wait3A_395 = tpu.memref_slice %arg2[%dma_wait3A_388, %mul3A_2] : memref<26x16384xi32, #tpu.memory_space<hbm>> -> memref<1x512xi32, #tpu.memory_space<hbm>>
    %dma_wait3A_396 = tpu.memref_squeeze %dma_wait3A_395 : memref<1x512xi32, #tpu.memory_space<hbm>> -> memref<512xi32, #tpu.memory_space<hbm>>
    tpu.wait_dma2 semaphore(%arg7 : memref<!tpu.dma_semaphore, #tpu.memory_space<semaphore_mem>>) src(%dma_wait3A_396 : memref<512xi32, #tpu.memory_space<hbm>>) dst(%dma_wait3A_394 : memref<512xi32, #tpu.memory_space<vmem>>)
    %dma_wait3A_397 = arith.constant 18 : i32
    %dma_wait3A_398 = arith.constant 9216 : i32
    %dma_wait3A_399 = tpu.memref_slice %arg5[%dma_wait3A_398] : memref<13312xi32, #tpu.memory_space<vmem>> -> memref<512xi32, #tpu.memory_space<vmem>>
    %dma_wait3A_400 = tpu.memref_slice %arg2[%dma_wait3A_397, %mul3A_2] : memref<26x16384xi32, #tpu.memory_space<hbm>> -> memref<1x512xi32, #tpu.memory_space<hbm>>
    %dma_wait3A_401 = tpu.memref_squeeze %dma_wait3A_400 : memref<1x512xi32, #tpu.memory_space<hbm>> -> memref<512xi32, #tpu.memory_space<hbm>>
    %dma_wait3A_402 = arith.constant 9216 : i32
    %dma_wait3A_403 = tpu.memref_slice %arg5[%dma_wait3A_402] : memref<13312xi32, #tpu.memory_space<vmem>> -> memref<512xi32, #tpu.memory_space<vmem>>
    %dma_wait3A_404 = tpu.memref_slice %arg2[%dma_wait3A_397, %mul3A_2] : memref<26x16384xi32, #tpu.memory_space<hbm>> -> memref<1x512xi32, #tpu.memory_space<hbm>>
    %dma_wait3A_405 = tpu.memref_squeeze %dma_wait3A_404 : memref<1x512xi32, #tpu.memory_space<hbm>> -> memref<512xi32, #tpu.memory_space<hbm>>
    tpu.wait_dma2 semaphore(%arg7 : memref<!tpu.dma_semaphore, #tpu.memory_space<semaphore_mem>>) src(%dma_wait3A_405 : memref<512xi32, #tpu.memory_space<hbm>>) dst(%dma_wait3A_403 : memref<512xi32, #tpu.memory_space<vmem>>)
    %dma_wait3A_406 = arith.constant 19 : i32
    %dma_wait3A_407 = arith.constant 9728 : i32
    %dma_wait3A_408 = tpu.memref_slice %arg5[%dma_wait3A_407] : memref<13312xi32, #tpu.memory_space<vmem>> -> memref<512xi32, #tpu.memory_space<vmem>>
    %dma_wait3A_409 = tpu.memref_slice %arg2[%dma_wait3A_406, %mul3A_2] : memref<26x16384xi32, #tpu.memory_space<hbm>> -> memref<1x512xi32, #tpu.memory_space<hbm>>
    %dma_wait3A_410 = tpu.memref_squeeze %dma_wait3A_409 : memref<1x512xi32, #tpu.memory_space<hbm>> -> memref<512xi32, #tpu.memory_space<hbm>>
    %dma_wait3A_411 = arith.constant 9728 : i32
    %dma_wait3A_412 = tpu.memref_slice %arg5[%dma_wait3A_411] : memref<13312xi32, #tpu.memory_space<vmem>> -> memref<512xi32, #tpu.memory_space<vmem>>
    %dma_wait3A_413 = tpu.memref_slice %arg2[%dma_wait3A_406, %mul3A_2] : memref<26x16384xi32, #tpu.memory_space<hbm>> -> memref<1x512xi32, #tpu.memory_space<hbm>>
    %dma_wait3A_414 = tpu.memref_squeeze %dma_wait3A_413 : memref<1x512xi32, #tpu.memory_space<hbm>> -> memref<512xi32, #tpu.memory_space<hbm>>
    tpu.wait_dma2 semaphore(%arg7 : memref<!tpu.dma_semaphore, #tpu.memory_space<semaphore_mem>>) src(%dma_wait3A_414 : memref<512xi32, #tpu.memory_space<hbm>>) dst(%dma_wait3A_412 : memref<512xi32, #tpu.memory_space<vmem>>)
    %dma_wait3A_415 = arith.constant 20 : i32
    %dma_wait3A_416 = arith.constant 10240 : i32
    %dma_wait3A_417 = tpu.memref_slice %arg5[%dma_wait3A_416] : memref<13312xi32, #tpu.memory_space<vmem>> -> memref<512xi32, #tpu.memory_space<vmem>>
    %dma_wait3A_418 = tpu.memref_slice %arg2[%dma_wait3A_415, %mul3A_2] : memref<26x16384xi32, #tpu.memory_space<hbm>> -> memref<1x512xi32, #tpu.memory_space<hbm>>
    %dma_wait3A_419 = tpu.memref_squeeze %dma_wait3A_418 : memref<1x512xi32, #tpu.memory_space<hbm>> -> memref<512xi32, #tpu.memory_space<hbm>>
    %dma_wait3A_420 = arith.constant 10240 : i32
    %dma_wait3A_421 = tpu.memref_slice %arg5[%dma_wait3A_420] : memref<13312xi32, #tpu.memory_space<vmem>> -> memref<512xi32, #tpu.memory_space<vmem>>
    %dma_wait3A_422 = tpu.memref_slice %arg2[%dma_wait3A_415, %mul3A_2] : memref<26x16384xi32, #tpu.memory_space<hbm>> -> memref<1x512xi32, #tpu.memory_space<hbm>>
    %dma_wait3A_423 = tpu.memref_squeeze %dma_wait3A_422 : memref<1x512xi32, #tpu.memory_space<hbm>> -> memref<512xi32, #tpu.memory_space<hbm>>
    tpu.wait_dma2 semaphore(%arg7 : memref<!tpu.dma_semaphore, #tpu.memory_space<semaphore_mem>>) src(%dma_wait3A_423 : memref<512xi32, #tpu.memory_space<hbm>>) dst(%dma_wait3A_421 : memref<512xi32, #tpu.memory_space<vmem>>)
    %dma_wait3A_424 = arith.constant 21 : i32
    %dma_wait3A_425 = arith.constant 10752 : i32
    %dma_wait3A_426 = tpu.memref_slice %arg5[%dma_wait3A_425] : memref<13312xi32, #tpu.memory_space<vmem>> -> memref<512xi32, #tpu.memory_space<vmem>>
    %dma_wait3A_427 = tpu.memref_slice %arg2[%dma_wait3A_424, %mul3A_2] : memref<26x16384xi32, #tpu.memory_space<hbm>> -> memref<1x512xi32, #tpu.memory_space<hbm>>
    %dma_wait3A_428 = tpu.memref_squeeze %dma_wait3A_427 : memref<1x512xi32, #tpu.memory_space<hbm>> -> memref<512xi32, #tpu.memory_space<hbm>>
    %dma_wait3A_429 = arith.constant 10752 : i32
    %dma_wait3A_430 = tpu.memref_slice %arg5[%dma_wait3A_429] : memref<13312xi32, #tpu.memory_space<vmem>> -> memref<512xi32, #tpu.memory_space<vmem>>
    %dma_wait3A_431 = tpu.memref_slice %arg2[%dma_wait3A_424, %mul3A_2] : memref<26x16384xi32, #tpu.memory_space<hbm>> -> memref<1x512xi32, #tpu.memory_space<hbm>>
    %dma_wait3A_432 = tpu.memref_squeeze %dma_wait3A_431 : memref<1x512xi32, #tpu.memory_space<hbm>> -> memref<512xi32, #tpu.memory_space<hbm>>
    tpu.wait_dma2 semaphore(%arg7 : memref<!tpu.dma_semaphore, #tpu.memory_space<semaphore_mem>>) src(%dma_wait3A_432 : memref<512xi32, #tpu.memory_space<hbm>>) dst(%dma_wait3A_430 : memref<512xi32, #tpu.memory_space<vmem>>)
    %dma_wait3A_433 = arith.constant 22 : i32
    %dma_wait3A_434 = arith.constant 11264 : i32
    %dma_wait3A_435 = tpu.memref_slice %arg5[%dma_wait3A_434] : memref<13312xi32, #tpu.memory_space<vmem>> -> memref<512xi32, #tpu.memory_space<vmem>>
    %dma_wait3A_436 = tpu.memref_slice %arg2[%dma_wait3A_433, %mul3A_2] : memref<26x16384xi32, #tpu.memory_space<hbm>> -> memref<1x512xi32, #tpu.memory_space<hbm>>
    %dma_wait3A_437 = tpu.memref_squeeze %dma_wait3A_436 : memref<1x512xi32, #tpu.memory_space<hbm>> -> memref<512xi32, #tpu.memory_space<hbm>>
    %dma_wait3A_438 = arith.constant 11264 : i32
    %dma_wait3A_439 = tpu.memref_slice %arg5[%dma_wait3A_438] : memref<13312xi32, #tpu.memory_space<vmem>> -> memref<512xi32, #tpu.memory_space<vmem>>
    %dma_wait3A_440 = tpu.memref_slice %arg2[%dma_wait3A_433, %mul3A_2] : memref<26x16384xi32, #tpu.memory_space<hbm>> -> memref<1x512xi32, #tpu.memory_space<hbm>>
    %dma_wait3A_441 = tpu.memref_squeeze %dma_wait3A_440 : memref<1x512xi32, #tpu.memory_space<hbm>> -> memref<512xi32, #tpu.memory_space<hbm>>
    tpu.wait_dma2 semaphore(%arg7 : memref<!tpu.dma_semaphore, #tpu.memory_space<semaphore_mem>>) src(%dma_wait3A_441 : memref<512xi32, #tpu.memory_space<hbm>>) dst(%dma_wait3A_439 : memref<512xi32, #tpu.memory_space<vmem>>)
    %dma_wait3A_442 = arith.constant 23 : i32
    %dma_wait3A_443 = arith.constant 11776 : i32
    %dma_wait3A_444 = tpu.memref_slice %arg5[%dma_wait3A_443] : memref<13312xi32, #tpu.memory_space<vmem>> -> memref<512xi32, #tpu.memory_space<vmem>>
    %dma_wait3A_445 = tpu.memref_slice %arg2[%dma_wait3A_442, %mul3A_2] : memref<26x16384xi32, #tpu.memory_space<hbm>> -> memref<1x512xi32, #tpu.memory_space<hbm>>
    %dma_wait3A_446 = tpu.memref_squeeze %dma_wait3A_445 : memref<1x512xi32, #tpu.memory_space<hbm>> -> memref<512xi32, #tpu.memory_space<hbm>>
    %dma_wait3A_447 = arith.constant 11776 : i32
    %dma_wait3A_448 = tpu.memref_slice %arg5[%dma_wait3A_447] : memref<13312xi32, #tpu.memory_space<vmem>> -> memref<512xi32, #tpu.memory_space<vmem>>
    %dma_wait3A_449 = tpu.memref_slice %arg2[%dma_wait3A_442, %mul3A_2] : memref<26x16384xi32, #tpu.memory_space<hbm>> -> memref<1x512xi32, #tpu.memory_space<hbm>>
    %dma_wait3A_450 = tpu.memref_squeeze %dma_wait3A_449 : memref<1x512xi32, #tpu.memory_space<hbm>> -> memref<512xi32, #tpu.memory_space<hbm>>
    tpu.wait_dma2 semaphore(%arg7 : memref<!tpu.dma_semaphore, #tpu.memory_space<semaphore_mem>>) src(%dma_wait3A_450 : memref<512xi32, #tpu.memory_space<hbm>>) dst(%dma_wait3A_448 : memref<512xi32, #tpu.memory_space<vmem>>)
    %dma_wait3A_451 = arith.constant 24 : i32
    %dma_wait3A_452 = arith.constant 12288 : i32
    %dma_wait3A_453 = tpu.memref_slice %arg5[%dma_wait3A_452] : memref<13312xi32, #tpu.memory_space<vmem>> -> memref<512xi32, #tpu.memory_space<vmem>>
    %dma_wait3A_454 = tpu.memref_slice %arg2[%dma_wait3A_451, %mul3A_2] : memref<26x16384xi32, #tpu.memory_space<hbm>> -> memref<1x512xi32, #tpu.memory_space<hbm>>
    %dma_wait3A_455 = tpu.memref_squeeze %dma_wait3A_454 : memref<1x512xi32, #tpu.memory_space<hbm>> -> memref<512xi32, #tpu.memory_space<hbm>>
    %dma_wait3A_456 = arith.constant 12288 : i32
    %dma_wait3A_457 = tpu.memref_slice %arg5[%dma_wait3A_456] : memref<13312xi32, #tpu.memory_space<vmem>> -> memref<512xi32, #tpu.memory_space<vmem>>
    %dma_wait3A_458 = tpu.memref_slice %arg2[%dma_wait3A_451, %mul3A_2] : memref<26x16384xi32, #tpu.memory_space<hbm>> -> memref<1x512xi32, #tpu.memory_space<hbm>>
    %dma_wait3A_459 = tpu.memref_squeeze %dma_wait3A_458 : memref<1x512xi32, #tpu.memory_space<hbm>> -> memref<512xi32, #tpu.memory_space<hbm>>
    tpu.wait_dma2 semaphore(%arg7 : memref<!tpu.dma_semaphore, #tpu.memory_space<semaphore_mem>>) src(%dma_wait3A_459 : memref<512xi32, #tpu.memory_space<hbm>>) dst(%dma_wait3A_457 : memref<512xi32, #tpu.memory_space<vmem>>)
    %dma_wait3A_460 = arith.constant 25 : i32
    %dma_wait3A_461 = arith.constant 12800 : i32
    %dma_wait3A_462 = tpu.memref_slice %arg5[%dma_wait3A_461] : memref<13312xi32, #tpu.memory_space<vmem>> -> memref<512xi32, #tpu.memory_space<vmem>>
    %dma_wait3A_463 = tpu.memref_slice %arg2[%dma_wait3A_460, %mul3A_2] : memref<26x16384xi32, #tpu.memory_space<hbm>> -> memref<1x512xi32, #tpu.memory_space<hbm>>
    %dma_wait3A_464 = tpu.memref_squeeze %dma_wait3A_463 : memref<1x512xi32, #tpu.memory_space<hbm>> -> memref<512xi32, #tpu.memory_space<hbm>>
    %dma_wait3A_465 = arith.constant 12800 : i32
    %dma_wait3A_466 = tpu.memref_slice %arg5[%dma_wait3A_465] : memref<13312xi32, #tpu.memory_space<vmem>> -> memref<512xi32, #tpu.memory_space<vmem>>
    %dma_wait3A_467 = tpu.memref_slice %arg2[%dma_wait3A_460, %mul3A_2] : memref<26x16384xi32, #tpu.memory_space<hbm>> -> memref<1x512xi32, #tpu.memory_space<hbm>>
    %dma_wait3A_468 = tpu.memref_squeeze %dma_wait3A_467 : memref<1x512xi32, #tpu.memory_space<hbm>> -> memref<512xi32, #tpu.memory_space<hbm>>
    tpu.wait_dma2 semaphore(%arg7 : memref<!tpu.dma_semaphore, #tpu.memory_space<semaphore_mem>>) src(%dma_wait3A_468 : memref<512xi32, #tpu.memory_space<hbm>>) dst(%dma_wait3A_466 : memref<512xi32, #tpu.memory_space<vmem>>)
    %dma_start3A_469 = arith.constant 0 : i32
    %dma_start3A_470 = tpu.memref_slice %arg6[%dma_start3A_469] : memref<13312xi32, #tpu.memory_space<vmem>> -> memref<1024xi32, #tpu.memory_space<vmem>>
    %dma_start3A_471 = arith.constant 0 : i32
    %dma_start3A_472 = tpu.memref_slice %arg5[%dma_start3A_471] : memref<13312xi32, #tpu.memory_space<vmem>> -> memref<1024xi32, #tpu.memory_space<vmem>>
    %dma_start3A_473 = arith.constant 0 : i32
    %dma_start3A_474 = tpu.memref_slice %arg3[%dma_start3A_473] : memref<2000000xi32, #tpu.memory_space<hbm>> -> memref<2000000xi32, #tpu.memory_space<hbm>>
    tpu.enqueue_indirect_dma source(%dma_start3A_474 : memref<2000000xi32, #tpu.memory_space<hbm>>) target(%dma_start3A_470 : memref<1024xi32, #tpu.memory_space<vmem>>) offsets(%dma_start3A_472 : memref<1024xi32, #tpu.memory_space<vmem>>) semaphore(%arg9 : memref<!tpu.dma_semaphore, #tpu.memory_space<semaphore_mem>>)
    %dma_start3A_475 = arith.constant 1024 : i32
    %dma_start3A_476 = tpu.memref_slice %arg6[%dma_start3A_475] : memref<13312xi32, #tpu.memory_space<vmem>> -> memref<1024xi32, #tpu.memory_space<vmem>>
    %dma_start3A_477 = arith.constant 1024 : i32
    %dma_start3A_478 = tpu.memref_slice %arg5[%dma_start3A_477] : memref<13312xi32, #tpu.memory_space<vmem>> -> memref<1024xi32, #tpu.memory_space<vmem>>
    %dma_start3A_479 = arith.constant 0 : i32
    %dma_start3A_480 = tpu.memref_slice %arg3[%dma_start3A_479] : memref<2000000xi32, #tpu.memory_space<hbm>> -> memref<2000000xi32, #tpu.memory_space<hbm>>
    tpu.enqueue_indirect_dma source(%dma_start3A_480 : memref<2000000xi32, #tpu.memory_space<hbm>>) target(%dma_start3A_476 : memref<1024xi32, #tpu.memory_space<vmem>>) offsets(%dma_start3A_478 : memref<1024xi32, #tpu.memory_space<vmem>>) semaphore(%arg10 : memref<!tpu.dma_semaphore, #tpu.memory_space<semaphore_mem>>)
    %dma_start3A_481 = arith.constant 2048 : i32
    %dma_start3A_482 = tpu.memref_slice %arg6[%dma_start3A_481] : memref<13312xi32, #tpu.memory_space<vmem>> -> memref<1024xi32, #tpu.memory_space<vmem>>
    %dma_start3A_483 = arith.constant 2048 : i32
    %dma_start3A_484 = tpu.memref_slice %arg5[%dma_start3A_483] : memref<13312xi32, #tpu.memory_space<vmem>> -> memref<1024xi32, #tpu.memory_space<vmem>>
    %dma_start3A_485 = arith.constant 0 : i32
    %dma_start3A_486 = tpu.memref_slice %arg3[%dma_start3A_485] : memref<2000000xi32, #tpu.memory_space<hbm>> -> memref<2000000xi32, #tpu.memory_space<hbm>>
    tpu.enqueue_indirect_dma source(%dma_start3A_486 : memref<2000000xi32, #tpu.memory_space<hbm>>) target(%dma_start3A_482 : memref<1024xi32, #tpu.memory_space<vmem>>) offsets(%dma_start3A_484 : memref<1024xi32, #tpu.memory_space<vmem>>) semaphore(%arg11 : memref<!tpu.dma_semaphore, #tpu.memory_space<semaphore_mem>>)
    %dma_start3A_487 = arith.constant 3072 : i32
    %dma_start3A_488 = tpu.memref_slice %arg6[%dma_start3A_487] : memref<13312xi32, #tpu.memory_space<vmem>> -> memref<1024xi32, #tpu.memory_space<vmem>>
    %dma_start3A_489 = arith.constant 3072 : i32
    %dma_start3A_490 = tpu.memref_slice %arg5[%dma_start3A_489] : memref<13312xi32, #tpu.memory_space<vmem>> -> memref<1024xi32, #tpu.memory_space<vmem>>
    %dma_start3A_491 = arith.constant 0 : i32
    %dma_start3A_492 = tpu.memref_slice %arg3[%dma_start3A_491] : memref<2000000xi32, #tpu.memory_space<hbm>> -> memref<2000000xi32, #tpu.memory_space<hbm>>
    tpu.enqueue_indirect_dma source(%dma_start3A_492 : memref<2000000xi32, #tpu.memory_space<hbm>>) target(%dma_start3A_488 : memref<1024xi32, #tpu.memory_space<vmem>>) offsets(%dma_start3A_490 : memref<1024xi32, #tpu.memory_space<vmem>>) semaphore(%arg12 : memref<!tpu.dma_semaphore, #tpu.memory_space<semaphore_mem>>)
    %dma_start3A_493 = arith.constant 4096 : i32
    %dma_start3A_494 = tpu.memref_slice %arg6[%dma_start3A_493] : memref<13312xi32, #tpu.memory_space<vmem>> -> memref<1024xi32, #tpu.memory_space<vmem>>
    %dma_start3A_495 = arith.constant 4096 : i32
    %dma_start3A_496 = tpu.memref_slice %arg5[%dma_start3A_495] : memref<13312xi32, #tpu.memory_space<vmem>> -> memref<1024xi32, #tpu.memory_space<vmem>>
    %dma_start3A_497 = arith.constant 0 : i32
    %dma_start3A_498 = tpu.memref_slice %arg3[%dma_start3A_497] : memref<2000000xi32, #tpu.memory_space<hbm>> -> memref<2000000xi32, #tpu.memory_space<hbm>>
    tpu.enqueue_indirect_dma source(%dma_start3A_498 : memref<2000000xi32, #tpu.memory_space<hbm>>) target(%dma_start3A_494 : memref<1024xi32, #tpu.memory_space<vmem>>) offsets(%dma_start3A_496 : memref<1024xi32, #tpu.memory_space<vmem>>) semaphore(%arg13 : memref<!tpu.dma_semaphore, #tpu.memory_space<semaphore_mem>>)
    %dma_start3A_499 = arith.constant 5120 : i32
    %dma_start3A_500 = tpu.memref_slice %arg6[%dma_start3A_499] : memref<13312xi32, #tpu.memory_space<vmem>> -> memref<1024xi32, #tpu.memory_space<vmem>>
    %dma_start3A_501 = arith.constant 5120 : i32
    %dma_start3A_502 = tpu.memref_slice %arg5[%dma_start3A_501] : memref<13312xi32, #tpu.memory_space<vmem>> -> memref<1024xi32, #tpu.memory_space<vmem>>
    %dma_start3A_503 = arith.constant 0 : i32
    %dma_start3A_504 = tpu.memref_slice %arg3[%dma_start3A_503] : memref<2000000xi32, #tpu.memory_space<hbm>> -> memref<2000000xi32, #tpu.memory_space<hbm>>
    tpu.enqueue_indirect_dma source(%dma_start3A_504 : memref<2000000xi32, #tpu.memory_space<hbm>>) target(%dma_start3A_500 : memref<1024xi32, #tpu.memory_space<vmem>>) offsets(%dma_start3A_502 : memref<1024xi32, #tpu.memory_space<vmem>>) semaphore(%arg14 : memref<!tpu.dma_semaphore, #tpu.memory_space<semaphore_mem>>)
    %dma_start3A_505 = arith.constant 6144 : i32
    %dma_start3A_506 = tpu.memref_slice %arg6[%dma_start3A_505] : memref<13312xi32, #tpu.memory_space<vmem>> -> memref<1024xi32, #tpu.memory_space<vmem>>
    %dma_start3A_507 = arith.constant 6144 : i32
    %dma_start3A_508 = tpu.memref_slice %arg5[%dma_start3A_507] : memref<13312xi32, #tpu.memory_space<vmem>> -> memref<1024xi32, #tpu.memory_space<vmem>>
    %dma_start3A_509 = arith.constant 0 : i32
    %dma_start3A_510 = tpu.memref_slice %arg3[%dma_start3A_509] : memref<2000000xi32, #tpu.memory_space<hbm>> -> memref<2000000xi32, #tpu.memory_space<hbm>>
    tpu.enqueue_indirect_dma source(%dma_start3A_510 : memref<2000000xi32, #tpu.memory_space<hbm>>) target(%dma_start3A_506 : memref<1024xi32, #tpu.memory_space<vmem>>) offsets(%dma_start3A_508 : memref<1024xi32, #tpu.memory_space<vmem>>) semaphore(%arg15 : memref<!tpu.dma_semaphore, #tpu.memory_space<semaphore_mem>>)
    %dma_start3A_511 = arith.constant 7168 : i32
    %dma_start3A_512 = tpu.memref_slice %arg6[%dma_start3A_511] : memref<13312xi32, #tpu.memory_space<vmem>> -> memref<1024xi32, #tpu.memory_space<vmem>>
    %dma_start3A_513 = arith.constant 7168 : i32
    %dma_start3A_514 = tpu.memref_slice %arg5[%dma_start3A_513] : memref<13312xi32, #tpu.memory_space<vmem>> -> memref<1024xi32, #tpu.memory_space<vmem>>
    %dma_start3A_515 = arith.constant 0 : i32
    %dma_start3A_516 = tpu.memref_slice %arg3[%dma_start3A_515] : memref<2000000xi32, #tpu.memory_space<hbm>> -> memref<2000000xi32, #tpu.memory_space<hbm>>
    tpu.enqueue_indirect_dma source(%dma_start3A_516 : memref<2000000xi32, #tpu.memory_space<hbm>>) target(%dma_start3A_512 : memref<1024xi32, #tpu.memory_space<vmem>>) offsets(%dma_start3A_514 : memref<1024xi32, #tpu.memory_space<vmem>>) semaphore(%arg16 : memref<!tpu.dma_semaphore, #tpu.memory_space<semaphore_mem>>)
    %dma_start3A_517 = arith.constant 8192 : i32
    %dma_start3A_518 = tpu.memref_slice %arg6[%dma_start3A_517] : memref<13312xi32, #tpu.memory_space<vmem>> -> memref<1024xi32, #tpu.memory_space<vmem>>
    %dma_start3A_519 = arith.constant 8192 : i32
    %dma_start3A_520 = tpu.memref_slice %arg5[%dma_start3A_519] : memref<13312xi32, #tpu.memory_space<vmem>> -> memref<1024xi32, #tpu.memory_space<vmem>>
    %dma_start3A_521 = arith.constant 0 : i32
    %dma_start3A_522 = tpu.memref_slice %arg3[%dma_start3A_521] : memref<2000000xi32, #tpu.memory_space<hbm>> -> memref<2000000xi32, #tpu.memory_space<hbm>>
    tpu.enqueue_indirect_dma source(%dma_start3A_522 : memref<2000000xi32, #tpu.memory_space<hbm>>) target(%dma_start3A_518 : memref<1024xi32, #tpu.memory_space<vmem>>) offsets(%dma_start3A_520 : memref<1024xi32, #tpu.memory_space<vmem>>) semaphore(%arg17 : memref<!tpu.dma_semaphore, #tpu.memory_space<semaphore_mem>>)
    %dma_start3A_523 = arith.constant 9216 : i32
    %dma_start3A_524 = tpu.memref_slice %arg6[%dma_start3A_523] : memref<13312xi32, #tpu.memory_space<vmem>> -> memref<1024xi32, #tpu.memory_space<vmem>>
    %dma_start3A_525 = arith.constant 9216 : i32
    %dma_start3A_526 = tpu.memref_slice %arg5[%dma_start3A_525] : memref<13312xi32, #tpu.memory_space<vmem>> -> memref<1024xi32, #tpu.memory_space<vmem>>
    %dma_start3A_527 = arith.constant 0 : i32
    %dma_start3A_528 = tpu.memref_slice %arg3[%dma_start3A_527] : memref<2000000xi32, #tpu.memory_space<hbm>> -> memref<2000000xi32, #tpu.memory_space<hbm>>
    tpu.enqueue_indirect_dma source(%dma_start3A_528 : memref<2000000xi32, #tpu.memory_space<hbm>>) target(%dma_start3A_524 : memref<1024xi32, #tpu.memory_space<vmem>>) offsets(%dma_start3A_526 : memref<1024xi32, #tpu.memory_space<vmem>>) semaphore(%arg18 : memref<!tpu.dma_semaphore, #tpu.memory_space<semaphore_mem>>)
    %dma_start3A_529 = arith.constant 10240 : i32
    %dma_start3A_530 = tpu.memref_slice %arg6[%dma_start3A_529] : memref<13312xi32, #tpu.memory_space<vmem>> -> memref<1024xi32, #tpu.memory_space<vmem>>
    %dma_start3A_531 = arith.constant 10240 : i32
    %dma_start3A_532 = tpu.memref_slice %arg5[%dma_start3A_531] : memref<13312xi32, #tpu.memory_space<vmem>> -> memref<1024xi32, #tpu.memory_space<vmem>>
    %dma_start3A_533 = arith.constant 0 : i32
    %dma_start3A_534 = tpu.memref_slice %arg3[%dma_start3A_533] : memref<2000000xi32, #tpu.memory_space<hbm>> -> memref<2000000xi32, #tpu.memory_space<hbm>>
    tpu.enqueue_indirect_dma source(%dma_start3A_534 : memref<2000000xi32, #tpu.memory_space<hbm>>) target(%dma_start3A_530 : memref<1024xi32, #tpu.memory_space<vmem>>) offsets(%dma_start3A_532 : memref<1024xi32, #tpu.memory_space<vmem>>) semaphore(%arg19 : memref<!tpu.dma_semaphore, #tpu.memory_space<semaphore_mem>>)
    %dma_start3A_535 = arith.constant 11264 : i32
    %dma_start3A_536 = tpu.memref_slice %arg6[%dma_start3A_535] : memref<13312xi32, #tpu.memory_space<vmem>> -> memref<1024xi32, #tpu.memory_space<vmem>>
    %dma_start3A_537 = arith.constant 11264 : i32
    %dma_start3A_538 = tpu.memref_slice %arg5[%dma_start3A_537] : memref<13312xi32, #tpu.memory_space<vmem>> -> memref<1024xi32, #tpu.memory_space<vmem>>
    %dma_start3A_539 = arith.constant 0 : i32
    %dma_start3A_540 = tpu.memref_slice %arg3[%dma_start3A_539] : memref<2000000xi32, #tpu.memory_space<hbm>> -> memref<2000000xi32, #tpu.memory_space<hbm>>
    tpu.enqueue_indirect_dma source(%dma_start3A_540 : memref<2000000xi32, #tpu.memory_space<hbm>>) target(%dma_start3A_536 : memref<1024xi32, #tpu.memory_space<vmem>>) offsets(%dma_start3A_538 : memref<1024xi32, #tpu.memory_space<vmem>>) semaphore(%arg20 : memref<!tpu.dma_semaphore, #tpu.memory_space<semaphore_mem>>)
    %dma_start3A_541 = arith.constant 12288 : i32
    %dma_start3A_542 = tpu.memref_slice %arg6[%dma_start3A_541] : memref<13312xi32, #tpu.memory_space<vmem>> -> memref<1024xi32, #tpu.memory_space<vmem>>
    %dma_start3A_543 = arith.constant 12288 : i32
    %dma_start3A_544 = tpu.memref_slice %arg5[%dma_start3A_543] : memref<13312xi32, #tpu.memory_space<vmem>> -> memref<1024xi32, #tpu.memory_space<vmem>>
    %dma_start3A_545 = arith.constant 0 : i32
    %dma_start3A_546 = tpu.memref_slice %arg3[%dma_start3A_545] : memref<2000000xi32, #tpu.memory_space<hbm>> -> memref<2000000xi32, #tpu.memory_space<hbm>>
    tpu.enqueue_indirect_dma source(%dma_start3A_546 : memref<2000000xi32, #tpu.memory_space<hbm>>) target(%dma_start3A_542 : memref<1024xi32, #tpu.memory_space<vmem>>) offsets(%dma_start3A_544 : memref<1024xi32, #tpu.memory_space<vmem>>) semaphore(%arg21 : memref<!tpu.dma_semaphore, #tpu.memory_space<semaphore_mem>>)
    %dma_wait3A_547 = arith.constant 0 : i32
    %dma_wait3A_548 = tpu.memref_slice %arg6[%dma_wait3A_547] : memref<13312xi32, #tpu.memory_space<vmem>> -> memref<1024xi32, #tpu.memory_space<vmem>>
    %dma_wait3A_549 = arith.constant 0 : i32
    %dma_wait3A_550 = tpu.memref_slice %arg5[%dma_wait3A_549] : memref<13312xi32, #tpu.memory_space<vmem>> -> memref<1024xi32, #tpu.memory_space<vmem>>
    %dma_wait3A_551 = arith.constant 0 : i32
    %dma_wait3A_552 = tpu.memref_slice %arg3[%dma_wait3A_551] : memref<2000000xi32, #tpu.memory_space<hbm>> -> memref<2000000xi32, #tpu.memory_space<hbm>>
    tpu.wait_indirect_dma semaphore(%arg9 : memref<!tpu.dma_semaphore, #tpu.memory_space<semaphore_mem>>) src(%dma_wait3A_552 : memref<2000000xi32, #tpu.memory_space<hbm>>) dst(%dma_wait3A_548 : memref<1024xi32, #tpu.memory_space<vmem>>)
    %dma_start3A_553 = arith.constant 0 : i32
    %dma_start3A_554 = arith.constant 0 : i32
    %dma_start3A_555 = tpu.memref_slice %arg6[%dma_start3A_554] : memref<13312xi32, #tpu.memory_space<vmem>> -> memref<512xi32, #tpu.memory_space<vmem>>
    %dma_start3A_556 = tpu.memref_slice %arg4[%dma_start3A_553, %mul3A_2] : memref<26x16384xi32, #tpu.memory_space<hbm>> -> memref<1x512xi32, #tpu.memory_space<hbm>>
    %dma_start3A_557 = tpu.memref_squeeze %dma_start3A_556 : memref<1x512xi32, #tpu.memory_space<hbm>> -> memref<512xi32, #tpu.memory_space<hbm>>
    %dma_start3A_558 = tpu.memref_slice %arg4[%dma_start3A_553, %mul3A_2] : memref<26x16384xi32, #tpu.memory_space<hbm>> -> memref<1x512xi32, #tpu.memory_space<hbm>>
    %dma_start3A_559 = tpu.memref_squeeze %dma_start3A_558 : memref<1x512xi32, #tpu.memory_space<hbm>> -> memref<512xi32, #tpu.memory_space<hbm>>
    %dma_start3A_560 = arith.constant 0 : i32
    %dma_start3A_561 = tpu.memref_slice %arg6[%dma_start3A_560] : memref<13312xi32, #tpu.memory_space<vmem>> -> memref<512xi32, #tpu.memory_space<vmem>>
    tpu.enqueue_dma source(%dma_start3A_561 : memref<512xi32, #tpu.memory_space<vmem>>) target(%dma_start3A_559 : memref<512xi32, #tpu.memory_space<hbm>>) target_semaphore(%arg8 : memref<!tpu.dma_semaphore, #tpu.memory_space<semaphore_mem>>)
    %dma_start3A_562 = arith.constant 1 : i32
    %dma_start3A_563 = arith.constant 512 : i32
    %dma_start3A_564 = tpu.memref_slice %arg6[%dma_start3A_563] : memref<13312xi32, #tpu.memory_space<vmem>> -> memref<512xi32, #tpu.memory_space<vmem>>
    %dma_start3A_565 = tpu.memref_slice %arg4[%dma_start3A_562, %mul3A_2] : memref<26x16384xi32, #tpu.memory_space<hbm>> -> memref<1x512xi32, #tpu.memory_space<hbm>>
    %dma_start3A_566 = tpu.memref_squeeze %dma_start3A_565 : memref<1x512xi32, #tpu.memory_space<hbm>> -> memref<512xi32, #tpu.memory_space<hbm>>
    %dma_start3A_567 = tpu.memref_slice %arg4[%dma_start3A_562, %mul3A_2] : memref<26x16384xi32, #tpu.memory_space<hbm>> -> memref<1x512xi32, #tpu.memory_space<hbm>>
    %dma_start3A_568 = tpu.memref_squeeze %dma_start3A_567 : memref<1x512xi32, #tpu.memory_space<hbm>> -> memref<512xi32, #tpu.memory_space<hbm>>
    %dma_start3A_569 = arith.constant 512 : i32
    %dma_start3A_570 = tpu.memref_slice %arg6[%dma_start3A_569] : memref<13312xi32, #tpu.memory_space<vmem>> -> memref<512xi32, #tpu.memory_space<vmem>>
    tpu.enqueue_dma source(%dma_start3A_570 : memref<512xi32, #tpu.memory_space<vmem>>) target(%dma_start3A_568 : memref<512xi32, #tpu.memory_space<hbm>>) target_semaphore(%arg8 : memref<!tpu.dma_semaphore, #tpu.memory_space<semaphore_mem>>)
    %dma_wait3A_571 = arith.constant 1024 : i32
    %dma_wait3A_572 = tpu.memref_slice %arg6[%dma_wait3A_571] : memref<13312xi32, #tpu.memory_space<vmem>> -> memref<1024xi32, #tpu.memory_space<vmem>>
    %dma_wait3A_573 = arith.constant 1024 : i32
    %dma_wait3A_574 = tpu.memref_slice %arg5[%dma_wait3A_573] : memref<13312xi32, #tpu.memory_space<vmem>> -> memref<1024xi32, #tpu.memory_space<vmem>>
    %dma_wait3A_575 = arith.constant 0 : i32
    %dma_wait3A_576 = tpu.memref_slice %arg3[%dma_wait3A_575] : memref<2000000xi32, #tpu.memory_space<hbm>> -> memref<2000000xi32, #tpu.memory_space<hbm>>
    tpu.wait_indirect_dma semaphore(%arg10 : memref<!tpu.dma_semaphore, #tpu.memory_space<semaphore_mem>>) src(%dma_wait3A_576 : memref<2000000xi32, #tpu.memory_space<hbm>>) dst(%dma_wait3A_572 : memref<1024xi32, #tpu.memory_space<vmem>>)
    %dma_start3A_577 = arith.constant 2 : i32
    %dma_start3A_578 = arith.constant 1024 : i32
    %dma_start3A_579 = tpu.memref_slice %arg6[%dma_start3A_578] : memref<13312xi32, #tpu.memory_space<vmem>> -> memref<512xi32, #tpu.memory_space<vmem>>
    %dma_start3A_580 = tpu.memref_slice %arg4[%dma_start3A_577, %mul3A_2] : memref<26x16384xi32, #tpu.memory_space<hbm>> -> memref<1x512xi32, #tpu.memory_space<hbm>>
    %dma_start3A_581 = tpu.memref_squeeze %dma_start3A_580 : memref<1x512xi32, #tpu.memory_space<hbm>> -> memref<512xi32, #tpu.memory_space<hbm>>
    %dma_start3A_582 = tpu.memref_slice %arg4[%dma_start3A_577, %mul3A_2] : memref<26x16384xi32, #tpu.memory_space<hbm>> -> memref<1x512xi32, #tpu.memory_space<hbm>>
    %dma_start3A_583 = tpu.memref_squeeze %dma_start3A_582 : memref<1x512xi32, #tpu.memory_space<hbm>> -> memref<512xi32, #tpu.memory_space<hbm>>
    %dma_start3A_584 = arith.constant 1024 : i32
    %dma_start3A_585 = tpu.memref_slice %arg6[%dma_start3A_584] : memref<13312xi32, #tpu.memory_space<vmem>> -> memref<512xi32, #tpu.memory_space<vmem>>
    tpu.enqueue_dma source(%dma_start3A_585 : memref<512xi32, #tpu.memory_space<vmem>>) target(%dma_start3A_583 : memref<512xi32, #tpu.memory_space<hbm>>) target_semaphore(%arg8 : memref<!tpu.dma_semaphore, #tpu.memory_space<semaphore_mem>>)
    %dma_start3A_586 = arith.constant 3 : i32
    %dma_start3A_587 = arith.constant 1536 : i32
    %dma_start3A_588 = tpu.memref_slice %arg6[%dma_start3A_587] : memref<13312xi32, #tpu.memory_space<vmem>> -> memref<512xi32, #tpu.memory_space<vmem>>
    %dma_start3A_589 = tpu.memref_slice %arg4[%dma_start3A_586, %mul3A_2] : memref<26x16384xi32, #tpu.memory_space<hbm>> -> memref<1x512xi32, #tpu.memory_space<hbm>>
    %dma_start3A_590 = tpu.memref_squeeze %dma_start3A_589 : memref<1x512xi32, #tpu.memory_space<hbm>> -> memref<512xi32, #tpu.memory_space<hbm>>
    %dma_start3A_591 = tpu.memref_slice %arg4[%dma_start3A_586, %mul3A_2] : memref<26x16384xi32, #tpu.memory_space<hbm>> -> memref<1x512xi32, #tpu.memory_space<hbm>>
    %dma_start3A_592 = tpu.memref_squeeze %dma_start3A_591 : memref<1x512xi32, #tpu.memory_space<hbm>> -> memref<512xi32, #tpu.memory_space<hbm>>
    %dma_start3A_593 = arith.constant 1536 : i32
    %dma_start3A_594 = tpu.memref_slice %arg6[%dma_start3A_593] : memref<13312xi32, #tpu.memory_space<vmem>> -> memref<512xi32, #tpu.memory_space<vmem>>
    tpu.enqueue_dma source(%dma_start3A_594 : memref<512xi32, #tpu.memory_space<vmem>>) target(%dma_start3A_592 : memref<512xi32, #tpu.memory_space<hbm>>) target_semaphore(%arg8 : memref<!tpu.dma_semaphore, #tpu.memory_space<semaphore_mem>>)
    %dma_wait3A_595 = arith.constant 2048 : i32
    %dma_wait3A_596 = tpu.memref_slice %arg6[%dma_wait3A_595] : memref<13312xi32, #tpu.memory_space<vmem>> -> memref<1024xi32, #tpu.memory_space<vmem>>
    %dma_wait3A_597 = arith.constant 2048 : i32
    %dma_wait3A_598 = tpu.memref_slice %arg5[%dma_wait3A_597] : memref<13312xi32, #tpu.memory_space<vmem>> -> memref<1024xi32, #tpu.memory_space<vmem>>
    %dma_wait3A_599 = arith.constant 0 : i32
    %dma_wait3A_600 = tpu.memref_slice %arg3[%dma_wait3A_599] : memref<2000000xi32, #tpu.memory_space<hbm>> -> memref<2000000xi32, #tpu.memory_space<hbm>>
    tpu.wait_indirect_dma semaphore(%arg11 : memref<!tpu.dma_semaphore, #tpu.memory_space<semaphore_mem>>) src(%dma_wait3A_600 : memref<2000000xi32, #tpu.memory_space<hbm>>) dst(%dma_wait3A_596 : memref<1024xi32, #tpu.memory_space<vmem>>)
    %dma_start3A_601 = arith.constant 4 : i32
    %dma_start3A_602 = arith.constant 2048 : i32
    %dma_start3A_603 = tpu.memref_slice %arg6[%dma_start3A_602] : memref<13312xi32, #tpu.memory_space<vmem>> -> memref<512xi32, #tpu.memory_space<vmem>>
    %dma_start3A_604 = tpu.memref_slice %arg4[%dma_start3A_601, %mul3A_2] : memref<26x16384xi32, #tpu.memory_space<hbm>> -> memref<1x512xi32, #tpu.memory_space<hbm>>
    %dma_start3A_605 = tpu.memref_squeeze %dma_start3A_604 : memref<1x512xi32, #tpu.memory_space<hbm>> -> memref<512xi32, #tpu.memory_space<hbm>>
    %dma_start3A_606 = tpu.memref_slice %arg4[%dma_start3A_601, %mul3A_2] : memref<26x16384xi32, #tpu.memory_space<hbm>> -> memref<1x512xi32, #tpu.memory_space<hbm>>
    %dma_start3A_607 = tpu.memref_squeeze %dma_start3A_606 : memref<1x512xi32, #tpu.memory_space<hbm>> -> memref<512xi32, #tpu.memory_space<hbm>>
    %dma_start3A_608 = arith.constant 2048 : i32
    %dma_start3A_609 = tpu.memref_slice %arg6[%dma_start3A_608] : memref<13312xi32, #tpu.memory_space<vmem>> -> memref<512xi32, #tpu.memory_space<vmem>>
    tpu.enqueue_dma source(%dma_start3A_609 : memref<512xi32, #tpu.memory_space<vmem>>) target(%dma_start3A_607 : memref<512xi32, #tpu.memory_space<hbm>>) target_semaphore(%arg8 : memref<!tpu.dma_semaphore, #tpu.memory_space<semaphore_mem>>)
    %dma_start3A_610 = arith.constant 5 : i32
    %dma_start3A_611 = arith.constant 2560 : i32
    %dma_start3A_612 = tpu.memref_slice %arg6[%dma_start3A_611] : memref<13312xi32, #tpu.memory_space<vmem>> -> memref<512xi32, #tpu.memory_space<vmem>>
    %dma_start3A_613 = tpu.memref_slice %arg4[%dma_start3A_610, %mul3A_2] : memref<26x16384xi32, #tpu.memory_space<hbm>> -> memref<1x512xi32, #tpu.memory_space<hbm>>
    %dma_start3A_614 = tpu.memref_squeeze %dma_start3A_613 : memref<1x512xi32, #tpu.memory_space<hbm>> -> memref<512xi32, #tpu.memory_space<hbm>>
    %dma_start3A_615 = tpu.memref_slice %arg4[%dma_start3A_610, %mul3A_2] : memref<26x16384xi32, #tpu.memory_space<hbm>> -> memref<1x512xi32, #tpu.memory_space<hbm>>
    %dma_start3A_616 = tpu.memref_squeeze %dma_start3A_615 : memref<1x512xi32, #tpu.memory_space<hbm>> -> memref<512xi32, #tpu.memory_space<hbm>>
    %dma_start3A_617 = arith.constant 2560 : i32
    %dma_start3A_618 = tpu.memref_slice %arg6[%dma_start3A_617] : memref<13312xi32, #tpu.memory_space<vmem>> -> memref<512xi32, #tpu.memory_space<vmem>>
    tpu.enqueue_dma source(%dma_start3A_618 : memref<512xi32, #tpu.memory_space<vmem>>) target(%dma_start3A_616 : memref<512xi32, #tpu.memory_space<hbm>>) target_semaphore(%arg8 : memref<!tpu.dma_semaphore, #tpu.memory_space<semaphore_mem>>)
    %dma_wait3A_619 = arith.constant 3072 : i32
    %dma_wait3A_620 = tpu.memref_slice %arg6[%dma_wait3A_619] : memref<13312xi32, #tpu.memory_space<vmem>> -> memref<1024xi32, #tpu.memory_space<vmem>>
    %dma_wait3A_621 = arith.constant 3072 : i32
    %dma_wait3A_622 = tpu.memref_slice %arg5[%dma_wait3A_621] : memref<13312xi32, #tpu.memory_space<vmem>> -> memref<1024xi32, #tpu.memory_space<vmem>>
    %dma_wait3A_623 = arith.constant 0 : i32
    %dma_wait3A_624 = tpu.memref_slice %arg3[%dma_wait3A_623] : memref<2000000xi32, #tpu.memory_space<hbm>> -> memref<2000000xi32, #tpu.memory_space<hbm>>
    tpu.wait_indirect_dma semaphore(%arg12 : memref<!tpu.dma_semaphore, #tpu.memory_space<semaphore_mem>>) src(%dma_wait3A_624 : memref<2000000xi32, #tpu.memory_space<hbm>>) dst(%dma_wait3A_620 : memref<1024xi32, #tpu.memory_space<vmem>>)
    %dma_start3A_625 = arith.constant 6 : i32
    %dma_start3A_626 = arith.constant 3072 : i32
    %dma_start3A_627 = tpu.memref_slice %arg6[%dma_start3A_626] : memref<13312xi32, #tpu.memory_space<vmem>> -> memref<512xi32, #tpu.memory_space<vmem>>
    %dma_start3A_628 = tpu.memref_slice %arg4[%dma_start3A_625, %mul3A_2] : memref<26x16384xi32, #tpu.memory_space<hbm>> -> memref<1x512xi32, #tpu.memory_space<hbm>>
    %dma_start3A_629 = tpu.memref_squeeze %dma_start3A_628 : memref<1x512xi32, #tpu.memory_space<hbm>> -> memref<512xi32, #tpu.memory_space<hbm>>
    %dma_start3A_630 = tpu.memref_slice %arg4[%dma_start3A_625, %mul3A_2] : memref<26x16384xi32, #tpu.memory_space<hbm>> -> memref<1x512xi32, #tpu.memory_space<hbm>>
    %dma_start3A_631 = tpu.memref_squeeze %dma_start3A_630 : memref<1x512xi32, #tpu.memory_space<hbm>> -> memref<512xi32, #tpu.memory_space<hbm>>
    %dma_start3A_632 = arith.constant 3072 : i32
    %dma_start3A_633 = tpu.memref_slice %arg6[%dma_start3A_632] : memref<13312xi32, #tpu.memory_space<vmem>> -> memref<512xi32, #tpu.memory_space<vmem>>
    tpu.enqueue_dma source(%dma_start3A_633 : memref<512xi32, #tpu.memory_space<vmem>>) target(%dma_start3A_631 : memref<512xi32, #tpu.memory_space<hbm>>) target_semaphore(%arg8 : memref<!tpu.dma_semaphore, #tpu.memory_space<semaphore_mem>>)
    %dma_start3A_634 = arith.constant 7 : i32
    %dma_start3A_635 = arith.constant 3584 : i32
    %dma_start3A_636 = tpu.memref_slice %arg6[%dma_start3A_635] : memref<13312xi32, #tpu.memory_space<vmem>> -> memref<512xi32, #tpu.memory_space<vmem>>
    %dma_start3A_637 = tpu.memref_slice %arg4[%dma_start3A_634, %mul3A_2] : memref<26x16384xi32, #tpu.memory_space<hbm>> -> memref<1x512xi32, #tpu.memory_space<hbm>>
    %dma_start3A_638 = tpu.memref_squeeze %dma_start3A_637 : memref<1x512xi32, #tpu.memory_space<hbm>> -> memref<512xi32, #tpu.memory_space<hbm>>
    %dma_start3A_639 = tpu.memref_slice %arg4[%dma_start3A_634, %mul3A_2] : memref<26x16384xi32, #tpu.memory_space<hbm>> -> memref<1x512xi32, #tpu.memory_space<hbm>>
    %dma_start3A_640 = tpu.memref_squeeze %dma_start3A_639 : memref<1x512xi32, #tpu.memory_space<hbm>> -> memref<512xi32, #tpu.memory_space<hbm>>
    %dma_start3A_641 = arith.constant 3584 : i32
    %dma_start3A_642 = tpu.memref_slice %arg6[%dma_start3A_641] : memref<13312xi32, #tpu.memory_space<vmem>> -> memref<512xi32, #tpu.memory_space<vmem>>
    tpu.enqueue_dma source(%dma_start3A_642 : memref<512xi32, #tpu.memory_space<vmem>>) target(%dma_start3A_640 : memref<512xi32, #tpu.memory_space<hbm>>) target_semaphore(%arg8 : memref<!tpu.dma_semaphore, #tpu.memory_space<semaphore_mem>>)
    %dma_wait3A_643 = arith.constant 4096 : i32
    %dma_wait3A_644 = tpu.memref_slice %arg6[%dma_wait3A_643] : memref<13312xi32, #tpu.memory_space<vmem>> -> memref<1024xi32, #tpu.memory_space<vmem>>
    %dma_wait3A_645 = arith.constant 4096 : i32
    %dma_wait3A_646 = tpu.memref_slice %arg5[%dma_wait3A_645] : memref<13312xi32, #tpu.memory_space<vmem>> -> memref<1024xi32, #tpu.memory_space<vmem>>
    %dma_wait3A_647 = arith.constant 0 : i32
    %dma_wait3A_648 = tpu.memref_slice %arg3[%dma_wait3A_647] : memref<2000000xi32, #tpu.memory_space<hbm>> -> memref<2000000xi32, #tpu.memory_space<hbm>>
    tpu.wait_indirect_dma semaphore(%arg13 : memref<!tpu.dma_semaphore, #tpu.memory_space<semaphore_mem>>) src(%dma_wait3A_648 : memref<2000000xi32, #tpu.memory_space<hbm>>) dst(%dma_wait3A_644 : memref<1024xi32, #tpu.memory_space<vmem>>)
    %dma_start3A_649 = arith.constant 8 : i32
    %dma_start3A_650 = arith.constant 4096 : i32
    %dma_start3A_651 = tpu.memref_slice %arg6[%dma_start3A_650] : memref<13312xi32, #tpu.memory_space<vmem>> -> memref<512xi32, #tpu.memory_space<vmem>>
    %dma_start3A_652 = tpu.memref_slice %arg4[%dma_start3A_649, %mul3A_2] : memref<26x16384xi32, #tpu.memory_space<hbm>> -> memref<1x512xi32, #tpu.memory_space<hbm>>
    %dma_start3A_653 = tpu.memref_squeeze %dma_start3A_652 : memref<1x512xi32, #tpu.memory_space<hbm>> -> memref<512xi32, #tpu.memory_space<hbm>>
    %dma_start3A_654 = tpu.memref_slice %arg4[%dma_start3A_649, %mul3A_2] : memref<26x16384xi32, #tpu.memory_space<hbm>> -> memref<1x512xi32, #tpu.memory_space<hbm>>
    %dma_start3A_655 = tpu.memref_squeeze %dma_start3A_654 : memref<1x512xi32, #tpu.memory_space<hbm>> -> memref<512xi32, #tpu.memory_space<hbm>>
    %dma_start3A_656 = arith.constant 4096 : i32
    %dma_start3A_657 = tpu.memref_slice %arg6[%dma_start3A_656] : memref<13312xi32, #tpu.memory_space<vmem>> -> memref<512xi32, #tpu.memory_space<vmem>>
    tpu.enqueue_dma source(%dma_start3A_657 : memref<512xi32, #tpu.memory_space<vmem>>) target(%dma_start3A_655 : memref<512xi32, #tpu.memory_space<hbm>>) target_semaphore(%arg8 : memref<!tpu.dma_semaphore, #tpu.memory_space<semaphore_mem>>)
    %dma_start3A_658 = arith.constant 9 : i32
    %dma_start3A_659 = arith.constant 4608 : i32
    %dma_start3A_660 = tpu.memref_slice %arg6[%dma_start3A_659] : memref<13312xi32, #tpu.memory_space<vmem>> -> memref<512xi32, #tpu.memory_space<vmem>>
    %dma_start3A_661 = tpu.memref_slice %arg4[%dma_start3A_658, %mul3A_2] : memref<26x16384xi32, #tpu.memory_space<hbm>> -> memref<1x512xi32, #tpu.memory_space<hbm>>
    %dma_start3A_662 = tpu.memref_squeeze %dma_start3A_661 : memref<1x512xi32, #tpu.memory_space<hbm>> -> memref<512xi32, #tpu.memory_space<hbm>>
    %dma_start3A_663 = tpu.memref_slice %arg4[%dma_start3A_658, %mul3A_2] : memref<26x16384xi32, #tpu.memory_space<hbm>> -> memref<1x512xi32, #tpu.memory_space<hbm>>
    %dma_start3A_664 = tpu.memref_squeeze %dma_start3A_663 : memref<1x512xi32, #tpu.memory_space<hbm>> -> memref<512xi32, #tpu.memory_space<hbm>>
    %dma_start3A_665 = arith.constant 4608 : i32
    %dma_start3A_666 = tpu.memref_slice %arg6[%dma_start3A_665] : memref<13312xi32, #tpu.memory_space<vmem>> -> memref<512xi32, #tpu.memory_space<vmem>>
    tpu.enqueue_dma source(%dma_start3A_666 : memref<512xi32, #tpu.memory_space<vmem>>) target(%dma_start3A_664 : memref<512xi32, #tpu.memory_space<hbm>>) target_semaphore(%arg8 : memref<!tpu.dma_semaphore, #tpu.memory_space<semaphore_mem>>)
    %dma_wait3A_667 = arith.constant 5120 : i32
    %dma_wait3A_668 = tpu.memref_slice %arg6[%dma_wait3A_667] : memref<13312xi32, #tpu.memory_space<vmem>> -> memref<1024xi32, #tpu.memory_space<vmem>>
    %dma_wait3A_669 = arith.constant 5120 : i32
    %dma_wait3A_670 = tpu.memref_slice %arg5[%dma_wait3A_669] : memref<13312xi32, #tpu.memory_space<vmem>> -> memref<1024xi32, #tpu.memory_space<vmem>>
    %dma_wait3A_671 = arith.constant 0 : i32
    %dma_wait3A_672 = tpu.memref_slice %arg3[%dma_wait3A_671] : memref<2000000xi32, #tpu.memory_space<hbm>> -> memref<2000000xi32, #tpu.memory_space<hbm>>
    tpu.wait_indirect_dma semaphore(%arg14 : memref<!tpu.dma_semaphore, #tpu.memory_space<semaphore_mem>>) src(%dma_wait3A_672 : memref<2000000xi32, #tpu.memory_space<hbm>>) dst(%dma_wait3A_668 : memref<1024xi32, #tpu.memory_space<vmem>>)
    %dma_start3A_673 = arith.constant 10 : i32
    %dma_start3A_674 = arith.constant 5120 : i32
    %dma_start3A_675 = tpu.memref_slice %arg6[%dma_start3A_674] : memref<13312xi32, #tpu.memory_space<vmem>> -> memref<512xi32, #tpu.memory_space<vmem>>
    %dma_start3A_676 = tpu.memref_slice %arg4[%dma_start3A_673, %mul3A_2] : memref<26x16384xi32, #tpu.memory_space<hbm>> -> memref<1x512xi32, #tpu.memory_space<hbm>>
    %dma_start3A_677 = tpu.memref_squeeze %dma_start3A_676 : memref<1x512xi32, #tpu.memory_space<hbm>> -> memref<512xi32, #tpu.memory_space<hbm>>
    %dma_start3A_678 = tpu.memref_slice %arg4[%dma_start3A_673, %mul3A_2] : memref<26x16384xi32, #tpu.memory_space<hbm>> -> memref<1x512xi32, #tpu.memory_space<hbm>>
    %dma_start3A_679 = tpu.memref_squeeze %dma_start3A_678 : memref<1x512xi32, #tpu.memory_space<hbm>> -> memref<512xi32, #tpu.memory_space<hbm>>
    %dma_start3A_680 = arith.constant 5120 : i32
    %dma_start3A_681 = tpu.memref_slice %arg6[%dma_start3A_680] : memref<13312xi32, #tpu.memory_space<vmem>> -> memref<512xi32, #tpu.memory_space<vmem>>
    tpu.enqueue_dma source(%dma_start3A_681 : memref<512xi32, #tpu.memory_space<vmem>>) target(%dma_start3A_679 : memref<512xi32, #tpu.memory_space<hbm>>) target_semaphore(%arg8 : memref<!tpu.dma_semaphore, #tpu.memory_space<semaphore_mem>>)
    %dma_start3A_682 = arith.constant 11 : i32
    %dma_start3A_683 = arith.constant 5632 : i32
    %dma_start3A_684 = tpu.memref_slice %arg6[%dma_start3A_683] : memref<13312xi32, #tpu.memory_space<vmem>> -> memref<512xi32, #tpu.memory_space<vmem>>
    %dma_start3A_685 = tpu.memref_slice %arg4[%dma_start3A_682, %mul3A_2] : memref<26x16384xi32, #tpu.memory_space<hbm>> -> memref<1x512xi32, #tpu.memory_space<hbm>>
    %dma_start3A_686 = tpu.memref_squeeze %dma_start3A_685 : memref<1x512xi32, #tpu.memory_space<hbm>> -> memref<512xi32, #tpu.memory_space<hbm>>
    %dma_start3A_687 = tpu.memref_slice %arg4[%dma_start3A_682, %mul3A_2] : memref<26x16384xi32, #tpu.memory_space<hbm>> -> memref<1x512xi32, #tpu.memory_space<hbm>>
    %dma_start3A_688 = tpu.memref_squeeze %dma_start3A_687 : memref<1x512xi32, #tpu.memory_space<hbm>> -> memref<512xi32, #tpu.memory_space<hbm>>
    %dma_start3A_689 = arith.constant 5632 : i32
    %dma_start3A_690 = tpu.memref_slice %arg6[%dma_start3A_689] : memref<13312xi32, #tpu.memory_space<vmem>> -> memref<512xi32, #tpu.memory_space<vmem>>
    tpu.enqueue_dma source(%dma_start3A_690 : memref<512xi32, #tpu.memory_space<vmem>>) target(%dma_start3A_688 : memref<512xi32, #tpu.memory_space<hbm>>) target_semaphore(%arg8 : memref<!tpu.dma_semaphore, #tpu.memory_space<semaphore_mem>>)
    %dma_wait3A_691 = arith.constant 6144 : i32
    %dma_wait3A_692 = tpu.memref_slice %arg6[%dma_wait3A_691] : memref<13312xi32, #tpu.memory_space<vmem>> -> memref<1024xi32, #tpu.memory_space<vmem>>
    %dma_wait3A_693 = arith.constant 6144 : i32
    %dma_wait3A_694 = tpu.memref_slice %arg5[%dma_wait3A_693] : memref<13312xi32, #tpu.memory_space<vmem>> -> memref<1024xi32, #tpu.memory_space<vmem>>
    %dma_wait3A_695 = arith.constant 0 : i32
    %dma_wait3A_696 = tpu.memref_slice %arg3[%dma_wait3A_695] : memref<2000000xi32, #tpu.memory_space<hbm>> -> memref<2000000xi32, #tpu.memory_space<hbm>>
    tpu.wait_indirect_dma semaphore(%arg15 : memref<!tpu.dma_semaphore, #tpu.memory_space<semaphore_mem>>) src(%dma_wait3A_696 : memref<2000000xi32, #tpu.memory_space<hbm>>) dst(%dma_wait3A_692 : memref<1024xi32, #tpu.memory_space<vmem>>)
    %dma_start3A_697 = arith.constant 12 : i32
    %dma_start3A_698 = arith.constant 6144 : i32
    %dma_start3A_699 = tpu.memref_slice %arg6[%dma_start3A_698] : memref<13312xi32, #tpu.memory_space<vmem>> -> memref<512xi32, #tpu.memory_space<vmem>>
    %dma_start3A_700 = tpu.memref_slice %arg4[%dma_start3A_697, %mul3A_2] : memref<26x16384xi32, #tpu.memory_space<hbm>> -> memref<1x512xi32, #tpu.memory_space<hbm>>
    %dma_start3A_701 = tpu.memref_squeeze %dma_start3A_700 : memref<1x512xi32, #tpu.memory_space<hbm>> -> memref<512xi32, #tpu.memory_space<hbm>>
    %dma_start3A_702 = tpu.memref_slice %arg4[%dma_start3A_697, %mul3A_2] : memref<26x16384xi32, #tpu.memory_space<hbm>> -> memref<1x512xi32, #tpu.memory_space<hbm>>
    %dma_start3A_703 = tpu.memref_squeeze %dma_start3A_702 : memref<1x512xi32, #tpu.memory_space<hbm>> -> memref<512xi32, #tpu.memory_space<hbm>>
    %dma_start3A_704 = arith.constant 6144 : i32
    %dma_start3A_705 = tpu.memref_slice %arg6[%dma_start3A_704] : memref<13312xi32, #tpu.memory_space<vmem>> -> memref<512xi32, #tpu.memory_space<vmem>>
    tpu.enqueue_dma source(%dma_start3A_705 : memref<512xi32, #tpu.memory_space<vmem>>) target(%dma_start3A_703 : memref<512xi32, #tpu.memory_space<hbm>>) target_semaphore(%arg8 : memref<!tpu.dma_semaphore, #tpu.memory_space<semaphore_mem>>)
    %dma_start3A_706 = arith.constant 13 : i32
    %dma_start3A_707 = arith.constant 6656 : i32
    %dma_start3A_708 = tpu.memref_slice %arg6[%dma_start3A_707] : memref<13312xi32, #tpu.memory_space<vmem>> -> memref<512xi32, #tpu.memory_space<vmem>>
    %dma_start3A_709 = tpu.memref_slice %arg4[%dma_start3A_706, %mul3A_2] : memref<26x16384xi32, #tpu.memory_space<hbm>> -> memref<1x512xi32, #tpu.memory_space<hbm>>
    %dma_start3A_710 = tpu.memref_squeeze %dma_start3A_709 : memref<1x512xi32, #tpu.memory_space<hbm>> -> memref<512xi32, #tpu.memory_space<hbm>>
    %dma_start3A_711 = tpu.memref_slice %arg4[%dma_start3A_706, %mul3A_2] : memref<26x16384xi32, #tpu.memory_space<hbm>> -> memref<1x512xi32, #tpu.memory_space<hbm>>
    %dma_start3A_712 = tpu.memref_squeeze %dma_start3A_711 : memref<1x512xi32, #tpu.memory_space<hbm>> -> memref<512xi32, #tpu.memory_space<hbm>>
    %dma_start3A_713 = arith.constant 6656 : i32
    %dma_start3A_714 = tpu.memref_slice %arg6[%dma_start3A_713] : memref<13312xi32, #tpu.memory_space<vmem>> -> memref<512xi32, #tpu.memory_space<vmem>>
    tpu.enqueue_dma source(%dma_start3A_714 : memref<512xi32, #tpu.memory_space<vmem>>) target(%dma_start3A_712 : memref<512xi32, #tpu.memory_space<hbm>>) target_semaphore(%arg8 : memref<!tpu.dma_semaphore, #tpu.memory_space<semaphore_mem>>)
    %dma_wait3A_715 = arith.constant 7168 : i32
    %dma_wait3A_716 = tpu.memref_slice %arg6[%dma_wait3A_715] : memref<13312xi32, #tpu.memory_space<vmem>> -> memref<1024xi32, #tpu.memory_space<vmem>>
    %dma_wait3A_717 = arith.constant 7168 : i32
    %dma_wait3A_718 = tpu.memref_slice %arg5[%dma_wait3A_717] : memref<13312xi32, #tpu.memory_space<vmem>> -> memref<1024xi32, #tpu.memory_space<vmem>>
    %dma_wait3A_719 = arith.constant 0 : i32
    %dma_wait3A_720 = tpu.memref_slice %arg3[%dma_wait3A_719] : memref<2000000xi32, #tpu.memory_space<hbm>> -> memref<2000000xi32, #tpu.memory_space<hbm>>
    tpu.wait_indirect_dma semaphore(%arg16 : memref<!tpu.dma_semaphore, #tpu.memory_space<semaphore_mem>>) src(%dma_wait3A_720 : memref<2000000xi32, #tpu.memory_space<hbm>>) dst(%dma_wait3A_716 : memref<1024xi32, #tpu.memory_space<vmem>>)
    %dma_start3A_721 = arith.constant 14 : i32
    %dma_start3A_722 = arith.constant 7168 : i32
    %dma_start3A_723 = tpu.memref_slice %arg6[%dma_start3A_722] : memref<13312xi32, #tpu.memory_space<vmem>> -> memref<512xi32, #tpu.memory_space<vmem>>
    %dma_start3A_724 = tpu.memref_slice %arg4[%dma_start3A_721, %mul3A_2] : memref<26x16384xi32, #tpu.memory_space<hbm>> -> memref<1x512xi32, #tpu.memory_space<hbm>>
    %dma_start3A_725 = tpu.memref_squeeze %dma_start3A_724 : memref<1x512xi32, #tpu.memory_space<hbm>> -> memref<512xi32, #tpu.memory_space<hbm>>
    %dma_start3A_726 = tpu.memref_slice %arg4[%dma_start3A_721, %mul3A_2] : memref<26x16384xi32, #tpu.memory_space<hbm>> -> memref<1x512xi32, #tpu.memory_space<hbm>>
    %dma_start3A_727 = tpu.memref_squeeze %dma_start3A_726 : memref<1x512xi32, #tpu.memory_space<hbm>> -> memref<512xi32, #tpu.memory_space<hbm>>
    %dma_start3A_728 = arith.constant 7168 : i32
    %dma_start3A_729 = tpu.memref_slice %arg6[%dma_start3A_728] : memref<13312xi32, #tpu.memory_space<vmem>> -> memref<512xi32, #tpu.memory_space<vmem>>
    tpu.enqueue_dma source(%dma_start3A_729 : memref<512xi32, #tpu.memory_space<vmem>>) target(%dma_start3A_727 : memref<512xi32, #tpu.memory_space<hbm>>) target_semaphore(%arg8 : memref<!tpu.dma_semaphore, #tpu.memory_space<semaphore_mem>>)
    %dma_start3A_730 = arith.constant 15 : i32
    %dma_start3A_731 = arith.constant 7680 : i32
    %dma_start3A_732 = tpu.memref_slice %arg6[%dma_start3A_731] : memref<13312xi32, #tpu.memory_space<vmem>> -> memref<512xi32, #tpu.memory_space<vmem>>
    %dma_start3A_733 = tpu.memref_slice %arg4[%dma_start3A_730, %mul3A_2] : memref<26x16384xi32, #tpu.memory_space<hbm>> -> memref<1x512xi32, #tpu.memory_space<hbm>>
    %dma_start3A_734 = tpu.memref_squeeze %dma_start3A_733 : memref<1x512xi32, #tpu.memory_space<hbm>> -> memref<512xi32, #tpu.memory_space<hbm>>
    %dma_start3A_735 = tpu.memref_slice %arg4[%dma_start3A_730, %mul3A_2] : memref<26x16384xi32, #tpu.memory_space<hbm>> -> memref<1x512xi32, #tpu.memory_space<hbm>>
    %dma_start3A_736 = tpu.memref_squeeze %dma_start3A_735 : memref<1x512xi32, #tpu.memory_space<hbm>> -> memref<512xi32, #tpu.memory_space<hbm>>
    %dma_start3A_737 = arith.constant 7680 : i32
    %dma_start3A_738 = tpu.memref_slice %arg6[%dma_start3A_737] : memref<13312xi32, #tpu.memory_space<vmem>> -> memref<512xi32, #tpu.memory_space<vmem>>
    tpu.enqueue_dma source(%dma_start3A_738 : memref<512xi32, #tpu.memory_space<vmem>>) target(%dma_start3A_736 : memref<512xi32, #tpu.memory_space<hbm>>) target_semaphore(%arg8 : memref<!tpu.dma_semaphore, #tpu.memory_space<semaphore_mem>>)
    %dma_wait3A_739 = arith.constant 8192 : i32
    %dma_wait3A_740 = tpu.memref_slice %arg6[%dma_wait3A_739] : memref<13312xi32, #tpu.memory_space<vmem>> -> memref<1024xi32, #tpu.memory_space<vmem>>
    %dma_wait3A_741 = arith.constant 8192 : i32
    %dma_wait3A_742 = tpu.memref_slice %arg5[%dma_wait3A_741] : memref<13312xi32, #tpu.memory_space<vmem>> -> memref<1024xi32, #tpu.memory_space<vmem>>
    %dma_wait3A_743 = arith.constant 0 : i32
    %dma_wait3A_744 = tpu.memref_slice %arg3[%dma_wait3A_743] : memref<2000000xi32, #tpu.memory_space<hbm>> -> memref<2000000xi32, #tpu.memory_space<hbm>>
    tpu.wait_indirect_dma semaphore(%arg17 : memref<!tpu.dma_semaphore, #tpu.memory_space<semaphore_mem>>) src(%dma_wait3A_744 : memref<2000000xi32, #tpu.memory_space<hbm>>) dst(%dma_wait3A_740 : memref<1024xi32, #tpu.memory_space<vmem>>)
    %dma_start3A_745 = arith.constant 16 : i32
    %dma_start3A_746 = arith.constant 8192 : i32
    %dma_start3A_747 = tpu.memref_slice %arg6[%dma_start3A_746] : memref<13312xi32, #tpu.memory_space<vmem>> -> memref<512xi32, #tpu.memory_space<vmem>>
    %dma_start3A_748 = tpu.memref_slice %arg4[%dma_start3A_745, %mul3A_2] : memref<26x16384xi32, #tpu.memory_space<hbm>> -> memref<1x512xi32, #tpu.memory_space<hbm>>
    %dma_start3A_749 = tpu.memref_squeeze %dma_start3A_748 : memref<1x512xi32, #tpu.memory_space<hbm>> -> memref<512xi32, #tpu.memory_space<hbm>>
    %dma_start3A_750 = tpu.memref_slice %arg4[%dma_start3A_745, %mul3A_2] : memref<26x16384xi32, #tpu.memory_space<hbm>> -> memref<1x512xi32, #tpu.memory_space<hbm>>
    %dma_start3A_751 = tpu.memref_squeeze %dma_start3A_750 : memref<1x512xi32, #tpu.memory_space<hbm>> -> memref<512xi32, #tpu.memory_space<hbm>>
    %dma_start3A_752 = arith.constant 8192 : i32
    %dma_start3A_753 = tpu.memref_slice %arg6[%dma_start3A_752] : memref<13312xi32, #tpu.memory_space<vmem>> -> memref<512xi32, #tpu.memory_space<vmem>>
    tpu.enqueue_dma source(%dma_start3A_753 : memref<512xi32, #tpu.memory_space<vmem>>) target(%dma_start3A_751 : memref<512xi32, #tpu.memory_space<hbm>>) target_semaphore(%arg8 : memref<!tpu.dma_semaphore, #tpu.memory_space<semaphore_mem>>)
    %dma_start3A_754 = arith.constant 17 : i32
    %dma_start3A_755 = arith.constant 8704 : i32
    %dma_start3A_756 = tpu.memref_slice %arg6[%dma_start3A_755] : memref<13312xi32, #tpu.memory_space<vmem>> -> memref<512xi32, #tpu.memory_space<vmem>>
    %dma_start3A_757 = tpu.memref_slice %arg4[%dma_start3A_754, %mul3A_2] : memref<26x16384xi32, #tpu.memory_space<hbm>> -> memref<1x512xi32, #tpu.memory_space<hbm>>
    %dma_start3A_758 = tpu.memref_squeeze %dma_start3A_757 : memref<1x512xi32, #tpu.memory_space<hbm>> -> memref<512xi32, #tpu.memory_space<hbm>>
    %dma_start3A_759 = tpu.memref_slice %arg4[%dma_start3A_754, %mul3A_2] : memref<26x16384xi32, #tpu.memory_space<hbm>> -> memref<1x512xi32, #tpu.memory_space<hbm>>
    %dma_start3A_760 = tpu.memref_squeeze %dma_start3A_759 : memref<1x512xi32, #tpu.memory_space<hbm>> -> memref<512xi32, #tpu.memory_space<hbm>>
    %dma_start3A_761 = arith.constant 8704 : i32
    %dma_start3A_762 = tpu.memref_slice %arg6[%dma_start3A_761] : memref<13312xi32, #tpu.memory_space<vmem>> -> memref<512xi32, #tpu.memory_space<vmem>>
    tpu.enqueue_dma source(%dma_start3A_762 : memref<512xi32, #tpu.memory_space<vmem>>) target(%dma_start3A_760 : memref<512xi32, #tpu.memory_space<hbm>>) target_semaphore(%arg8 : memref<!tpu.dma_semaphore, #tpu.memory_space<semaphore_mem>>)
    %dma_wait3A_763 = arith.constant 9216 : i32
    %dma_wait3A_764 = tpu.memref_slice %arg6[%dma_wait3A_763] : memref<13312xi32, #tpu.memory_space<vmem>> -> memref<1024xi32, #tpu.memory_space<vmem>>
    %dma_wait3A_765 = arith.constant 9216 : i32
    %dma_wait3A_766 = tpu.memref_slice %arg5[%dma_wait3A_765] : memref<13312xi32, #tpu.memory_space<vmem>> -> memref<1024xi32, #tpu.memory_space<vmem>>
    %dma_wait3A_767 = arith.constant 0 : i32
    %dma_wait3A_768 = tpu.memref_slice %arg3[%dma_wait3A_767] : memref<2000000xi32, #tpu.memory_space<hbm>> -> memref<2000000xi32, #tpu.memory_space<hbm>>
    tpu.wait_indirect_dma semaphore(%arg18 : memref<!tpu.dma_semaphore, #tpu.memory_space<semaphore_mem>>) src(%dma_wait3A_768 : memref<2000000xi32, #tpu.memory_space<hbm>>) dst(%dma_wait3A_764 : memref<1024xi32, #tpu.memory_space<vmem>>)
    %dma_start3A_769 = arith.constant 18 : i32
    %dma_start3A_770 = arith.constant 9216 : i32
    %dma_start3A_771 = tpu.memref_slice %arg6[%dma_start3A_770] : memref<13312xi32, #tpu.memory_space<vmem>> -> memref<512xi32, #tpu.memory_space<vmem>>
    %dma_start3A_772 = tpu.memref_slice %arg4[%dma_start3A_769, %mul3A_2] : memref<26x16384xi32, #tpu.memory_space<hbm>> -> memref<1x512xi32, #tpu.memory_space<hbm>>
    %dma_start3A_773 = tpu.memref_squeeze %dma_start3A_772 : memref<1x512xi32, #tpu.memory_space<hbm>> -> memref<512xi32, #tpu.memory_space<hbm>>
    %dma_start3A_774 = tpu.memref_slice %arg4[%dma_start3A_769, %mul3A_2] : memref<26x16384xi32, #tpu.memory_space<hbm>> -> memref<1x512xi32, #tpu.memory_space<hbm>>
    %dma_start3A_775 = tpu.memref_squeeze %dma_start3A_774 : memref<1x512xi32, #tpu.memory_space<hbm>> -> memref<512xi32, #tpu.memory_space<hbm>>
    %dma_start3A_776 = arith.constant 9216 : i32
    %dma_start3A_777 = tpu.memref_slice %arg6[%dma_start3A_776] : memref<13312xi32, #tpu.memory_space<vmem>> -> memref<512xi32, #tpu.memory_space<vmem>>
    tpu.enqueue_dma source(%dma_start3A_777 : memref<512xi32, #tpu.memory_space<vmem>>) target(%dma_start3A_775 : memref<512xi32, #tpu.memory_space<hbm>>) target_semaphore(%arg8 : memref<!tpu.dma_semaphore, #tpu.memory_space<semaphore_mem>>)
    %dma_start3A_778 = arith.constant 19 : i32
    %dma_start3A_779 = arith.constant 9728 : i32
    %dma_start3A_780 = tpu.memref_slice %arg6[%dma_start3A_779] : memref<13312xi32, #tpu.memory_space<vmem>> -> memref<512xi32, #tpu.memory_space<vmem>>
    %dma_start3A_781 = tpu.memref_slice %arg4[%dma_start3A_778, %mul3A_2] : memref<26x16384xi32, #tpu.memory_space<hbm>> -> memref<1x512xi32, #tpu.memory_space<hbm>>
    %dma_start3A_782 = tpu.memref_squeeze %dma_start3A_781 : memref<1x512xi32, #tpu.memory_space<hbm>> -> memref<512xi32, #tpu.memory_space<hbm>>
    %dma_start3A_783 = tpu.memref_slice %arg4[%dma_start3A_778, %mul3A_2] : memref<26x16384xi32, #tpu.memory_space<hbm>> -> memref<1x512xi32, #tpu.memory_space<hbm>>
    %dma_start3A_784 = tpu.memref_squeeze %dma_start3A_783 : memref<1x512xi32, #tpu.memory_space<hbm>> -> memref<512xi32, #tpu.memory_space<hbm>>
    %dma_start3A_785 = arith.constant 9728 : i32
    %dma_start3A_786 = tpu.memref_slice %arg6[%dma_start3A_785] : memref<13312xi32, #tpu.memory_space<vmem>> -> memref<512xi32, #tpu.memory_space<vmem>>
    tpu.enqueue_dma source(%dma_start3A_786 : memref<512xi32, #tpu.memory_space<vmem>>) target(%dma_start3A_784 : memref<512xi32, #tpu.memory_space<hbm>>) target_semaphore(%arg8 : memref<!tpu.dma_semaphore, #tpu.memory_space<semaphore_mem>>)
    %dma_wait3A_787 = arith.constant 10240 : i32
    %dma_wait3A_788 = tpu.memref_slice %arg6[%dma_wait3A_787] : memref<13312xi32, #tpu.memory_space<vmem>> -> memref<1024xi32, #tpu.memory_space<vmem>>
    %dma_wait3A_789 = arith.constant 10240 : i32
    %dma_wait3A_790 = tpu.memref_slice %arg5[%dma_wait3A_789] : memref<13312xi32, #tpu.memory_space<vmem>> -> memref<1024xi32, #tpu.memory_space<vmem>>
    %dma_wait3A_791 = arith.constant 0 : i32
    %dma_wait3A_792 = tpu.memref_slice %arg3[%dma_wait3A_791] : memref<2000000xi32, #tpu.memory_space<hbm>> -> memref<2000000xi32, #tpu.memory_space<hbm>>
    tpu.wait_indirect_dma semaphore(%arg19 : memref<!tpu.dma_semaphore, #tpu.memory_space<semaphore_mem>>) src(%dma_wait3A_792 : memref<2000000xi32, #tpu.memory_space<hbm>>) dst(%dma_wait3A_788 : memref<1024xi32, #tpu.memory_space<vmem>>)
    %dma_start3A_793 = arith.constant 20 : i32
    %dma_start3A_794 = arith.constant 10240 : i32
    %dma_start3A_795 = tpu.memref_slice %arg6[%dma_start3A_794] : memref<13312xi32, #tpu.memory_space<vmem>> -> memref<512xi32, #tpu.memory_space<vmem>>
    %dma_start3A_796 = tpu.memref_slice %arg4[%dma_start3A_793, %mul3A_2] : memref<26x16384xi32, #tpu.memory_space<hbm>> -> memref<1x512xi32, #tpu.memory_space<hbm>>
    %dma_start3A_797 = tpu.memref_squeeze %dma_start3A_796 : memref<1x512xi32, #tpu.memory_space<hbm>> -> memref<512xi32, #tpu.memory_space<hbm>>
    %dma_start3A_798 = tpu.memref_slice %arg4[%dma_start3A_793, %mul3A_2] : memref<26x16384xi32, #tpu.memory_space<hbm>> -> memref<1x512xi32, #tpu.memory_space<hbm>>
    %dma_start3A_799 = tpu.memref_squeeze %dma_start3A_798 : memref<1x512xi32, #tpu.memory_space<hbm>> -> memref<512xi32, #tpu.memory_space<hbm>>
    %dma_start3A_800 = arith.constant 10240 : i32
    %dma_start3A_801 = tpu.memref_slice %arg6[%dma_start3A_800] : memref<13312xi32, #tpu.memory_space<vmem>> -> memref<512xi32, #tpu.memory_space<vmem>>
    tpu.enqueue_dma source(%dma_start3A_801 : memref<512xi32, #tpu.memory_space<vmem>>) target(%dma_start3A_799 : memref<512xi32, #tpu.memory_space<hbm>>) target_semaphore(%arg8 : memref<!tpu.dma_semaphore, #tpu.memory_space<semaphore_mem>>)
    %dma_start3A_802 = arith.constant 21 : i32
    %dma_start3A_803 = arith.constant 10752 : i32
    %dma_start3A_804 = tpu.memref_slice %arg6[%dma_start3A_803] : memref<13312xi32, #tpu.memory_space<vmem>> -> memref<512xi32, #tpu.memory_space<vmem>>
    %dma_start3A_805 = tpu.memref_slice %arg4[%dma_start3A_802, %mul3A_2] : memref<26x16384xi32, #tpu.memory_space<hbm>> -> memref<1x512xi32, #tpu.memory_space<hbm>>
    %dma_start3A_806 = tpu.memref_squeeze %dma_start3A_805 : memref<1x512xi32, #tpu.memory_space<hbm>> -> memref<512xi32, #tpu.memory_space<hbm>>
    %dma_start3A_807 = tpu.memref_slice %arg4[%dma_start3A_802, %mul3A_2] : memref<26x16384xi32, #tpu.memory_space<hbm>> -> memref<1x512xi32, #tpu.memory_space<hbm>>
    %dma_start3A_808 = tpu.memref_squeeze %dma_start3A_807 : memref<1x512xi32, #tpu.memory_space<hbm>> -> memref<512xi32, #tpu.memory_space<hbm>>
    %dma_start3A_809 = arith.constant 10752 : i32
    %dma_start3A_810 = tpu.memref_slice %arg6[%dma_start3A_809] : memref<13312xi32, #tpu.memory_space<vmem>> -> memref<512xi32, #tpu.memory_space<vmem>>
    tpu.enqueue_dma source(%dma_start3A_810 : memref<512xi32, #tpu.memory_space<vmem>>) target(%dma_start3A_808 : memref<512xi32, #tpu.memory_space<hbm>>) target_semaphore(%arg8 : memref<!tpu.dma_semaphore, #tpu.memory_space<semaphore_mem>>)
    %dma_wait3A_811 = arith.constant 11264 : i32
    %dma_wait3A_812 = tpu.memref_slice %arg6[%dma_wait3A_811] : memref<13312xi32, #tpu.memory_space<vmem>> -> memref<1024xi32, #tpu.memory_space<vmem>>
    %dma_wait3A_813 = arith.constant 11264 : i32
    %dma_wait3A_814 = tpu.memref_slice %arg5[%dma_wait3A_813] : memref<13312xi32, #tpu.memory_space<vmem>> -> memref<1024xi32, #tpu.memory_space<vmem>>
    %dma_wait3A_815 = arith.constant 0 : i32
    %dma_wait3A_816 = tpu.memref_slice %arg3[%dma_wait3A_815] : memref<2000000xi32, #tpu.memory_space<hbm>> -> memref<2000000xi32, #tpu.memory_space<hbm>>
    tpu.wait_indirect_dma semaphore(%arg20 : memref<!tpu.dma_semaphore, #tpu.memory_space<semaphore_mem>>) src(%dma_wait3A_816 : memref<2000000xi32, #tpu.memory_space<hbm>>) dst(%dma_wait3A_812 : memref<1024xi32, #tpu.memory_space<vmem>>)
    %dma_start3A_817 = arith.constant 22 : i32
    %dma_start3A_818 = arith.constant 11264 : i32
    %dma_start3A_819 = tpu.memref_slice %arg6[%dma_start3A_818] : memref<13312xi32, #tpu.memory_space<vmem>> -> memref<512xi32, #tpu.memory_space<vmem>>
    %dma_start3A_820 = tpu.memref_slice %arg4[%dma_start3A_817, %mul3A_2] : memref<26x16384xi32, #tpu.memory_space<hbm>> -> memref<1x512xi32, #tpu.memory_space<hbm>>
    %dma_start3A_821 = tpu.memref_squeeze %dma_start3A_820 : memref<1x512xi32, #tpu.memory_space<hbm>> -> memref<512xi32, #tpu.memory_space<hbm>>
    %dma_start3A_822 = tpu.memref_slice %arg4[%dma_start3A_817, %mul3A_2] : memref<26x16384xi32, #tpu.memory_space<hbm>> -> memref<1x512xi32, #tpu.memory_space<hbm>>
    %dma_start3A_823 = tpu.memref_squeeze %dma_start3A_822 : memref<1x512xi32, #tpu.memory_space<hbm>> -> memref<512xi32, #tpu.memory_space<hbm>>
    %dma_start3A_824 = arith.constant 11264 : i32
    %dma_start3A_825 = tpu.memref_slice %arg6[%dma_start3A_824] : memref<13312xi32, #tpu.memory_space<vmem>> -> memref<512xi32, #tpu.memory_space<vmem>>
    tpu.enqueue_dma source(%dma_start3A_825 : memref<512xi32, #tpu.memory_space<vmem>>) target(%dma_start3A_823 : memref<512xi32, #tpu.memory_space<hbm>>) target_semaphore(%arg8 : memref<!tpu.dma_semaphore, #tpu.memory_space<semaphore_mem>>)
    %dma_start3A_826 = arith.constant 23 : i32
    %dma_start3A_827 = arith.constant 11776 : i32
    %dma_start3A_828 = tpu.memref_slice %arg6[%dma_start3A_827] : memref<13312xi32, #tpu.memory_space<vmem>> -> memref<512xi32, #tpu.memory_space<vmem>>
    %dma_start3A_829 = tpu.memref_slice %arg4[%dma_start3A_826, %mul3A_2] : memref<26x16384xi32, #tpu.memory_space<hbm>> -> memref<1x512xi32, #tpu.memory_space<hbm>>
    %dma_start3A_830 = tpu.memref_squeeze %dma_start3A_829 : memref<1x512xi32, #tpu.memory_space<hbm>> -> memref<512xi32, #tpu.memory_space<hbm>>
    %dma_start3A_831 = tpu.memref_slice %arg4[%dma_start3A_826, %mul3A_2] : memref<26x16384xi32, #tpu.memory_space<hbm>> -> memref<1x512xi32, #tpu.memory_space<hbm>>
    %dma_start3A_832 = tpu.memref_squeeze %dma_start3A_831 : memref<1x512xi32, #tpu.memory_space<hbm>> -> memref<512xi32, #tpu.memory_space<hbm>>
    %dma_start3A_833 = arith.constant 11776 : i32
    %dma_start3A_834 = tpu.memref_slice %arg6[%dma_start3A_833] : memref<13312xi32, #tpu.memory_space<vmem>> -> memref<512xi32, #tpu.memory_space<vmem>>
    tpu.enqueue_dma source(%dma_start3A_834 : memref<512xi32, #tpu.memory_space<vmem>>) target(%dma_start3A_832 : memref<512xi32, #tpu.memory_space<hbm>>) target_semaphore(%arg8 : memref<!tpu.dma_semaphore, #tpu.memory_space<semaphore_mem>>)
    %dma_wait3A_835 = arith.constant 12288 : i32
    %dma_wait3A_836 = tpu.memref_slice %arg6[%dma_wait3A_835] : memref<13312xi32, #tpu.memory_space<vmem>> -> memref<1024xi32, #tpu.memory_space<vmem>>
    %dma_wait3A_837 = arith.constant 12288 : i32
    %dma_wait3A_838 = tpu.memref_slice %arg5[%dma_wait3A_837] : memref<13312xi32, #tpu.memory_space<vmem>> -> memref<1024xi32, #tpu.memory_space<vmem>>
    %dma_wait3A_839 = arith.constant 0 : i32
    %dma_wait3A_840 = tpu.memref_slice %arg3[%dma_wait3A_839] : memref<2000000xi32, #tpu.memory_space<hbm>> -> memref<2000000xi32, #tpu.memory_space<hbm>>
    tpu.wait_indirect_dma semaphore(%arg21 : memref<!tpu.dma_semaphore, #tpu.memory_space<semaphore_mem>>) src(%dma_wait3A_840 : memref<2000000xi32, #tpu.memory_space<hbm>>) dst(%dma_wait3A_836 : memref<1024xi32, #tpu.memory_space<vmem>>)
    %dma_start3A_841 = arith.constant 24 : i32
    %dma_start3A_842 = arith.constant 12288 : i32
    %dma_start3A_843 = tpu.memref_slice %arg6[%dma_start3A_842] : memref<13312xi32, #tpu.memory_space<vmem>> -> memref<512xi32, #tpu.memory_space<vmem>>
    %dma_start3A_844 = tpu.memref_slice %arg4[%dma_start3A_841, %mul3A_2] : memref<26x16384xi32, #tpu.memory_space<hbm>> -> memref<1x512xi32, #tpu.memory_space<hbm>>
    %dma_start3A_845 = tpu.memref_squeeze %dma_start3A_844 : memref<1x512xi32, #tpu.memory_space<hbm>> -> memref<512xi32, #tpu.memory_space<hbm>>
    %dma_start3A_846 = tpu.memref_slice %arg4[%dma_start3A_841, %mul3A_2] : memref<26x16384xi32, #tpu.memory_space<hbm>> -> memref<1x512xi32, #tpu.memory_space<hbm>>
    %dma_start3A_847 = tpu.memref_squeeze %dma_start3A_846 : memref<1x512xi32, #tpu.memory_space<hbm>> -> memref<512xi32, #tpu.memory_space<hbm>>
    %dma_start3A_848 = arith.constant 12288 : i32
    %dma_start3A_849 = tpu.memref_slice %arg6[%dma_start3A_848] : memref<13312xi32, #tpu.memory_space<vmem>> -> memref<512xi32, #tpu.memory_space<vmem>>
    tpu.enqueue_dma source(%dma_start3A_849 : memref<512xi32, #tpu.memory_space<vmem>>) target(%dma_start3A_847 : memref<512xi32, #tpu.memory_space<hbm>>) target_semaphore(%arg8 : memref<!tpu.dma_semaphore, #tpu.memory_space<semaphore_mem>>)
    %dma_start3A_850 = arith.constant 25 : i32
    %dma_start3A_851 = arith.constant 12800 : i32
    %dma_start3A_852 = tpu.memref_slice %arg6[%dma_start3A_851] : memref<13312xi32, #tpu.memory_space<vmem>> -> memref<512xi32, #tpu.memory_space<vmem>>
    %dma_start3A_853 = tpu.memref_slice %arg4[%dma_start3A_850, %mul3A_2] : memref<26x16384xi32, #tpu.memory_space<hbm>> -> memref<1x512xi32, #tpu.memory_space<hbm>>
    %dma_start3A_854 = tpu.memref_squeeze %dma_start3A_853 : memref<1x512xi32, #tpu.memory_space<hbm>> -> memref<512xi32, #tpu.memory_space<hbm>>
    %dma_start3A_855 = tpu.memref_slice %arg4[%dma_start3A_850, %mul3A_2] : memref<26x16384xi32, #tpu.memory_space<hbm>> -> memref<1x512xi32, #tpu.memory_space<hbm>>
    %dma_start3A_856 = tpu.memref_squeeze %dma_start3A_855 : memref<1x512xi32, #tpu.memory_space<hbm>> -> memref<512xi32, #tpu.memory_space<hbm>>
    %dma_start3A_857 = arith.constant 12800 : i32
    %dma_start3A_858 = tpu.memref_slice %arg6[%dma_start3A_857] : memref<13312xi32, #tpu.memory_space<vmem>> -> memref<512xi32, #tpu.memory_space<vmem>>
    tpu.enqueue_dma source(%dma_start3A_858 : memref<512xi32, #tpu.memory_space<vmem>>) target(%dma_start3A_856 : memref<512xi32, #tpu.memory_space<hbm>>) target_semaphore(%arg8 : memref<!tpu.dma_semaphore, #tpu.memory_space<semaphore_mem>>)
    %dma_wait3A_859 = arith.constant 0 : i32
    %dma_wait3A_860 = arith.constant 0 : i32
    %dma_wait3A_861 = tpu.memref_slice %arg6[%dma_wait3A_860] : memref<13312xi32, #tpu.memory_space<vmem>> -> memref<512xi32, #tpu.memory_space<vmem>>
    %dma_wait3A_862 = tpu.memref_slice %arg4[%dma_wait3A_859, %mul3A_2] : memref<26x16384xi32, #tpu.memory_space<hbm>> -> memref<1x512xi32, #tpu.memory_space<hbm>>
    %dma_wait3A_863 = tpu.memref_squeeze %dma_wait3A_862 : memref<1x512xi32, #tpu.memory_space<hbm>> -> memref<512xi32, #tpu.memory_space<hbm>>
    %dma_wait3A_864 = tpu.memref_slice %arg4[%dma_wait3A_859, %mul3A_2] : memref<26x16384xi32, #tpu.memory_space<hbm>> -> memref<1x512xi32, #tpu.memory_space<hbm>>
    %dma_wait3A_865 = tpu.memref_squeeze %dma_wait3A_864 : memref<1x512xi32, #tpu.memory_space<hbm>> -> memref<512xi32, #tpu.memory_space<hbm>>
    %dma_wait3A_866 = arith.constant 0 : i32
    %dma_wait3A_867 = tpu.memref_slice %arg6[%dma_wait3A_866] : memref<13312xi32, #tpu.memory_space<vmem>> -> memref<512xi32, #tpu.memory_space<vmem>>
    tpu.wait_dma2 semaphore(%arg8 : memref<!tpu.dma_semaphore, #tpu.memory_space<semaphore_mem>>) src(%dma_wait3A_867 : memref<512xi32, #tpu.memory_space<vmem>>) dst(%dma_wait3A_865 : memref<512xi32, #tpu.memory_space<hbm>>)
    %dma_wait3A_868 = arith.constant 1 : i32
    %dma_wait3A_869 = arith.constant 512 : i32
    %dma_wait3A_870 = tpu.memref_slice %arg6[%dma_wait3A_869] : memref<13312xi32, #tpu.memory_space<vmem>> -> memref<512xi32, #tpu.memory_space<vmem>>
    %dma_wait3A_871 = tpu.memref_slice %arg4[%dma_wait3A_868, %mul3A_2] : memref<26x16384xi32, #tpu.memory_space<hbm>> -> memref<1x512xi32, #tpu.memory_space<hbm>>
    %dma_wait3A_872 = tpu.memref_squeeze %dma_wait3A_871 : memref<1x512xi32, #tpu.memory_space<hbm>> -> memref<512xi32, #tpu.memory_space<hbm>>
    %dma_wait3A_873 = tpu.memref_slice %arg4[%dma_wait3A_868, %mul3A_2] : memref<26x16384xi32, #tpu.memory_space<hbm>> -> memref<1x512xi32, #tpu.memory_space<hbm>>
    %dma_wait3A_874 = tpu.memref_squeeze %dma_wait3A_873 : memref<1x512xi32, #tpu.memory_space<hbm>> -> memref<512xi32, #tpu.memory_space<hbm>>
    %dma_wait3A_875 = arith.constant 512 : i32
    %dma_wait3A_876 = tpu.memref_slice %arg6[%dma_wait3A_875] : memref<13312xi32, #tpu.memory_space<vmem>> -> memref<512xi32, #tpu.memory_space<vmem>>
    tpu.wait_dma2 semaphore(%arg8 : memref<!tpu.dma_semaphore, #tpu.memory_space<semaphore_mem>>) src(%dma_wait3A_876 : memref<512xi32, #tpu.memory_space<vmem>>) dst(%dma_wait3A_874 : memref<512xi32, #tpu.memory_space<hbm>>)
    %dma_wait3A_877 = arith.constant 2 : i32
    %dma_wait3A_878 = arith.constant 1024 : i32
    %dma_wait3A_879 = tpu.memref_slice %arg6[%dma_wait3A_878] : memref<13312xi32, #tpu.memory_space<vmem>> -> memref<512xi32, #tpu.memory_space<vmem>>
    %dma_wait3A_880 = tpu.memref_slice %arg4[%dma_wait3A_877, %mul3A_2] : memref<26x16384xi32, #tpu.memory_space<hbm>> -> memref<1x512xi32, #tpu.memory_space<hbm>>
    %dma_wait3A_881 = tpu.memref_squeeze %dma_wait3A_880 : memref<1x512xi32, #tpu.memory_space<hbm>> -> memref<512xi32, #tpu.memory_space<hbm>>
    %dma_wait3A_882 = tpu.memref_slice %arg4[%dma_wait3A_877, %mul3A_2] : memref<26x16384xi32, #tpu.memory_space<hbm>> -> memref<1x512xi32, #tpu.memory_space<hbm>>
    %dma_wait3A_883 = tpu.memref_squeeze %dma_wait3A_882 : memref<1x512xi32, #tpu.memory_space<hbm>> -> memref<512xi32, #tpu.memory_space<hbm>>
    %dma_wait3A_884 = arith.constant 1024 : i32
    %dma_wait3A_885 = tpu.memref_slice %arg6[%dma_wait3A_884] : memref<13312xi32, #tpu.memory_space<vmem>> -> memref<512xi32, #tpu.memory_space<vmem>>
    tpu.wait_dma2 semaphore(%arg8 : memref<!tpu.dma_semaphore, #tpu.memory_space<semaphore_mem>>) src(%dma_wait3A_885 : memref<512xi32, #tpu.memory_space<vmem>>) dst(%dma_wait3A_883 : memref<512xi32, #tpu.memory_space<hbm>>)
    %dma_wait3A_886 = arith.constant 3 : i32
    %dma_wait3A_887 = arith.constant 1536 : i32
    %dma_wait3A_888 = tpu.memref_slice %arg6[%dma_wait3A_887] : memref<13312xi32, #tpu.memory_space<vmem>> -> memref<512xi32, #tpu.memory_space<vmem>>
    %dma_wait3A_889 = tpu.memref_slice %arg4[%dma_wait3A_886, %mul3A_2] : memref<26x16384xi32, #tpu.memory_space<hbm>> -> memref<1x512xi32, #tpu.memory_space<hbm>>
    %dma_wait3A_890 = tpu.memref_squeeze %dma_wait3A_889 : memref<1x512xi32, #tpu.memory_space<hbm>> -> memref<512xi32, #tpu.memory_space<hbm>>
    %dma_wait3A_891 = tpu.memref_slice %arg4[%dma_wait3A_886, %mul3A_2] : memref<26x16384xi32, #tpu.memory_space<hbm>> -> memref<1x512xi32, #tpu.memory_space<hbm>>
    %dma_wait3A_892 = tpu.memref_squeeze %dma_wait3A_891 : memref<1x512xi32, #tpu.memory_space<hbm>> -> memref<512xi32, #tpu.memory_space<hbm>>
    %dma_wait3A_893 = arith.constant 1536 : i32
    %dma_wait3A_894 = tpu.memref_slice %arg6[%dma_wait3A_893] : memref<13312xi32, #tpu.memory_space<vmem>> -> memref<512xi32, #tpu.memory_space<vmem>>
    tpu.wait_dma2 semaphore(%arg8 : memref<!tpu.dma_semaphore, #tpu.memory_space<semaphore_mem>>) src(%dma_wait3A_894 : memref<512xi32, #tpu.memory_space<vmem>>) dst(%dma_wait3A_892 : memref<512xi32, #tpu.memory_space<hbm>>)
    %dma_wait3A_895 = arith.constant 4 : i32
    %dma_wait3A_896 = arith.constant 2048 : i32
    %dma_wait3A_897 = tpu.memref_slice %arg6[%dma_wait3A_896] : memref<13312xi32, #tpu.memory_space<vmem>> -> memref<512xi32, #tpu.memory_space<vmem>>
    %dma_wait3A_898 = tpu.memref_slice %arg4[%dma_wait3A_895, %mul3A_2] : memref<26x16384xi32, #tpu.memory_space<hbm>> -> memref<1x512xi32, #tpu.memory_space<hbm>>
    %dma_wait3A_899 = tpu.memref_squeeze %dma_wait3A_898 : memref<1x512xi32, #tpu.memory_space<hbm>> -> memref<512xi32, #tpu.memory_space<hbm>>
    %dma_wait3A_900 = tpu.memref_slice %arg4[%dma_wait3A_895, %mul3A_2] : memref<26x16384xi32, #tpu.memory_space<hbm>> -> memref<1x512xi32, #tpu.memory_space<hbm>>
    %dma_wait3A_901 = tpu.memref_squeeze %dma_wait3A_900 : memref<1x512xi32, #tpu.memory_space<hbm>> -> memref<512xi32, #tpu.memory_space<hbm>>
    %dma_wait3A_902 = arith.constant 2048 : i32
    %dma_wait3A_903 = tpu.memref_slice %arg6[%dma_wait3A_902] : memref<13312xi32, #tpu.memory_space<vmem>> -> memref<512xi32, #tpu.memory_space<vmem>>
    tpu.wait_dma2 semaphore(%arg8 : memref<!tpu.dma_semaphore, #tpu.memory_space<semaphore_mem>>) src(%dma_wait3A_903 : memref<512xi32, #tpu.memory_space<vmem>>) dst(%dma_wait3A_901 : memref<512xi32, #tpu.memory_space<hbm>>)
    %dma_wait3A_904 = arith.constant 5 : i32
    %dma_wait3A_905 = arith.constant 2560 : i32
    %dma_wait3A_906 = tpu.memref_slice %arg6[%dma_wait3A_905] : memref<13312xi32, #tpu.memory_space<vmem>> -> memref<512xi32, #tpu.memory_space<vmem>>
    %dma_wait3A_907 = tpu.memref_slice %arg4[%dma_wait3A_904, %mul3A_2] : memref<26x16384xi32, #tpu.memory_space<hbm>> -> memref<1x512xi32, #tpu.memory_space<hbm>>
    %dma_wait3A_908 = tpu.memref_squeeze %dma_wait3A_907 : memref<1x512xi32, #tpu.memory_space<hbm>> -> memref<512xi32, #tpu.memory_space<hbm>>
    %dma_wait3A_909 = tpu.memref_slice %arg4[%dma_wait3A_904, %mul3A_2] : memref<26x16384xi32, #tpu.memory_space<hbm>> -> memref<1x512xi32, #tpu.memory_space<hbm>>
    %dma_wait3A_910 = tpu.memref_squeeze %dma_wait3A_909 : memref<1x512xi32, #tpu.memory_space<hbm>> -> memref<512xi32, #tpu.memory_space<hbm>>
    %dma_wait3A_911 = arith.constant 2560 : i32
    %dma_wait3A_912 = tpu.memref_slice %arg6[%dma_wait3A_911] : memref<13312xi32, #tpu.memory_space<vmem>> -> memref<512xi32, #tpu.memory_space<vmem>>
    tpu.wait_dma2 semaphore(%arg8 : memref<!tpu.dma_semaphore, #tpu.memory_space<semaphore_mem>>) src(%dma_wait3A_912 : memref<512xi32, #tpu.memory_space<vmem>>) dst(%dma_wait3A_910 : memref<512xi32, #tpu.memory_space<hbm>>)
    %dma_wait3A_913 = arith.constant 6 : i32
    %dma_wait3A_914 = arith.constant 3072 : i32
    %dma_wait3A_915 = tpu.memref_slice %arg6[%dma_wait3A_914] : memref<13312xi32, #tpu.memory_space<vmem>> -> memref<512xi32, #tpu.memory_space<vmem>>
    %dma_wait3A_916 = tpu.memref_slice %arg4[%dma_wait3A_913, %mul3A_2] : memref<26x16384xi32, #tpu.memory_space<hbm>> -> memref<1x512xi32, #tpu.memory_space<hbm>>
    %dma_wait3A_917 = tpu.memref_squeeze %dma_wait3A_916 : memref<1x512xi32, #tpu.memory_space<hbm>> -> memref<512xi32, #tpu.memory_space<hbm>>
    %dma_wait3A_918 = tpu.memref_slice %arg4[%dma_wait3A_913, %mul3A_2] : memref<26x16384xi32, #tpu.memory_space<hbm>> -> memref<1x512xi32, #tpu.memory_space<hbm>>
    %dma_wait3A_919 = tpu.memref_squeeze %dma_wait3A_918 : memref<1x512xi32, #tpu.memory_space<hbm>> -> memref<512xi32, #tpu.memory_space<hbm>>
    %dma_wait3A_920 = arith.constant 3072 : i32
    %dma_wait3A_921 = tpu.memref_slice %arg6[%dma_wait3A_920] : memref<13312xi32, #tpu.memory_space<vmem>> -> memref<512xi32, #tpu.memory_space<vmem>>
    tpu.wait_dma2 semaphore(%arg8 : memref<!tpu.dma_semaphore, #tpu.memory_space<semaphore_mem>>) src(%dma_wait3A_921 : memref<512xi32, #tpu.memory_space<vmem>>) dst(%dma_wait3A_919 : memref<512xi32, #tpu.memory_space<hbm>>)
    %dma_wait3A_922 = arith.constant 7 : i32
    %dma_wait3A_923 = arith.constant 3584 : i32
    %dma_wait3A_924 = tpu.memref_slice %arg6[%dma_wait3A_923] : memref<13312xi32, #tpu.memory_space<vmem>> -> memref<512xi32, #tpu.memory_space<vmem>>
    %dma_wait3A_925 = tpu.memref_slice %arg4[%dma_wait3A_922, %mul3A_2] : memref<26x16384xi32, #tpu.memory_space<hbm>> -> memref<1x512xi32, #tpu.memory_space<hbm>>
    %dma_wait3A_926 = tpu.memref_squeeze %dma_wait3A_925 : memref<1x512xi32, #tpu.memory_space<hbm>> -> memref<512xi32, #tpu.memory_space<hbm>>
    %dma_wait3A_927 = tpu.memref_slice %arg4[%dma_wait3A_922, %mul3A_2] : memref<26x16384xi32, #tpu.memory_space<hbm>> -> memref<1x512xi32, #tpu.memory_space<hbm>>
    %dma_wait3A_928 = tpu.memref_squeeze %dma_wait3A_927 : memref<1x512xi32, #tpu.memory_space<hbm>> -> memref<512xi32, #tpu.memory_space<hbm>>
    %dma_wait3A_929 = arith.constant 3584 : i32
    %dma_wait3A_930 = tpu.memref_slice %arg6[%dma_wait3A_929] : memref<13312xi32, #tpu.memory_space<vmem>> -> memref<512xi32, #tpu.memory_space<vmem>>
    tpu.wait_dma2 semaphore(%arg8 : memref<!tpu.dma_semaphore, #tpu.memory_space<semaphore_mem>>) src(%dma_wait3A_930 : memref<512xi32, #tpu.memory_space<vmem>>) dst(%dma_wait3A_928 : memref<512xi32, #tpu.memory_space<hbm>>)
    %dma_wait3A_931 = arith.constant 8 : i32
    %dma_wait3A_932 = arith.constant 4096 : i32
    %dma_wait3A_933 = tpu.memref_slice %arg6[%dma_wait3A_932] : memref<13312xi32, #tpu.memory_space<vmem>> -> memref<512xi32, #tpu.memory_space<vmem>>
    %dma_wait3A_934 = tpu.memref_slice %arg4[%dma_wait3A_931, %mul3A_2] : memref<26x16384xi32, #tpu.memory_space<hbm>> -> memref<1x512xi32, #tpu.memory_space<hbm>>
    %dma_wait3A_935 = tpu.memref_squeeze %dma_wait3A_934 : memref<1x512xi32, #tpu.memory_space<hbm>> -> memref<512xi32, #tpu.memory_space<hbm>>
    %dma_wait3A_936 = tpu.memref_slice %arg4[%dma_wait3A_931, %mul3A_2] : memref<26x16384xi32, #tpu.memory_space<hbm>> -> memref<1x512xi32, #tpu.memory_space<hbm>>
    %dma_wait3A_937 = tpu.memref_squeeze %dma_wait3A_936 : memref<1x512xi32, #tpu.memory_space<hbm>> -> memref<512xi32, #tpu.memory_space<hbm>>
    %dma_wait3A_938 = arith.constant 4096 : i32
    %dma_wait3A_939 = tpu.memref_slice %arg6[%dma_wait3A_938] : memref<13312xi32, #tpu.memory_space<vmem>> -> memref<512xi32, #tpu.memory_space<vmem>>
    tpu.wait_dma2 semaphore(%arg8 : memref<!tpu.dma_semaphore, #tpu.memory_space<semaphore_mem>>) src(%dma_wait3A_939 : memref<512xi32, #tpu.memory_space<vmem>>) dst(%dma_wait3A_937 : memref<512xi32, #tpu.memory_space<hbm>>)
    %dma_wait3A_940 = arith.constant 9 : i32
    %dma_wait3A_941 = arith.constant 4608 : i32
    %dma_wait3A_942 = tpu.memref_slice %arg6[%dma_wait3A_941] : memref<13312xi32, #tpu.memory_space<vmem>> -> memref<512xi32, #tpu.memory_space<vmem>>
    %dma_wait3A_943 = tpu.memref_slice %arg4[%dma_wait3A_940, %mul3A_2] : memref<26x16384xi32, #tpu.memory_space<hbm>> -> memref<1x512xi32, #tpu.memory_space<hbm>>
    %dma_wait3A_944 = tpu.memref_squeeze %dma_wait3A_943 : memref<1x512xi32, #tpu.memory_space<hbm>> -> memref<512xi32, #tpu.memory_space<hbm>>
    %dma_wait3A_945 = tpu.memref_slice %arg4[%dma_wait3A_940, %mul3A_2] : memref<26x16384xi32, #tpu.memory_space<hbm>> -> memref<1x512xi32, #tpu.memory_space<hbm>>
    %dma_wait3A_946 = tpu.memref_squeeze %dma_wait3A_945 : memref<1x512xi32, #tpu.memory_space<hbm>> -> memref<512xi32, #tpu.memory_space<hbm>>
    %dma_wait3A_947 = arith.constant 4608 : i32
    %dma_wait3A_948 = tpu.memref_slice %arg6[%dma_wait3A_947] : memref<13312xi32, #tpu.memory_space<vmem>> -> memref<512xi32, #tpu.memory_space<vmem>>
    tpu.wait_dma2 semaphore(%arg8 : memref<!tpu.dma_semaphore, #tpu.memory_space<semaphore_mem>>) src(%dma_wait3A_948 : memref<512xi32, #tpu.memory_space<vmem>>) dst(%dma_wait3A_946 : memref<512xi32, #tpu.memory_space<hbm>>)
    %dma_wait3A_949 = arith.constant 10 : i32
    %dma_wait3A_950 = arith.constant 5120 : i32
    %dma_wait3A_951 = tpu.memref_slice %arg6[%dma_wait3A_950] : memref<13312xi32, #tpu.memory_space<vmem>> -> memref<512xi32, #tpu.memory_space<vmem>>
    %dma_wait3A_952 = tpu.memref_slice %arg4[%dma_wait3A_949, %mul3A_2] : memref<26x16384xi32, #tpu.memory_space<hbm>> -> memref<1x512xi32, #tpu.memory_space<hbm>>
    %dma_wait3A_953 = tpu.memref_squeeze %dma_wait3A_952 : memref<1x512xi32, #tpu.memory_space<hbm>> -> memref<512xi32, #tpu.memory_space<hbm>>
    %dma_wait3A_954 = tpu.memref_slice %arg4[%dma_wait3A_949, %mul3A_2] : memref<26x16384xi32, #tpu.memory_space<hbm>> -> memref<1x512xi32, #tpu.memory_space<hbm>>
    %dma_wait3A_955 = tpu.memref_squeeze %dma_wait3A_954 : memref<1x512xi32, #tpu.memory_space<hbm>> -> memref<512xi32, #tpu.memory_space<hbm>>
    %dma_wait3A_956 = arith.constant 5120 : i32
    %dma_wait3A_957 = tpu.memref_slice %arg6[%dma_wait3A_956] : memref<13312xi32, #tpu.memory_space<vmem>> -> memref<512xi32, #tpu.memory_space<vmem>>
    tpu.wait_dma2 semaphore(%arg8 : memref<!tpu.dma_semaphore, #tpu.memory_space<semaphore_mem>>) src(%dma_wait3A_957 : memref<512xi32, #tpu.memory_space<vmem>>) dst(%dma_wait3A_955 : memref<512xi32, #tpu.memory_space<hbm>>)
    %dma_wait3A_958 = arith.constant 11 : i32
    %dma_wait3A_959 = arith.constant 5632 : i32
    %dma_wait3A_960 = tpu.memref_slice %arg6[%dma_wait3A_959] : memref<13312xi32, #tpu.memory_space<vmem>> -> memref<512xi32, #tpu.memory_space<vmem>>
    %dma_wait3A_961 = tpu.memref_slice %arg4[%dma_wait3A_958, %mul3A_2] : memref<26x16384xi32, #tpu.memory_space<hbm>> -> memref<1x512xi32, #tpu.memory_space<hbm>>
    %dma_wait3A_962 = tpu.memref_squeeze %dma_wait3A_961 : memref<1x512xi32, #tpu.memory_space<hbm>> -> memref<512xi32, #tpu.memory_space<hbm>>
    %dma_wait3A_963 = tpu.memref_slice %arg4[%dma_wait3A_958, %mul3A_2] : memref<26x16384xi32, #tpu.memory_space<hbm>> -> memref<1x512xi32, #tpu.memory_space<hbm>>
    %dma_wait3A_964 = tpu.memref_squeeze %dma_wait3A_963 : memref<1x512xi32, #tpu.memory_space<hbm>> -> memref<512xi32, #tpu.memory_space<hbm>>
    %dma_wait3A_965 = arith.constant 5632 : i32
    %dma_wait3A_966 = tpu.memref_slice %arg6[%dma_wait3A_965] : memref<13312xi32, #tpu.memory_space<vmem>> -> memref<512xi32, #tpu.memory_space<vmem>>
    tpu.wait_dma2 semaphore(%arg8 : memref<!tpu.dma_semaphore, #tpu.memory_space<semaphore_mem>>) src(%dma_wait3A_966 : memref<512xi32, #tpu.memory_space<vmem>>) dst(%dma_wait3A_964 : memref<512xi32, #tpu.memory_space<hbm>>)
    %dma_wait3A_967 = arith.constant 12 : i32
    %dma_wait3A_968 = arith.constant 6144 : i32
    %dma_wait3A_969 = tpu.memref_slice %arg6[%dma_wait3A_968] : memref<13312xi32, #tpu.memory_space<vmem>> -> memref<512xi32, #tpu.memory_space<vmem>>
    %dma_wait3A_970 = tpu.memref_slice %arg4[%dma_wait3A_967, %mul3A_2] : memref<26x16384xi32, #tpu.memory_space<hbm>> -> memref<1x512xi32, #tpu.memory_space<hbm>>
    %dma_wait3A_971 = tpu.memref_squeeze %dma_wait3A_970 : memref<1x512xi32, #tpu.memory_space<hbm>> -> memref<512xi32, #tpu.memory_space<hbm>>
    %dma_wait3A_972 = tpu.memref_slice %arg4[%dma_wait3A_967, %mul3A_2] : memref<26x16384xi32, #tpu.memory_space<hbm>> -> memref<1x512xi32, #tpu.memory_space<hbm>>
    %dma_wait3A_973 = tpu.memref_squeeze %dma_wait3A_972 : memref<1x512xi32, #tpu.memory_space<hbm>> -> memref<512xi32, #tpu.memory_space<hbm>>
    %dma_wait3A_974 = arith.constant 6144 : i32
    %dma_wait3A_975 = tpu.memref_slice %arg6[%dma_wait3A_974] : memref<13312xi32, #tpu.memory_space<vmem>> -> memref<512xi32, #tpu.memory_space<vmem>>
    tpu.wait_dma2 semaphore(%arg8 : memref<!tpu.dma_semaphore, #tpu.memory_space<semaphore_mem>>) src(%dma_wait3A_975 : memref<512xi32, #tpu.memory_space<vmem>>) dst(%dma_wait3A_973 : memref<512xi32, #tpu.memory_space<hbm>>)
    %dma_wait3A_976 = arith.constant 13 : i32
    %dma_wait3A_977 = arith.constant 6656 : i32
    %dma_wait3A_978 = tpu.memref_slice %arg6[%dma_wait3A_977] : memref<13312xi32, #tpu.memory_space<vmem>> -> memref<512xi32, #tpu.memory_space<vmem>>
    %dma_wait3A_979 = tpu.memref_slice %arg4[%dma_wait3A_976, %mul3A_2] : memref<26x16384xi32, #tpu.memory_space<hbm>> -> memref<1x512xi32, #tpu.memory_space<hbm>>
    %dma_wait3A_980 = tpu.memref_squeeze %dma_wait3A_979 : memref<1x512xi32, #tpu.memory_space<hbm>> -> memref<512xi32, #tpu.memory_space<hbm>>
    %dma_wait3A_981 = tpu.memref_slice %arg4[%dma_wait3A_976, %mul3A_2] : memref<26x16384xi32, #tpu.memory_space<hbm>> -> memref<1x512xi32, #tpu.memory_space<hbm>>
    %dma_wait3A_982 = tpu.memref_squeeze %dma_wait3A_981 : memref<1x512xi32, #tpu.memory_space<hbm>> -> memref<512xi32, #tpu.memory_space<hbm>>
    %dma_wait3A_983 = arith.constant 6656 : i32
    %dma_wait3A_984 = tpu.memref_slice %arg6[%dma_wait3A_983] : memref<13312xi32, #tpu.memory_space<vmem>> -> memref<512xi32, #tpu.memory_space<vmem>>
    tpu.wait_dma2 semaphore(%arg8 : memref<!tpu.dma_semaphore, #tpu.memory_space<semaphore_mem>>) src(%dma_wait3A_984 : memref<512xi32, #tpu.memory_space<vmem>>) dst(%dma_wait3A_982 : memref<512xi32, #tpu.memory_space<hbm>>)
    %dma_wait3A_985 = arith.constant 14 : i32
    %dma_wait3A_986 = arith.constant 7168 : i32
    %dma_wait3A_987 = tpu.memref_slice %arg6[%dma_wait3A_986] : memref<13312xi32, #tpu.memory_space<vmem>> -> memref<512xi32, #tpu.memory_space<vmem>>
    %dma_wait3A_988 = tpu.memref_slice %arg4[%dma_wait3A_985, %mul3A_2] : memref<26x16384xi32, #tpu.memory_space<hbm>> -> memref<1x512xi32, #tpu.memory_space<hbm>>
    %dma_wait3A_989 = tpu.memref_squeeze %dma_wait3A_988 : memref<1x512xi32, #tpu.memory_space<hbm>> -> memref<512xi32, #tpu.memory_space<hbm>>
    %dma_wait3A_990 = tpu.memref_slice %arg4[%dma_wait3A_985, %mul3A_2] : memref<26x16384xi32, #tpu.memory_space<hbm>> -> memref<1x512xi32, #tpu.memory_space<hbm>>
    %dma_wait3A_991 = tpu.memref_squeeze %dma_wait3A_990 : memref<1x512xi32, #tpu.memory_space<hbm>> -> memref<512xi32, #tpu.memory_space<hbm>>
    %dma_wait3A_992 = arith.constant 7168 : i32
    %dma_wait3A_993 = tpu.memref_slice %arg6[%dma_wait3A_992] : memref<13312xi32, #tpu.memory_space<vmem>> -> memref<512xi32, #tpu.memory_space<vmem>>
    tpu.wait_dma2 semaphore(%arg8 : memref<!tpu.dma_semaphore, #tpu.memory_space<semaphore_mem>>) src(%dma_wait3A_993 : memref<512xi32, #tpu.memory_space<vmem>>) dst(%dma_wait3A_991 : memref<512xi32, #tpu.memory_space<hbm>>)
    %dma_wait3A_994 = arith.constant 15 : i32
    %dma_wait3A_995 = arith.constant 7680 : i32
    %dma_wait3A_996 = tpu.memref_slice %arg6[%dma_wait3A_995] : memref<13312xi32, #tpu.memory_space<vmem>> -> memref<512xi32, #tpu.memory_space<vmem>>
    %dma_wait3A_997 = tpu.memref_slice %arg4[%dma_wait3A_994, %mul3A_2] : memref<26x16384xi32, #tpu.memory_space<hbm>> -> memref<1x512xi32, #tpu.memory_space<hbm>>
    %dma_wait3A_998 = tpu.memref_squeeze %dma_wait3A_997 : memref<1x512xi32, #tpu.memory_space<hbm>> -> memref<512xi32, #tpu.memory_space<hbm>>
    %dma_wait3A_999 = tpu.memref_slice %arg4[%dma_wait3A_994, %mul3A_2] : memref<26x16384xi32, #tpu.memory_space<hbm>> -> memref<1x512xi32, #tpu.memory_space<hbm>>
    %dma_wait3A_1000 = tpu.memref_squeeze %dma_wait3A_999 : memref<1x512xi32, #tpu.memory_space<hbm>> -> memref<512xi32, #tpu.memory_space<hbm>>
    %dma_wait3A_1001 = arith.constant 7680 : i32
    %dma_wait3A_1002 = tpu.memref_slice %arg6[%dma_wait3A_1001] : memref<13312xi32, #tpu.memory_space<vmem>> -> memref<512xi32, #tpu.memory_space<vmem>>
    tpu.wait_dma2 semaphore(%arg8 : memref<!tpu.dma_semaphore, #tpu.memory_space<semaphore_mem>>) src(%dma_wait3A_1002 : memref<512xi32, #tpu.memory_space<vmem>>) dst(%dma_wait3A_1000 : memref<512xi32, #tpu.memory_space<hbm>>)
    %dma_wait3A_1003 = arith.constant 16 : i32
    %dma_wait3A_1004 = arith.constant 8192 : i32
    %dma_wait3A_1005 = tpu.memref_slice %arg6[%dma_wait3A_1004] : memref<13312xi32, #tpu.memory_space<vmem>> -> memref<512xi32, #tpu.memory_space<vmem>>
    %dma_wait3A_1006 = tpu.memref_slice %arg4[%dma_wait3A_1003, %mul3A_2] : memref<26x16384xi32, #tpu.memory_space<hbm>> -> memref<1x512xi32, #tpu.memory_space<hbm>>
    %dma_wait3A_1007 = tpu.memref_squeeze %dma_wait3A_1006 : memref<1x512xi32, #tpu.memory_space<hbm>> -> memref<512xi32, #tpu.memory_space<hbm>>
    %dma_wait3A_1008 = tpu.memref_slice %arg4[%dma_wait3A_1003, %mul3A_2] : memref<26x16384xi32, #tpu.memory_space<hbm>> -> memref<1x512xi32, #tpu.memory_space<hbm>>
    %dma_wait3A_1009 = tpu.memref_squeeze %dma_wait3A_1008 : memref<1x512xi32, #tpu.memory_space<hbm>> -> memref<512xi32, #tpu.memory_space<hbm>>
    %dma_wait3A_1010 = arith.constant 8192 : i32
    %dma_wait3A_1011 = tpu.memref_slice %arg6[%dma_wait3A_1010] : memref<13312xi32, #tpu.memory_space<vmem>> -> memref<512xi32, #tpu.memory_space<vmem>>
    tpu.wait_dma2 semaphore(%arg8 : memref<!tpu.dma_semaphore, #tpu.memory_space<semaphore_mem>>) src(%dma_wait3A_1011 : memref<512xi32, #tpu.memory_space<vmem>>) dst(%dma_wait3A_1009 : memref<512xi32, #tpu.memory_space<hbm>>)
    %dma_wait3A_1012 = arith.constant 17 : i32
    %dma_wait3A_1013 = arith.constant 8704 : i32
    %dma_wait3A_1014 = tpu.memref_slice %arg6[%dma_wait3A_1013] : memref<13312xi32, #tpu.memory_space<vmem>> -> memref<512xi32, #tpu.memory_space<vmem>>
    %dma_wait3A_1015 = tpu.memref_slice %arg4[%dma_wait3A_1012, %mul3A_2] : memref<26x16384xi32, #tpu.memory_space<hbm>> -> memref<1x512xi32, #tpu.memory_space<hbm>>
    %dma_wait3A_1016 = tpu.memref_squeeze %dma_wait3A_1015 : memref<1x512xi32, #tpu.memory_space<hbm>> -> memref<512xi32, #tpu.memory_space<hbm>>
    %dma_wait3A_1017 = tpu.memref_slice %arg4[%dma_wait3A_1012, %mul3A_2] : memref<26x16384xi32, #tpu.memory_space<hbm>> -> memref<1x512xi32, #tpu.memory_space<hbm>>
    %dma_wait3A_1018 = tpu.memref_squeeze %dma_wait3A_1017 : memref<1x512xi32, #tpu.memory_space<hbm>> -> memref<512xi32, #tpu.memory_space<hbm>>
    %dma_wait3A_1019 = arith.constant 8704 : i32
    %dma_wait3A_1020 = tpu.memref_slice %arg6[%dma_wait3A_1019] : memref<13312xi32, #tpu.memory_space<vmem>> -> memref<512xi32, #tpu.memory_space<vmem>>
    tpu.wait_dma2 semaphore(%arg8 : memref<!tpu.dma_semaphore, #tpu.memory_space<semaphore_mem>>) src(%dma_wait3A_1020 : memref<512xi32, #tpu.memory_space<vmem>>) dst(%dma_wait3A_1018 : memref<512xi32, #tpu.memory_space<hbm>>)
    %dma_wait3A_1021 = arith.constant 18 : i32
    %dma_wait3A_1022 = arith.constant 9216 : i32
    %dma_wait3A_1023 = tpu.memref_slice %arg6[%dma_wait3A_1022] : memref<13312xi32, #tpu.memory_space<vmem>> -> memref<512xi32, #tpu.memory_space<vmem>>
    %dma_wait3A_1024 = tpu.memref_slice %arg4[%dma_wait3A_1021, %mul3A_2] : memref<26x16384xi32, #tpu.memory_space<hbm>> -> memref<1x512xi32, #tpu.memory_space<hbm>>
    %dma_wait3A_1025 = tpu.memref_squeeze %dma_wait3A_1024 : memref<1x512xi32, #tpu.memory_space<hbm>> -> memref<512xi32, #tpu.memory_space<hbm>>
    %dma_wait3A_1026 = tpu.memref_slice %arg4[%dma_wait3A_1021, %mul3A_2] : memref<26x16384xi32, #tpu.memory_space<hbm>> -> memref<1x512xi32, #tpu.memory_space<hbm>>
    %dma_wait3A_1027 = tpu.memref_squeeze %dma_wait3A_1026 : memref<1x512xi32, #tpu.memory_space<hbm>> -> memref<512xi32, #tpu.memory_space<hbm>>
    %dma_wait3A_1028 = arith.constant 9216 : i32
    %dma_wait3A_1029 = tpu.memref_slice %arg6[%dma_wait3A_1028] : memref<13312xi32, #tpu.memory_space<vmem>> -> memref<512xi32, #tpu.memory_space<vmem>>
    tpu.wait_dma2 semaphore(%arg8 : memref<!tpu.dma_semaphore, #tpu.memory_space<semaphore_mem>>) src(%dma_wait3A_1029 : memref<512xi32, #tpu.memory_space<vmem>>) dst(%dma_wait3A_1027 : memref<512xi32, #tpu.memory_space<hbm>>)
    %dma_wait3A_1030 = arith.constant 19 : i32
    %dma_wait3A_1031 = arith.constant 9728 : i32
    %dma_wait3A_1032 = tpu.memref_slice %arg6[%dma_wait3A_1031] : memref<13312xi32, #tpu.memory_space<vmem>> -> memref<512xi32, #tpu.memory_space<vmem>>
    %dma_wait3A_1033 = tpu.memref_slice %arg4[%dma_wait3A_1030, %mul3A_2] : memref<26x16384xi32, #tpu.memory_space<hbm>> -> memref<1x512xi32, #tpu.memory_space<hbm>>
    %dma_wait3A_1034 = tpu.memref_squeeze %dma_wait3A_1033 : memref<1x512xi32, #tpu.memory_space<hbm>> -> memref<512xi32, #tpu.memory_space<hbm>>
    %dma_wait3A_1035 = tpu.memref_slice %arg4[%dma_wait3A_1030, %mul3A_2] : memref<26x16384xi32, #tpu.memory_space<hbm>> -> memref<1x512xi32, #tpu.memory_space<hbm>>
    %dma_wait3A_1036 = tpu.memref_squeeze %dma_wait3A_1035 : memref<1x512xi32, #tpu.memory_space<hbm>> -> memref<512xi32, #tpu.memory_space<hbm>>
    %dma_wait3A_1037 = arith.constant 9728 : i32
    %dma_wait3A_1038 = tpu.memref_slice %arg6[%dma_wait3A_1037] : memref<13312xi32, #tpu.memory_space<vmem>> -> memref<512xi32, #tpu.memory_space<vmem>>
    tpu.wait_dma2 semaphore(%arg8 : memref<!tpu.dma_semaphore, #tpu.memory_space<semaphore_mem>>) src(%dma_wait3A_1038 : memref<512xi32, #tpu.memory_space<vmem>>) dst(%dma_wait3A_1036 : memref<512xi32, #tpu.memory_space<hbm>>)
    %dma_wait3A_1039 = arith.constant 20 : i32
    %dma_wait3A_1040 = arith.constant 10240 : i32
    %dma_wait3A_1041 = tpu.memref_slice %arg6[%dma_wait3A_1040] : memref<13312xi32, #tpu.memory_space<vmem>> -> memref<512xi32, #tpu.memory_space<vmem>>
    %dma_wait3A_1042 = tpu.memref_slice %arg4[%dma_wait3A_1039, %mul3A_2] : memref<26x16384xi32, #tpu.memory_space<hbm>> -> memref<1x512xi32, #tpu.memory_space<hbm>>
    %dma_wait3A_1043 = tpu.memref_squeeze %dma_wait3A_1042 : memref<1x512xi32, #tpu.memory_space<hbm>> -> memref<512xi32, #tpu.memory_space<hbm>>
    %dma_wait3A_1044 = tpu.memref_slice %arg4[%dma_wait3A_1039, %mul3A_2] : memref<26x16384xi32, #tpu.memory_space<hbm>> -> memref<1x512xi32, #tpu.memory_space<hbm>>
    %dma_wait3A_1045 = tpu.memref_squeeze %dma_wait3A_1044 : memref<1x512xi32, #tpu.memory_space<hbm>> -> memref<512xi32, #tpu.memory_space<hbm>>
    %dma_wait3A_1046 = arith.constant 10240 : i32
    %dma_wait3A_1047 = tpu.memref_slice %arg6[%dma_wait3A_1046] : memref<13312xi32, #tpu.memory_space<vmem>> -> memref<512xi32, #tpu.memory_space<vmem>>
    tpu.wait_dma2 semaphore(%arg8 : memref<!tpu.dma_semaphore, #tpu.memory_space<semaphore_mem>>) src(%dma_wait3A_1047 : memref<512xi32, #tpu.memory_space<vmem>>) dst(%dma_wait3A_1045 : memref<512xi32, #tpu.memory_space<hbm>>)
    %dma_wait3A_1048 = arith.constant 21 : i32
    %dma_wait3A_1049 = arith.constant 10752 : i32
    %dma_wait3A_1050 = tpu.memref_slice %arg6[%dma_wait3A_1049] : memref<13312xi32, #tpu.memory_space<vmem>> -> memref<512xi32, #tpu.memory_space<vmem>>
    %dma_wait3A_1051 = tpu.memref_slice %arg4[%dma_wait3A_1048, %mul3A_2] : memref<26x16384xi32, #tpu.memory_space<hbm>> -> memref<1x512xi32, #tpu.memory_space<hbm>>
    %dma_wait3A_1052 = tpu.memref_squeeze %dma_wait3A_1051 : memref<1x512xi32, #tpu.memory_space<hbm>> -> memref<512xi32, #tpu.memory_space<hbm>>
    %dma_wait3A_1053 = tpu.memref_slice %arg4[%dma_wait3A_1048, %mul3A_2] : memref<26x16384xi32, #tpu.memory_space<hbm>> -> memref<1x512xi32, #tpu.memory_space<hbm>>
    %dma_wait3A_1054 = tpu.memref_squeeze %dma_wait3A_1053 : memref<1x512xi32, #tpu.memory_space<hbm>> -> memref<512xi32, #tpu.memory_space<hbm>>
    %dma_wait3A_1055 = arith.constant 10752 : i32
    %dma_wait3A_1056 = tpu.memref_slice %arg6[%dma_wait3A_1055] : memref<13312xi32, #tpu.memory_space<vmem>> -> memref<512xi32, #tpu.memory_space<vmem>>
    tpu.wait_dma2 semaphore(%arg8 : memref<!tpu.dma_semaphore, #tpu.memory_space<semaphore_mem>>) src(%dma_wait3A_1056 : memref<512xi32, #tpu.memory_space<vmem>>) dst(%dma_wait3A_1054 : memref<512xi32, #tpu.memory_space<hbm>>)
    %dma_wait3A_1057 = arith.constant 22 : i32
    %dma_wait3A_1058 = arith.constant 11264 : i32
    %dma_wait3A_1059 = tpu.memref_slice %arg6[%dma_wait3A_1058] : memref<13312xi32, #tpu.memory_space<vmem>> -> memref<512xi32, #tpu.memory_space<vmem>>
    %dma_wait3A_1060 = tpu.memref_slice %arg4[%dma_wait3A_1057, %mul3A_2] : memref<26x16384xi32, #tpu.memory_space<hbm>> -> memref<1x512xi32, #tpu.memory_space<hbm>>
    %dma_wait3A_1061 = tpu.memref_squeeze %dma_wait3A_1060 : memref<1x512xi32, #tpu.memory_space<hbm>> -> memref<512xi32, #tpu.memory_space<hbm>>
    %dma_wait3A_1062 = tpu.memref_slice %arg4[%dma_wait3A_1057, %mul3A_2] : memref<26x16384xi32, #tpu.memory_space<hbm>> -> memref<1x512xi32, #tpu.memory_space<hbm>>
    %dma_wait3A_1063 = tpu.memref_squeeze %dma_wait3A_1062 : memref<1x512xi32, #tpu.memory_space<hbm>> -> memref<512xi32, #tpu.memory_space<hbm>>
    %dma_wait3A_1064 = arith.constant 11264 : i32
    %dma_wait3A_1065 = tpu.memref_slice %arg6[%dma_wait3A_1064] : memref<13312xi32, #tpu.memory_space<vmem>> -> memref<512xi32, #tpu.memory_space<vmem>>
    tpu.wait_dma2 semaphore(%arg8 : memref<!tpu.dma_semaphore, #tpu.memory_space<semaphore_mem>>) src(%dma_wait3A_1065 : memref<512xi32, #tpu.memory_space<vmem>>) dst(%dma_wait3A_1063 : memref<512xi32, #tpu.memory_space<hbm>>)
    %dma_wait3A_1066 = arith.constant 23 : i32
    %dma_wait3A_1067 = arith.constant 11776 : i32
    %dma_wait3A_1068 = tpu.memref_slice %arg6[%dma_wait3A_1067] : memref<13312xi32, #tpu.memory_space<vmem>> -> memref<512xi32, #tpu.memory_space<vmem>>
    %dma_wait3A_1069 = tpu.memref_slice %arg4[%dma_wait3A_1066, %mul3A_2] : memref<26x16384xi32, #tpu.memory_space<hbm>> -> memref<1x512xi32, #tpu.memory_space<hbm>>
    %dma_wait3A_1070 = tpu.memref_squeeze %dma_wait3A_1069 : memref<1x512xi32, #tpu.memory_space<hbm>> -> memref<512xi32, #tpu.memory_space<hbm>>
    %dma_wait3A_1071 = tpu.memref_slice %arg4[%dma_wait3A_1066, %mul3A_2] : memref<26x16384xi32, #tpu.memory_space<hbm>> -> memref<1x512xi32, #tpu.memory_space<hbm>>
    %dma_wait3A_1072 = tpu.memref_squeeze %dma_wait3A_1071 : memref<1x512xi32, #tpu.memory_space<hbm>> -> memref<512xi32, #tpu.memory_space<hbm>>
    %dma_wait3A_1073 = arith.constant 11776 : i32
    %dma_wait3A_1074 = tpu.memref_slice %arg6[%dma_wait3A_1073] : memref<13312xi32, #tpu.memory_space<vmem>> -> memref<512xi32, #tpu.memory_space<vmem>>
    tpu.wait_dma2 semaphore(%arg8 : memref<!tpu.dma_semaphore, #tpu.memory_space<semaphore_mem>>) src(%dma_wait3A_1074 : memref<512xi32, #tpu.memory_space<vmem>>) dst(%dma_wait3A_1072 : memref<512xi32, #tpu.memory_space<hbm>>)
    %dma_wait3A_1075 = arith.constant 24 : i32
    %dma_wait3A_1076 = arith.constant 12288 : i32
    %dma_wait3A_1077 = tpu.memref_slice %arg6[%dma_wait3A_1076] : memref<13312xi32, #tpu.memory_space<vmem>> -> memref<512xi32, #tpu.memory_space<vmem>>
    %dma_wait3A_1078 = tpu.memref_slice %arg4[%dma_wait3A_1075, %mul3A_2] : memref<26x16384xi32, #tpu.memory_space<hbm>> -> memref<1x512xi32, #tpu.memory_space<hbm>>
    %dma_wait3A_1079 = tpu.memref_squeeze %dma_wait3A_1078 : memref<1x512xi32, #tpu.memory_space<hbm>> -> memref<512xi32, #tpu.memory_space<hbm>>
    %dma_wait3A_1080 = tpu.memref_slice %arg4[%dma_wait3A_1075, %mul3A_2] : memref<26x16384xi32, #tpu.memory_space<hbm>> -> memref<1x512xi32, #tpu.memory_space<hbm>>
    %dma_wait3A_1081 = tpu.memref_squeeze %dma_wait3A_1080 : memref<1x512xi32, #tpu.memory_space<hbm>> -> memref<512xi32, #tpu.memory_space<hbm>>
    %dma_wait3A_1082 = arith.constant 12288 : i32
    %dma_wait3A_1083 = tpu.memref_slice %arg6[%dma_wait3A_1082] : memref<13312xi32, #tpu.memory_space<vmem>> -> memref<512xi32, #tpu.memory_space<vmem>>
    tpu.wait_dma2 semaphore(%arg8 : memref<!tpu.dma_semaphore, #tpu.memory_space<semaphore_mem>>) src(%dma_wait3A_1083 : memref<512xi32, #tpu.memory_space<vmem>>) dst(%dma_wait3A_1081 : memref<512xi32, #tpu.memory_space<hbm>>)
    %dma_wait3A_1084 = arith.constant 25 : i32
    %dma_wait3A_1085 = arith.constant 12800 : i32
    %dma_wait3A_1086 = tpu.memref_slice %arg6[%dma_wait3A_1085] : memref<13312xi32, #tpu.memory_space<vmem>> -> memref<512xi32, #tpu.memory_space<vmem>>
    %dma_wait3A_1087 = tpu.memref_slice %arg4[%dma_wait3A_1084, %mul3A_2] : memref<26x16384xi32, #tpu.memory_space<hbm>> -> memref<1x512xi32, #tpu.memory_space<hbm>>
    %dma_wait3A_1088 = tpu.memref_squeeze %dma_wait3A_1087 : memref<1x512xi32, #tpu.memory_space<hbm>> -> memref<512xi32, #tpu.memory_space<hbm>>
    %dma_wait3A_1089 = tpu.memref_slice %arg4[%dma_wait3A_1084, %mul3A_2] : memref<26x16384xi32, #tpu.memory_space<hbm>> -> memref<1x512xi32, #tpu.memory_space<hbm>>
    %dma_wait3A_1090 = tpu.memref_squeeze %dma_wait3A_1089 : memref<1x512xi32, #tpu.memory_space<hbm>> -> memref<512xi32, #tpu.memory_space<hbm>>
    %dma_wait3A_1091 = arith.constant 12800 : i32
    %dma_wait3A_1092 = tpu.memref_slice %arg6[%dma_wait3A_1091] : memref<13312xi32, #tpu.memory_space<vmem>> -> memref<512xi32, #tpu.memory_space<vmem>>
    tpu.wait_dma2 semaphore(%arg8 : memref<!tpu.dma_semaphore, #tpu.memory_space<semaphore_mem>>) src(%dma_wait3A_1092 : memref<512xi32, #tpu.memory_space<vmem>>) dst(%dma_wait3A_1090 : memref<512xi32, #tpu.memory_space<hbm>>)
    return
  }
}

</mosaic_0001>

<sc_bundles>
// kernel: kernel.3.cloned.1.call-start
scs
__scs_entry_jumppad:
0x0: {  	(pc) =	sbr.rel $0x88, $3  }
0x1: {  	(tag) =	ssettag $0x0;
	lr =	simm.s32 $0x1  }
0x2: {  	[smem:$0x3F9F] =	sst lr;
	_ =	strace $0xD0000000  }
0x3: {  	_ = 	snop  }
0x4: {  	_ = 	snop  }
0x5: {  	_ = 	snop  }
0x6: {  	_ = 	snop  }
0x7: {  	_ = 	snop  }
__scs_overlays_trampoline_lowered:
0x8: {  	[smem:$0x3FAE] =	sst s0  }
0x9: {  	[smem:$0x3FAF] =	sst s1  }
0xa: {  	[smem:$0x3FB0] =	sst s2  }
0xb: {  	[smem:$0x3FB1] =	sst s3  }
0xc: {  	[smem:$0x3FB2] =	sst s4  }
0xd: {  	[smem:$0x3FB3] =	sst s5  }
0xe: {  	[smem:$0x3FB4] =	sst s6  }
0xf: {  	[smem:$0x3FB5] =	sst s7  }
0x10: {  	[smem:$0x3FB6] =	sst s8  }
0x11: {  	[smem:$0x3FB7] =	sst s9;
	s0 =	simm.s32 @!p0 $0x0  }
0x12: {  	s1 =	sld [smem:$0x3F9D];
	s0 =	simm.s32 @p0 $0x1  }
0x13: {  	[smem:$0x3FB8] =	sst s0;
	s0 =	simm.s32 @!p1 $0x0  }
0x14: {  	s2 =	sld [smem:$0x3F9C];
	s0 =	simm.s32 @p1 $0x1  }
0x15: {  	[smem:$0x3FB9] =	sst s0;
	s0 =	simm.s32 @!p2 $0x0  }
0x16: {  	s3 =	sld [smem:$0x3FDB];
	s0 =	simm.s32 @p2 $0x1  }
0x17: {  	s4 =	simm.s32 $0x1BF5;
	[smem:$0x3FBB] =	sst s0  }
0x18: {  	s0 =	sld [smem:$0x3F9E];
	_ =	swait.ge [sflag:s4], $0x0  }
0x19: {  	s7 =	sld [smem:$0x3F9F]  }
0x1a: {  	s8 =	sadd.s32 $0xFFFFE003, lr  }
0x1b: {  	s9 =	sadd.s32 $0xFFFFFEF7, lr;
	s5 =	simm.s32 $0xFFFFFFFF;
	p2 =	slt.u32 s8, $0xFFFFF086  }
0x1c: {  	p1 =	slt.u32 s9, $0xF7A;
	s5 =	simm.s32 @!p2 $0x0  }
0x1d: {  	s5 =	simm.s32 @p1 $0x1;
	p0 =	seq.s32 s7, s2  }
0x1e: {  	s7 =	smul.u32 @!p0 $0xF7A, s2;
	p2 =	seq.s32 @!p0 s5, $0x0  }
0x1f: {  	s9 =	smul.u32 $0xF7A, s1;
	s8 =	simm.s32 @!p0 $0x1BF5;
	p2 =	por !p2, p0  }
0x20: {  	[sflag:s8] =	ssyncset.s32 @!p0 $0xFFFFF086;
	s6 =	sadd.s32 @!p0 s3, s7;
	s7 =	simm.s32 @!p0 $0x108  }
0x21: {  	s3 =	sadd.s32 s3, s9;
	s6 =	sadd.s32 @!p0 $0x88, s6;
	s7 =	simm.s32 @p2 $0x1082  }
0x22: {  	[simem:s7], [sflag:s8] =	dma.local @!p0 [hbm:s6], $0xF7A  }
0x23: {  	s9 =	sor.u32 $0xD0000000, s2;
	s6 =	simm.s32 $0x108;
	_ =	swait.ge @!p0 [sflag:s8], $0x0  }
0x24: {  	s3 =	sadd.s32 $0x88, s3;
	s6 =	simm.s32 @!p1 $0x1082;
	[sflag:s4] =	ssyncset.s32 $0xFFFFF086  }
0x25: {  	[simem:s6], [sflag:s4] =	dma.local [hbm:s3], $0xF7A  }
0x26: {  	[smem:$0x3F9F] =	sst s1;
	(tag) =	ssettag s2;
	_ =	strace s9  }
0x27: {  	s1 =	sld [smem:$0x3FAF]  }
0x28: {  	s2 =	sld [smem:$0x3FB0]  }
0x29: {  	s4 =	sld [smem:$0x3FB2]  }
0x2a: {  	p0 =	seq.s32 s5, $0x0;
	s5 =	sld [smem:$0x3FB3]  }
0x2b: {  	s6 =	sld [smem:$0x3FB4]  }
0x2c: {  	s7 =	sld [smem:$0x3FB5]  }
0x2d: {  	s3 =	simm.s32 $0x108;
	s8 =	sld [smem:$0x3FB6]  }
0x2e: {  	s3 =	simm.s32 @!p0 $0x1082;
	s9 =	sld [smem:$0x3FB7]  }
0x2f: {  	lr =	sadd.s32 s0, s3;
	s0 =	sld [smem:$0x3FAE]  }
0x30: {  	s3 =	sld [smem:$0x3FB1]  }
0x31: {  	[smem:$0x3FBA] =	sst s10  }
0x32: {  	s10 =	sld [smem:$0x3FB8];
	_ =	sdelay $0x3  }
0x33: {  	p0 =	seq.s32 s10, $0x1;
	s10 =	sld [smem:$0x3FBA];
	_ =	sdelay $0x3  }
0x34: {  	[smem:$0x3FBA] =	sst s10  }
0x35: {  	s10 =	sld [smem:$0x3FB9];
	_ =	sdelay $0x3  }
0x36: {  	p1 =	seq.s32 s10, $0x1;
	s10 =	sld [smem:$0x3FBA];
	_ =	sdelay $0x3  }
0x37: {  	[smem:$0x3FBA] =	sst s10  }
0x38: {  	s10 =	sld [smem:$0x3FBB]  }
0x39: {  	_ = 	snop;
	(pc) =	sbr.ind lr, $3  }
0x3a: {  	_ = 	snop  }
0x3b: {  	_ = 	snop  }
0x3c: {  	p2 =	seq.s32 s10, $0x1;
	s10 =	sld [smem:$0x3FBA]  }
0x3d: {  	_ =	shalt  }
0x3e: {  	_ =	shalt  }
0x3f: {  	_ =	shalt  }
0x40: {  	_ =	shalt  }
0x41: {  	_ =	shalt  }
0x42: {  	_ =	shalt  }
0x43: {  	_ =	shalt  }
0x44: {  	_ =	shalt  }
0x45: {  	_ =	shalt  }
0x46: {  	_ =	shalt  }
0x47: {  	_ =	shalt  }
0x48: {  	_ =	shalt  }
0x49: {  	_ =	shalt  }
0x4a: {  	_ =	shalt  }
0x4b: {  	_ =	shalt  }
0x4c: {  	_ =	shalt  }
0x4d: {  	_ =	shalt  }
0x4e: {  	_ =	shalt  }
0x4f: {  	_ =	shalt  }
0x50: {  	_ =	shalt  }
0x51: {  	_ =	shalt  }
0x52: {  	_ =	shalt  }
0x53: {  	_ =	shalt  }
0x54: {  	_ =	shalt  }
0x55: {  	_ =	shalt  }
0x56: {  	_ =	shalt  }
0x57: {  	_ =	shalt  }
0x58: {  	_ =	shalt  }
0x59: {  	_ =	shalt  }
0x5a: {  	_ =	shalt  }
0x5b: {  	_ =	shalt  }
0x5c: {  	_ =	shalt  }
0x5d: {  	_ =	shalt  }
0x5e: {  	_ =	shalt  }
0x5f: {  	_ =	shalt  }
0x60: {  	_ =	shalt  }
0x61: {  	_ =	shalt  }
0x62: {  	_ =	shalt  }
0x63: {  	_ =	shalt  }
0x64: {  	_ =	shalt  }
0x65: {  	_ =	shalt  }
0x66: {  	_ =	shalt  }
0x67: {  	_ =	shalt  }
0x68: {  	_ =	shalt  }
0x69: {  	_ =	shalt  }
0x6a: {  	_ =	shalt  }
0x6b: {  	_ =	shalt  }
0x6c: {  	_ =	shalt  }
0x6d: {  	_ =	shalt  }
0x6e: {  	_ =	shalt  }
0x6f: {  	_ =	shalt  }
0x70: {  	_ =	shalt  }
0x71: {  	_ =	shalt  }
0x72: {  	_ =	shalt  }
0x73: {  	_ =	shalt  }
0x74: {  	_ =	shalt  }
0x75: {  	_ =	shalt  }
0x76: {  	_ =	shalt  }
0x77: {  	_ =	shalt  }
0x78: {  	_ =	shalt  }
0x79: {  	_ =	shalt  }
0x7a: {  	_ =	shalt  }
0x7b: {  	_ =	shalt  }
0x7c: {  	_ =	shalt  }
0x7d: {  	_ =	shalt  }
0x7e: {  	_ =	shalt  }
0x7f: {  	_ =	shalt  }
0x80: {  	_ =	shalt  }
0x81: {  	_ =	shalt  }
0x82: {  	_ =	shalt  }
0x83: {  	_ =	shalt  }
0x84: {  	_ =	shalt  }
0x85: {  	_ =	shalt  }
0x86: {  	_ =	shalt  }
0x87: {  	_ =	shalt  }
.Lfunc_end0:
.L_simem_size_0:
called_computation_lowered:
.L_overlay_start_0:
0x88: {  	s2 =	sld [smem:$0x3FD9]  }
0x89: {  	s3 =	sld [smem:$0x3FFE];
	_ =	sdelay $0x1  }
0x8a: {  	s1 =	srdreg.scid  }
0x8b: {  	s0 =	sand.u32 $0x1, s1  }
0x8c: {  	s18 =	sshll.u32 s0, $0xA;
	s2 =	sadd.s32 s3, s2  }
0x8d: {  	s2 =	sadd.s32 s2, s18  }
0x8e: {  	[smem:$0x3FC6] =	sst s2  }
0x8f: {  	_ = 	snop  }
0x90: {  	s2 =	sld [smem:$0x3FC9]  }
0x91: {  	s19 =	sld [smem:$0x3FC8]  }
0x92: {  	s4 =	sld [smem:$0x3FD0];
	(tm) =	ssettm $0x1  }
0x93: {  	s5 =	sld [smem:$0x3FFB];
	_ =	sdelay $0x3  }
0x94: {  	_ =	strace s5  }
0x95: {  	s5 =	sld [smem:$0x3FFC];
	_ =	sdelay $0x3  }
0x96: {  	_ =	strace s5  }
0x97: {  	s5 =	sld [smem:$0x3FFD];
	_ =	sdelay $0x3  }
0x98: {  	_ =	strace s5  }
0x99: {  	_ =	strace $0x8FFFFFFF  }
0x9a: {  	s20 =	sld [smem:$0x3FDB];
	_ =	sdelay $0x1  }
0x9b: {  	s6 =	simm.s32 $_scs_section_size  }
0x9c: {  	s7 =	simm.s32 $_size__tile_overlayer_lowered;
	s8 =	simm.s32 $_tile_overlayer_lowered  }
0x9d: {  	s23 =	simm.s32 $0x1BFF;
	s22 =	sshll.u32 s8, $0x1;
	s5 =	sadd.s32 s6, s20  }
0x9e: {  	s9 =	simm.s32 $0x0;
	s21 =	sshll.u32 s7, $0x1;
	s7 =	sadd.s32 s22, s5  }
0x9f: {  	[timem:s9], [sflag:s23] =	dma.local [hbm:s7], s21  }
0xa0: {  	_ =	swait.ge [sflag:s23], s21  }
0xa1: {  	s6 =	ssub.s32 $0x0, s21;
	[sflag:s23] =	ssyncset.done $0x0  }
0xa2: {  	[sflag:s23] =	ssyncadd.s32 s6;
	_ =	sdelay $0x1  }
0xa3: {  	s24 =	simm.s32 $0x1B8B  }
0xa4: {  	_ =	swait.ge [sflag:s24], $0x1  }
0xa5: {  	[sflag:s24] =	ssyncset.done $0x0  }
0xa6: {  	s25 =	simm.s32 $0x1B8E;
	[sflag:s24] =	ssyncadd.s32 $0xFFFFFFFF  }
0xa7: {  	s26 =	simm.s32 $execute0_lowered;
	[smem:$0x3FD2] =	sst s25  }
0xa8: {  	s6 =	sshll.u32 s26, $0x1;
	_ =	strace $0x80000046;
	[dreg:$0x1] =	wrdreg $0xFFFFFFFF  }
0xa9: {  	s28 =	simm.s32 $_size_execute0_lowered;
	s5 =	sadd.s32 s5, s6;
	[dreg:$0x0] =	wrdreg $0x0  }
0xaa: {  	s6 =	sshll.u32 s28, $0x1;
	[dreg:$0x2] =	wrdreg s5  }
0xab: {  	[dreg:$0x3] =	wrdreg s6  }
0xac: {  	[dreg:$0x4] =	wrdreg $0xC0  }
0xad: {  	_ =	task [dreg:s9], $0x5FFFF  }
0xae: {  	[dreg:$0x1] =	wrdreg $0xFFFFFFFF  }
0xaf: {  	[dreg:$0x0] =	wrdreg $0x60  }
0xb0: {  	[dreg:$0x2] =	wrdreg s2  }
0xb1: {  	[dreg:$0x3] =	wrdreg s19  }
0xb2: {  	[dreg:$0x4] =	wrdreg s4  }
0xb3: {  	[dreg:$0x5] =	wrdreg $0x9  }
0xb4: {  	_ =	task.clear_ibuf [dreg:s9], $0x6FFFF;
	_ =	strace $0x90000046  }
0xb5: {  	s29 =	simm.s32 $0x9;
	_ =	strace $0x80000048  }
0xb6: {  	_ =	swait.ge [sflag:s29], $0x1  }
0xb7: {  	[sflag:s29] =	ssyncadd.s32 $0xFFFFFFFF  }
0xb8: {  	_ =	strace $0x90000048  }
0xb9: {  	_ =	sfence  }
0xba: {  	s30 =	sld [smem:$0x0];
	_ =	sdelay $0x2  }
0xbb: {  	s31 =	sshll.u32 s1, $0xD;
	s1 =	sshrl.u32 s1, $0x2  }
0xbc: {  	s3 =	sand.u32 $0x4000, s31;
	s1 =	sadd.s32 s1, s30  }
0xbd: {  	s0 =	sor.u32 s3, s0;
	s1 =	sshll.u32 s1, $0x11  }
0xbe: {  	s0 =	sor.u32 s1, s0  }
0xbf: {  	s0 =	sadd.s32 $0x8F2B, s0  }
0xc0: {  	[sflag:s0] =	ssyncadd.remote.s32 $0x1  }
0xc1: {  	_ =	sfence.sel $0xFFFF  }
0xc2: {  	[dreg:$0x0] =	wrdreg $0xFFFFFFFF;
	(pc) =	sbr.abs _section_cstart, $3  }
0xc3: {  	[dreg:$0x1] =	wrdreg $0xFFFFFFFF  }
0xc4: {  	_ =	task.clear_ibuf [dreg:s9], $0x2FFFF;
	_ =	strace $0x9FFFFFFF  }
0xc5: {  	(tm) =	ssettm $0x7FFFFFFF  }
tec
execute0_lowered:
.L_overlay_start_1:
0x0: {  	(tag) =	ssettag $0x1  }
0x1: {  	s1 =	rddreg [dreg:$0x0]  }
0x2: {  	s2 =	rddreg [dreg:$0x1]  }
0x3: {  	s0 =	rddreg [dreg:$0x2];
	s3 =	srdreg.scid  }
0x4: {  	s4 =	stileid.u32;
	s18 =	simm.s32 $0x0;
	s5 =	sand.u32 $0x1, s3  }
0x5: {  	s20 =	sshll.u32 s4, $0xA;
	[smem:$0x7FF] =	sst s18;
	s21 =	sshll.u32 s5, $0x9  }
0x6: {  	[smem:$0x7FD] =	sst s5;
	s3 =	sor.u32 s21, s20  }
0x7: {  	_ =	strace $0x80000047;
	s22 =	sadd.s32 s1, s3;
	s4 =	sor.u32 $0x10, s3  }
0x8: {  	s5 =	sor.u32 $0x20, s3;
	[dreg:$0x4] =	wrdreg s22;
	s6 =	sadd.s32 s1, s4  }
0x9: {  	s7 =	sadd.s32 s1, s5;
	s22 =	sor.u32 $0x8010, s3;
	[dreg:$0x5] =	wrdreg s6  }
0xa: {  	[dreg:$0x6] =	wrdreg s7;
	s7 =	sor.u32 $0x40, s3;
	s24 =	sadd.s32 s1, s22  }
0xb: {  	s6 =	sor.u32 $0x30, s3;
	s9 =	sadd.s32 s1, s7;
	[dreg:$0x15] =	wrdreg s24  }
0xc: {  	s8 =	sadd.s32 s1, s6;
	[dreg:$0x8] =	wrdreg s9;
	s9 =	sor.u32 $0x60, s3  }
0xd: {  	s24 =	sor.u32 $0x8030, s3;
	[dreg:$0x7] =	wrdreg s8;
	s11 =	sadd.s32 s1, s9  }
0xe: {  	s26 =	sadd.s32 s1, s24;
	[dreg:$0xa] =	wrdreg s11;
	s11 =	sor.u32 $0x4000, s3  }
0xf: {  	s8 =	sor.u32 $0x50, s3;
	[dreg:$0x17] =	wrdreg s26;
	s13 =	sadd.s32 s1, s11  }
0x10: {  	s10 =	sadd.s32 s1, s8;
	[dreg:$0xc] =	wrdreg s13;
	s13 =	sor.u32 $0x4020, s3  }
0x11: {  	s26 =	sor.u32 $0x8050, s3;
	[dreg:$0x9] =	wrdreg s10;
	s15 =	sadd.s32 s1, s13  }
0x12: {  	s29 =	sadd.s32 s1, s26;
	[dreg:$0xe] =	wrdreg s15;
	s15 =	sor.u32 $0x4040, s3  }
0x13: {  	s10 =	sor.u32 $0x70, s3;
	[dreg:$0x19] =	wrdreg s29;
	s17 =	sadd.s32 s1, s15  }
0x14: {  	s12 =	sadd.s32 s1, s10;
	[dreg:$0x10] =	wrdreg s17;
	s17 =	sor.u32 $0x4060, s3  }
0x15: {  	s29 =	sor.u32 $0x8070, s3;
	[dreg:$0xb] =	wrdreg s12;
	s20 =	sadd.s32 s1, s17  }
0x16: {  	s31 =	sadd.s32 s1, s29;
	[dreg:$0x12] =	wrdreg s20;
	s20 =	sor.u32 $0x8000, s3  }
0x17: {  	s12 =	sor.u32 $0x4010, s3;
	[dreg:$0x1b] =	wrdreg s31;
	s23 =	sadd.s32 s1, s20  }
0x18: {  	s14 =	sadd.s32 s1, s12;
	[dreg:$0x14] =	wrdreg s23;
	s23 =	sor.u32 $0x8020, s3  }
0x19: {  	[dreg:$0xd] =	wrdreg s14;
	s14 =	sor.u32 $0x4030, s3;
	s25 =	sadd.s32 s1, s23  }
0x1a: {  	s16 =	sadd.s32 s1, s14;
	[dreg:$0x16] =	wrdreg s25;
	s25 =	sor.u32 $0x8040, s3  }
0x1b: {  	[dreg:$0xf] =	wrdreg s16;
	s16 =	sor.u32 $0x4050, s3;
	s28 =	sadd.s32 s1, s25  }
0x1c: {  	s19 =	sadd.s32 s1, s16;
	[dreg:$0x18] =	wrdreg s28;
	s28 =	sor.u32 $0x8060, s3  }
0x1d: {  	[dreg:$0x11] =	wrdreg s19;
	s19 =	sor.u32 $0x4070, s3;
	s30 =	sadd.s32 s1, s28  }
0x1e: {  	s21 =	sadd.s32 s1, s19;
	[dreg:$0x1a] =	wrdreg s30;
	s30 =	sor.u32 $0xC000, s3  }
0x1f: {  	s31 =	sor.u32 $0xC010, s3;
	[dreg:$0x13] =	wrdreg s21;
	s21 =	sadd.s32 s1, s30  }
0x20: {  	s1 =	sadd.s32 s1, s31;
	[dreg:$0x1c] =	wrdreg s21  }
0x21: {  	[dreg:$0x1d] =	wrdreg s1;
	s21 =	sadd.s32 s0, s3  }
0x22: {  	s3 =	sadd.s32 s0, s4;
	[dreg:$0x1e] =	wrdreg s21  }
0x23: {  	s4 =	sadd.s32 s0, s5;
	[dreg:$0x1f] =	wrdreg s3  }
0x24: {  	s5 =	sadd.s32 s0, s6;
	[smem:$0x7D9] =	sst s4  }
0x25: {  	s6 =	sadd.s32 s0, s7;
	[smem:$0x7DA] =	sst s5  }
0x26: {  	s7 =	sadd.s32 s0, s8;
	[smem:$0x7DC] =	sst s6  }
0x27: {  	s8 =	sadd.s32 s0, s9;
	[smem:$0x7DD] =	sst s7  }
0x28: {  	s9 =	sadd.s32 s0, s10;
	[smem:$0x7DF] =	sst s8  }
0x29: {  	s10 =	sadd.s32 s0, s11;
	[smem:$0x7E0] =	sst s9  }
0x2a: {  	s11 =	sadd.s32 s0, s12;
	[smem:$0x7E2] =	sst s10  }
0x2b: {  	s12 =	sadd.s32 s0, s13;
	[smem:$0x7E3] =	sst s11  }
0x2c: {  	s13 =	sadd.s32 s0, s14;
	[smem:$0x7E5] =	sst s12  }
0x2d: {  	s14 =	sadd.s32 s0, s15;
	[smem:$0x7E6] =	sst s13  }
0x2e: {  	s15 =	sadd.s32 s0, s16;
	[smem:$0x7E8] =	sst s14  }
0x2f: {  	s16 =	sadd.s32 s0, s17;
	[smem:$0x7E9] =	sst s15  }
0x30: {  	s17 =	sadd.s32 s0, s19;
	[smem:$0x7EB] =	sst s16  }
0x31: {  	s19 =	sadd.s32 s0, s20;
	[smem:$0x7EC] =	sst s17  }
0x32: {  	s20 =	sadd.s32 s0, s22;
	[smem:$0x7EE] =	sst s19  }
0x33: {  	s22 =	sadd.s32 s0, s24;
	[smem:$0x7EF] =	sst s20  }
0x34: {  	s24 =	sadd.s32 s0, s26;
	[smem:$0x7F2] =	sst s22  }
0x35: {  	s26 =	sadd.s32 s0, s29;
	[smem:$0x7F5] =	sst s24  }
0x36: {  	s29 =	simm.s32 $0x200;
	[smem:$0x7F8] =	sst s26  }
0x37: {  	s1 =	simm.s32 $0xE00;
	[smem:$0x7CE] =	sst s29  }
0x38: {  	[smem:$0x7CF] =	sst s1  }
0x39: {  	s26 =	rddreg [dreg:$0x9]  }
0x3a: {  	s21 =	sadd.s32 s0, s23;
	s29 =	rddreg [dreg:$0x7]  }
0x3b: {  	s23 =	sadd.s32 s0, s25;
	[smem:$0x7F1] =	sst s21  }
0x3c: {  	s25 =	sadd.s32 s0, s28;
	[smem:$0x7F4] =	sst s23  }
0x3d: {  	s28 =	sadd.s32 s0, s30;
	[smem:$0x7F7] =	sst s25  }
0x3e: {  	s0 =	sadd.s32 s0, s31;
	[smem:$0x7FA] =	sst s28  }
0x3f: {  	s30 =	simm.s32 $0x600;
	[smem:$0x7FB] =	sst s0  }
0x40: {  	s31 =	simm.s32 $0xA00;
	[smem:$0x7CD] =	sst s30  }
0x41: {  	s3 =	simm.s32 $0x1200;
	[smem:$0x7CC] =	sst s31  }
0x42: {  	s4 =	simm.s32 $0x1600;
	[smem:$0x7D0] =	sst s3  }
0x43: {  	s5 =	simm.s32 $0x1A00;
	[smem:$0x7D1] =	sst s4  }
0x44: {  	s6 =	simm.s32 $0x1E00;
	[smem:$0x7D2] =	sst s5  }
0x45: {  	s7 =	simm.s32 $0x2200;
	[smem:$0x7D3] =	sst s6  }
0x46: {  	s8 =	simm.s32 $0x2600;
	[smem:$0x7D4] =	sst s7  }
0x47: {  	s9 =	simm.s32 $0x2A00;
	[smem:$0x7D7] =	sst s8  }
0x48: {  	s10 =	simm.s32 $0x2E00;
	[smem:$0x7D6] =	sst s9  }
0x49: {  	s11 =	simm.s32 $0x3200;
	[smem:$0x7CB] =	sst s10  }
0x4a: {  	s12 =	simm.s32 $0x3600;
	[smem:$0x7D5] =	sst s11  }
0x4b: {  	s13 =	simm.s32 $0x3A00;
	[smem:$0x7D8] =	sst s12  }
0x4c: {  	s14 =	simm.s32 $0x3E00;
	[smem:$0x7DB] =	sst s13  }
0x4d: {  	s15 =	simm.s32 $0x4200;
	[smem:$0x7DE] =	sst s14  }
0x4e: {  	s16 =	simm.s32 $0x4600;
	[smem:$0x7E1] =	sst s15  }
0x4f: {  	s17 =	simm.s32 $0x4A00;
	[smem:$0x7E4] =	sst s16  }
0x50: {  	s19 =	simm.s32 $0x4E00;
	[smem:$0x7E7] =	sst s17  }
0x51: {  	s20 =	simm.s32 $0x5200;
	[smem:$0x7EA] =	sst s19  }
0x52: {  	s22 =	simm.s32 $0x5A00;
	[smem:$0x7ED] =	sst s20  }
0x53: {  	s24 =	simm.s32 $0x6200;
	[smem:$0x7F3] =	sst s22  }
0x54: {  	[smem:$0x7F9] =	sst s24  }
0x55: {  	s25 =	rddreg [dreg:$0xa]  }
0x56: {  	s28 =	rddreg [dreg:$0x8]  }
0x57: {  	s30 =	rddreg [dreg:$0x6]  }
0x58: {  	s12 =	rddreg [dreg:$0x5]  }
0x59: {  	s15 =	sld [smem:$0x7CE]  }
0x5a: {  	s16 =	rddreg [dreg:$0x4]  }
0x5b: {  	s17 =	sld [smem:$0x7CF]  }
0x5c: {  	s21 =	simm.s32 $0x5600;
	s24 =	rddreg [dreg:$0xb]  }
0x5d: {  	s23 =	simm.s32 $0x5E00;
	[smem:$0x7F0] =	sst s21  }
0x5e: {  	[smem:$0x7F6] =	sst s23  }
0x5f: {  	s0 =	sld [smem:$0x7CB]  }
0x60: {  	s31 =	sld [smem:$0x7CC]  }
0x61: {  	s14 =	sld [smem:$0x7CD]  }
0x62: {  	s4 =	simm.s32 $0x80;
	s5 =	simm.s32 $0x400;
	s19 =	sld [smem:$0x7D0]  }
0x63: {  	[tilespmem:s18], [sflag:$0x1] =	stream.strided.gather [hbm4b:s16+s4], $0x200, s5, s4, $0x38;
	[tilespmem:$0x6800] =	vst v63  }
0x64: {  	s20 =	sld [smem:$0x7D1]  }
0x65: {  	s21 =	sld [smem:$0x7D2]  }
0x66: {  	[tilespmem:s15], [sflag:$0x1] =	stream.strided.gather [hbm4b:s12+s4], $0x200, s5, s4, $0x38;
	[tilespmem:$0x6800] =	vst v63  }
0x67: {  	s22 =	sld [smem:$0x7D3]  }
0x68: {  	[tilespmem:s5], [sflag:$0x1] =	stream.strided.gather [hbm4b:s30+s4], $0x200, s5, s4, $0x38;
	[tilespmem:$0x6800] =	vst v63  }
0x69: {  	s23 =	sld [smem:$0x7D4]  }
0x6a: {  	[tilespmem:s14], [sflag:$0x1] =	stream.strided.gather [hbm4b:s29+s4], $0x200, s5, s4, $0x38;
	[tilespmem:$0x6800] =	vst v63  }
0x6b: {  	s11 =	simm.s32 $0x800;
	s8 =	sld [smem:$0x7D5]  }
0x6c: {  	[tilespmem:s11], [sflag:$0x1] =	stream.strided.gather [hbm4b:s28+s4], $0x200, s5, s4, $0x38;
	[tilespmem:$0x6800] =	vst v63  }
0x6d: {  	s7 =	sld [smem:$0x7D6]  }
0x6e: {  	[tilespmem:s31], [sflag:$0x1] =	stream.strided.gather [hbm4b:s26+s4], $0x200, s5, s4, $0x38;
	[tilespmem:$0x6800] =	vst v63  }
0x6f: {  	s9 =	simm.s32 $0xC00;
	s6 =	sld [smem:$0x7D7]  }
0x70: {  	[tilespmem:s9], [sflag:$0x1] =	stream.strided.gather [hbm4b:s25+s4], $0x200, s5, s4, $0x38;
	[tilespmem:$0x6800] =	vst v63  }
0x71: {  	s30 =	rddreg [dreg:$0x10]  }
0x72: {  	[tilespmem:s17], [sflag:$0x1] =	stream.strided.gather [hbm4b:s24+s4], $0x200, s5, s4, $0x38;
	[tilespmem:$0x6800] =	vst v63  }
0x73: {  	s14 =	simm.s32 $0x1000;
	s25 =	rddreg [dreg:$0xc]  }
0x74: {  	[tilespmem:s14], [sflag:$0x1] =	stream.strided.gather [hbm4b:s25+s4], $0x200, s5, s4, $0x38;
	[tilespmem:$0x6800] =	vst v63  }
0x75: {  	s26 =	rddreg [dreg:$0xd]  }
0x76: {  	[tilespmem:s19], [sflag:$0x1] =	stream.strided.gather [hbm4b:s26+s4], $0x200, s5, s4, $0x38;
	[tilespmem:$0x6800] =	vst v63  }
0x77: {  	s15 =	simm.s32 $0x1400;
	s28 =	rddreg [dreg:$0xe]  }
0x78: {  	[tilespmem:s15], [sflag:$0x1] =	stream.strided.gather [hbm4b:s28+s4], $0x200, s5, s4, $0x38;
	[tilespmem:$0x6800] =	vst v63  }
0x79: {  	s29 =	rddreg [dreg:$0xf]  }
0x7a: {  	[tilespmem:s20], [sflag:$0x1] =	stream.strided.gather [hbm4b:s29+s4], $0x200, s5, s4, $0x38;
	[tilespmem:$0x6800] =	vst v63  }
0x7b: {  	s13 =	simm.s32 $0x1800;
	s31 =	rddreg [dreg:$0x11]  }
0x7c: {  	[tilespmem:s13], [sflag:$0x1] =	stream.strided.gather [hbm4b:s30+s4], $0x200, s5, s4, $0x38;
	[tilespmem:$0x6800] =	vst v63  }
0x7d: {  	s17 =	rddreg [dreg:$0x12]  }
0x7e: {  	[tilespmem:s21], [sflag:$0x1] =	stream.strided.gather [hbm4b:s31+s4], $0x200, s5, s4, $0x38;
	[tilespmem:$0x6800] =	vst v63  }
0x7f: {  	s16 =	simm.s32 $0x1C00;
	s24 =	rddreg [dreg:$0x1b]  }
0x80: {  	[tilespmem:s16], [sflag:$0x1] =	stream.strided.gather [hbm4b:s17+s4], $0x200, s5, s4, $0x38;
	[tilespmem:$0x6800] =	vst v63  }
0x81: {  	s19 =	rddreg [dreg:$0x13]  }
0x82: {  	[tilespmem:s22], [sflag:$0x1] =	stream.strided.gather [hbm4b:s19+s4], $0x200, s5, s4, $0x38;
	[tilespmem:$0x6800] =	vst v63  }
0x83: {  	s10 =	simm.s32 $0x2000;
	s20 =	rddreg [dreg:$0x14]  }
0x84: {  	[tilespmem:s10], [sflag:$0x1] =	stream.strided.gather [hbm4b:s20+s4], $0x200, s5, s4, $0x38;
	[tilespmem:$0x6800] =	vst v63  }
0x85: {  	s21 =	rddreg [dreg:$0x15]  }
0x86: {  	[tilespmem:s23], [sflag:$0x1] =	stream.strided.gather [hbm4b:s21+s4], $0x200, s5, s4, $0x38;
	[tilespmem:$0x6800] =	vst v63  }
0x87: {  	s22 =	rddreg [dreg:$0x16];
	s23 =	simm.s32 $0x2400  }
0x88: {  	[tilespmem:s23], [sflag:$0x1] =	stream.strided.gather [hbm4b:s22+s4], $0x200, s5, s4, $0x38;
	[tilespmem:$0x6800] =	vst v63  }
0x89: {  	s29 =	rddreg [dreg:$0x17]  }
0x8a: {  	[tilespmem:s6], [sflag:$0x1] =	stream.strided.gather [hbm4b:s29+s4], $0x200, s5, s4, $0x38;
	[tilespmem:$0x6800] =	vst v63  }
0x8b: {  	s30 =	rddreg [dreg:$0x18];
	s6 =	simm.s32 $0x2800  }
0x8c: {  	[tilespmem:s6], [sflag:$0x1] =	stream.strided.gather [hbm4b:s30+s4], $0x200, s5, s4, $0x38;
	[tilespmem:$0x6800] =	vst v63  }
0x8d: {  	s31 =	rddreg [dreg:$0x19]  }
0x8e: {  	[tilespmem:s7], [sflag:$0x1] =	stream.strided.gather [hbm4b:s31+s4], $0x200, s5, s4, $0x38;
	[tilespmem:$0x6800] =	vst v63  }
0x8f: {  	s17 =	rddreg [dreg:$0x1a];
	s19 =	simm.s32 $0x2C00  }
0x90: {  	[tilespmem:s19], [sflag:$0x1] =	stream.strided.gather [hbm4b:s17+s4], $0x200, s5, s4, $0x38;
	[tilespmem:$0x6800] =	vst v63  }
0x91: {  	s25 =	rddreg [dreg:$0x1c];
	s28 =	simm.s32 $0x6600  }
0x92: {  	[tilespmem:s0], [sflag:$0x1] =	stream.strided.gather [hbm4b:s24+s4], $0x200, s5, s4, $0x38;
	[tilespmem:$0x6800] =	vst v63  }
0x93: {  	s26 =	simm.s32 $0x3000;
	[smem:$0x7FC] =	sst s28  }
0x94: {  	[tilespmem:s26], [sflag:$0x1] =	stream.strided.gather [hbm4b:s25+s4], $0x200, s5, s4, $0x38;
	[tilespmem:$0x6800] =	vst v63  }
0x95: {  	s29 =	rddreg [dreg:$0x1d];
	s17 =	simm.s32 $0x1  }
0x96: {  	[tilespmem:s8], [sflag:$0x1] =	stream.strided.gather [hbm4b:s29+s4], $0x200, s5, s4, $0x38;
	[tilespmem:$0x6800] =	vst v63  }
0x97: {  	_ =	swait.ge [sflag:s17], $0x200  }
0x98: {  	[sflag:s17] =	ssyncset.done $0x0  }
0x99: {  	[sflag:s17] =	ssyncadd.s32 $0xFFFFFE00  }
0x9a: {  	_ =	swait.ge [sflag:s17], $0x200  }
0x9b: {  	[sflag:s17] =	ssyncset.done $0x0  }
0x9c: {  	[sflag:s17] =	ssyncadd.s32 $0xFFFFFE00  }
0x9d: {  	_ =	swait.ge [sflag:s17], $0x200  }
0x9e: {  	[sflag:s17] =	ssyncset.done $0x0  }
0x9f: {  	[sflag:s17] =	ssyncadd.s32 $0xFFFFFE00  }
0xa0: {  	_ =	swait.ge [sflag:s17], $0x200  }
0xa1: {  	[sflag:s17] =	ssyncset.done $0x0  }
0xa2: {  	[sflag:s17] =	ssyncadd.s32 $0xFFFFFE00  }
0xa3: {  	_ =	swait.ge [sflag:s17], $0x200  }
0xa4: {  	[sflag:s17] =	ssyncset.done $0x0  }
0xa5: {  	[sflag:s17] =	ssyncadd.s32 $0xFFFFFE00  }
0xa6: {  	_ =	swait.ge [sflag:s17], $0x200  }
0xa7: {  	[sflag:s17] =	ssyncset.done $0x0  }
0xa8: {  	[sflag:s17] =	ssyncadd.s32 $0xFFFFFE00  }
0xa9: {  	_ =	swait.ge [sflag:s17], $0x200  }
0xaa: {  	[sflag:s17] =	ssyncset.done $0x0  }
0xab: {  	[sflag:s17] =	ssyncadd.s32 $0xFFFFFE00  }
0xac: {  	_ =	swait.ge [sflag:s17], $0x200  }
0xad: {  	[sflag:s17] =	ssyncset.done $0x0  }
0xae: {  	[sflag:s17] =	ssyncadd.s32 $0xFFFFFE00  }
0xaf: {  	_ =	swait.ge [sflag:s17], $0x200  }
0xb0: {  	[sflag:s17] =	ssyncset.done $0x0  }
0xb1: {  	[sflag:s17] =	ssyncadd.s32 $0xFFFFFE00  }
0xb2: {  	_ =	swait.ge [sflag:s17], $0x200  }
0xb3: {  	[sflag:s17] =	ssyncset.done $0x0  }
0xb4: {  	[sflag:s17] =	ssyncadd.s32 $0xFFFFFE00  }
0xb5: {  	_ =	swait.ge [sflag:s17], $0x200  }
0xb6: {  	[sflag:s17] =	ssyncset.done $0x0  }
0xb7: {  	[sflag:s17] =	ssyncadd.s32 $0xFFFFFE00  }
0xb8: {  	_ =	swait.ge [sflag:s17], $0x200  }
0xb9: {  	[sflag:s17] =	ssyncset.done $0x0  }
0xba: {  	[sflag:s17] =	ssyncadd.s32 $0xFFFFFE00  }
0xbb: {  	_ =	swait.ge [sflag:s17], $0x200  }
0xbc: {  	[sflag:s17] =	ssyncset.done $0x0  }
0xbd: {  	[sflag:s17] =	ssyncadd.s32 $0xFFFFFE00  }
0xbe: {  	_ =	swait.ge [sflag:s17], $0x200  }
0xbf: {  	[sflag:s17] =	ssyncset.done $0x0  }
0xc0: {  	[sflag:s17] =	ssyncadd.s32 $0xFFFFFE00  }
0xc1: {  	_ =	swait.ge [sflag:s17], $0x200  }
0xc2: {  	[sflag:s17] =	ssyncset.done $0x0  }
0xc3: {  	[sflag:s17] =	ssyncadd.s32 $0xFFFFFE00  }
0xc4: {  	_ =	swait.ge [sflag:s17], $0x200  }
0xc5: {  	[sflag:s17] =	ssyncset.done $0x0  }
0xc6: {  	[sflag:s17] =	ssyncadd.s32 $0xFFFFFE00  }
0xc7: {  	_ =	swait.ge [sflag:s17], $0x200  }
0xc8: {  	[sflag:s17] =	ssyncset.done $0x0  }
0xc9: {  	[sflag:s17] =	ssyncadd.s32 $0xFFFFFE00  }
0xca: {  	_ =	swait.ge [sflag:s17], $0x200  }
0xcb: {  	[sflag:s17] =	ssyncset.done $0x0  }
0xcc: {  	[sflag:s17] =	ssyncadd.s32 $0xFFFFFE00  }
0xcd: {  	_ =	swait.ge [sflag:s17], $0x200  }
0xce: {  	[sflag:s17] =	ssyncset.done $0x0  }
0xcf: {  	[sflag:s17] =	ssyncadd.s32 $0xFFFFFE00  }
0xd0: {  	_ =	swait.ge [sflag:s17], $0x200  }
0xd1: {  	[sflag:s17] =	ssyncset.done $0x0  }
0xd2: {  	[sflag:s17] =	ssyncadd.s32 $0xFFFFFE00  }
0xd3: {  	_ =	swait.ge [sflag:s17], $0x200  }
0xd4: {  	[sflag:s17] =	ssyncset.done $0x0  }
0xd5: {  	[sflag:s17] =	ssyncadd.s32 $0xFFFFFE00  }
0xd6: {  	_ =	swait.ge [sflag:s17], $0x200  }
0xd7: {  	[sflag:s17] =	ssyncset.done $0x0  }
0xd8: {  	[sflag:s17] =	ssyncadd.s32 $0xFFFFFE00  }
0xd9: {  	_ =	swait.ge [sflag:s17], $0x200  }
0xda: {  	[sflag:s17] =	ssyncset.done $0x0  }
0xdb: {  	[sflag:s17] =	ssyncadd.s32 $0xFFFFFE00  }
0xdc: {  	_ =	swait.ge [sflag:s17], $0x200  }
0xdd: {  	[sflag:s17] =	ssyncset.done $0x0  }
0xde: {  	[sflag:s17] =	ssyncadd.s32 $0xFFFFFE00  }
0xdf: {  	_ =	swait.ge [sflag:s17], $0x200  }
0xe0: {  	[sflag:s17] =	ssyncset.done $0x0  }
0xe1: {  	[sflag:s17] =	ssyncadd.s32 $0xFFFFFE00  }
0xe2: {  	_ =	swait.ge [sflag:s17], $0x200  }
0xe3: {  	[sflag:s17] =	ssyncset.done $0x0  }
0xe4: {  	s30 =	simm.s32 $0x3400;
	[sflag:s17] =	ssyncadd.s32 $0xFFFFFE00  }
0xe5: {  	[tilespmem:s30], [sflag:$0x3] =	stream.indirect.gather [hbm4b:s2+s5], $0x1, s18, s5, $0xb8;
	[tilespmem:$0x6800] =	vst v63  }
0xe6: {  	s31 =	simm.s32 $0x3800  }
0xe7: {  	[tilespmem:s31], [sflag:$0x4] =	stream.indirect.gather [hbm4b:s2+s5], $0x1, s5, s5, $0xb8;
	[tilespmem:$0x6800] =	vst v63  }
0xe8: {  	s18 =	simm.s32 $0x3C00  }
0xe9: {  	[tilespmem:s18], [sflag:$0x5] =	stream.indirect.gather [hbm4b:s2+s5], $0x1, s11, s5, $0xb8;
	[tilespmem:$0x6800] =	vst v63  }
0xea: {  	s11 =	simm.s32 $0x4000  }
0xeb: {  	[tilespmem:s11], [sflag:$0x6] =	stream.indirect.gather [hbm4b:s2+s5], $0x1, s9, s5, $0xb8;
	[tilespmem:$0x6800] =	vst v63  }
0xec: {  	s20 =	simm.s32 $0x4400  }
0xed: {  	[tilespmem:s20], [sflag:$0x7] =	stream.indirect.gather [hbm4b:s2+s5], $0x1, s14, s5, $0xb8;
	[tilespmem:$0x6800] =	vst v63  }
0xee: {  	s14 =	simm.s32 $0x4800  }
0xef: {  	[tilespmem:s14], [sflag:$0x8] =	stream.indirect.gather [hbm4b:s2+s5], $0x1, s15, s5, $0xb8;
	[tilespmem:$0x6800] =	vst v63  }
0xf0: {  	s15 =	simm.s32 $0x4C00  }
0xf1: {  	[tilespmem:s15], [sflag:$0x9] =	stream.indirect.gather [hbm4b:s2+s5], $0x1, s13, s5, $0xb8;
	[tilespmem:$0x6800] =	vst v63  }
0xf2: {  	s21 =	simm.s32 $0x5000  }
0xf3: {  	[tilespmem:s21], [sflag:$0xA] =	stream.indirect.gather [hbm4b:s2+s5], $0x1, s16, s5, $0xb8;
	[tilespmem:$0x6800] =	vst v63  }
0xf4: {  	s16 =	simm.s32 $0x5400  }
0xf5: {  	[tilespmem:s16], [sflag:$0xB] =	stream.indirect.gather [hbm4b:s2+s5], $0x1, s10, s5, $0xb8;
	[tilespmem:$0x6800] =	vst v63  }
0xf6: {  	s22 =	simm.s32 $0x5800  }
0xf7: {  	[tilespmem:s22], [sflag:$0xC] =	stream.indirect.gather [hbm4b:s2+s5], $0x1, s23, s5, $0xb8;
	[tilespmem:$0x6800] =	vst v63  }
0xf8: {  	s23 =	simm.s32 $0x5C00  }
0xf9: {  	[tilespmem:s23], [sflag:$0xD] =	stream.indirect.gather [hbm4b:s2+s5], $0x1, s6, s5, $0xb8;
	[tilespmem:$0x6800] =	vst v63  }
0xfa: {  	s24 =	simm.s32 $0x6000  }
0xfb: {  	[tilespmem:s24], [sflag:$0xE] =	stream.indirect.gather [hbm4b:s2+s5], $0x1, s19, s5, $0xb8;
	[tilespmem:$0x6800] =	vst v63  }
0xfc: {  	s25 =	simm.s32 $0x6400;
	s9 =	simm.s32 $0x3  }
0xfd: {  	[tilespmem:s25], [sflag:$0xF] =	stream.indirect.gather [hbm4b:s2+s5], $0x1, s26, s5, $0xb8;
	[tilespmem:$0x6800] =	vst v63  }
0xfe: {  	_ =	swait.ge [sflag:s9], $0x400  }
0xff: {  	s10 =	rddreg [dreg:$0x1e];
	[sflag:s9] =	ssyncset.done $0x0  }
0x100: {  	s13 =	sld [smem:$0x7D8];
	[sflag:s9] =	ssyncadd.s32 $0xFFFFFC00  }
0x101: {  	[hbm4b:s10+s4] =	stream.strided.scatter [tilespmem:s30], [sflag:$0x2], $0x200, s5, s4, $0x38;
	[tilespmem:$0x6800] =	vst v63  }
0x102: {  	s19 =	simm.s32 $0x4;
	s12 =	rddreg [dreg:$0x1f]  }
0x103: {  	[hbm4b:s12+s4] =	stream.strided.scatter [tilespmem:s13], [sflag:$0x2], $0x200, s5, s4, $0x38;
	[tilespmem:$0x6800] =	vst v63  }
0x104: {  	_ =	swait.ge [sflag:s19], $0x400  }
0x105: {  	s26 =	sld [smem:$0x7D9]  }
0x106: {  	[sflag:s19] =	ssyncset.done $0x0;
	s28 =	sld [smem:$0x7DA]  }
0x107: {  	s29 =	sld [smem:$0x7DB];
	[sflag:s19] =	ssyncadd.s32 $0xFFFFFC00  }
0x108: {  	[hbm4b:s26+s4] =	stream.strided.scatter [tilespmem:s31], [sflag:$0x2], $0x200, s5, s4, $0x38;
	[tilespmem:$0x6800] =	vst v63  }
0x109: {  	s30 =	simm.s32 $0x5  }
0x10a: {  	[hbm4b:s28+s4] =	stream.strided.scatter [tilespmem:s29], [sflag:$0x2], $0x200, s5, s4, $0x38;
	[tilespmem:$0x6800] =	vst v63  }
0x10b: {  	_ =	swait.ge [sflag:s30], $0x400  }
0x10c: {  	s31 =	sld [smem:$0x7DC]  }
0x10d: {  	[sflag:s30] =	ssyncset.done $0x0;
	s1 =	sld [smem:$0x7DD]  }
0x10e: {  	s3 =	sld [smem:$0x7DE];
	[sflag:s30] =	ssyncadd.s32 $0xFFFFFC00  }
0x10f: {  	[hbm4b:s31+s4] =	stream.strided.scatter [tilespmem:s18], [sflag:$0x2], $0x200, s5, s4, $0x38;
	[tilespmem:$0x6800] =	vst v63  }
0x110: {  	s7 =	simm.s32 $0x6  }
0x111: {  	[hbm4b:s1+s4] =	stream.strided.scatter [tilespmem:s3], [sflag:$0x2], $0x200, s5, s4, $0x38;
	[tilespmem:$0x6800] =	vst v63  }
0x112: {  	_ =	swait.ge [sflag:s7], $0x400  }
0x113: {  	s8 =	sld [smem:$0x7DF]  }
0x114: {  	[sflag:s7] =	ssyncset.done $0x0;
	s9 =	sld [smem:$0x7E0]  }
0x115: {  	s10 =	sld [smem:$0x7E1];
	[sflag:s7] =	ssyncadd.s32 $0xFFFFFC00  }
0x116: {  	[hbm4b:s8+s4] =	stream.strided.scatter [tilespmem:s11], [sflag:$0x2], $0x200, s5, s4, $0x38;
	[tilespmem:$0x6800] =	vst v63  }
0x117: {  	s7 =	simm.s32 $0x7  }
0x118: {  	[hbm4b:s9+s4] =	stream.strided.scatter [tilespmem:s10], [sflag:$0x2], $0x200, s5, s4, $0x38;
	[tilespmem:$0x6800] =	vst v63  }
0x119: {  	_ =	swait.ge [sflag:s7], $0x400  }
0x11a: {  	s11 =	sld [smem:$0x7E2]  }
0x11b: {  	[sflag:s7] =	ssyncset.done $0x0;
	s12 =	sld [smem:$0x7E3]  }
0x11c: {  	s13 =	sld [smem:$0x7E4];
	[sflag:s7] =	ssyncadd.s32 $0xFFFFFC00  }
0x11d: {  	[hbm4b:s11+s4] =	stream.strided.scatter [tilespmem:s20], [sflag:$0x2], $0x200, s5, s4, $0x38;
	[tilespmem:$0x6800] =	vst v63  }
0x11e: {  	s8 =	simm.s32 $0x8  }
0x11f: {  	[hbm4b:s12+s4] =	stream.strided.scatter [tilespmem:s13], [sflag:$0x2], $0x200, s5, s4, $0x38;
	[tilespmem:$0x6800] =	vst v63  }
0x120: {  	_ =	swait.ge [sflag:s8], $0x400  }
0x121: {  	s18 =	sld [smem:$0x7E5]  }
0x122: {  	[sflag:s8] =	ssyncset.done $0x0;
	s19 =	sld [smem:$0x7E6]  }
0x123: {  	s20 =	sld [smem:$0x7E7];
	[sflag:s8] =	ssyncadd.s32 $0xFFFFFC00  }
0x124: {  	[hbm4b:s18+s4] =	stream.strided.scatter [tilespmem:s14], [sflag:$0x2], $0x200, s5, s4, $0x38;
	[tilespmem:$0x6800] =	vst v63  }
0x125: {  	s9 =	simm.s32 $0x9  }
0x126: {  	[hbm4b:s19+s4] =	stream.strided.scatter [tilespmem:s20], [sflag:$0x2], $0x200, s5, s4, $0x38;
	[tilespmem:$0x6800] =	vst v63  }
0x127: {  	_ =	swait.ge [sflag:s9], $0x400  }
0x128: {  	s26 =	sld [smem:$0x7E8]  }
0x129: {  	[sflag:s9] =	ssyncset.done $0x0;
	s28 =	sld [smem:$0x7E9]  }
0x12a: {  	s29 =	sld [smem:$0x7EA];
	[sflag:s9] =	ssyncadd.s32 $0xFFFFFC00  }
0x12b: {  	[hbm4b:s26+s4] =	stream.strided.scatter [tilespmem:s15], [sflag:$0x2], $0x200, s5, s4, $0x38;
	[tilespmem:$0x6800] =	vst v63  }
0x12c: {  	s10 =	simm.s32 $0xA  }
0x12d: {  	[hbm4b:s28+s4] =	stream.strided.scatter [tilespmem:s29], [sflag:$0x2], $0x200, s5, s4, $0x38;
	[tilespmem:$0x6800] =	vst v63  }
0x12e: {  	_ =	swait.ge [sflag:s10], $0x400  }
0x12f: {  	s30 =	sld [smem:$0x7EB]  }
0x130: {  	[sflag:s10] =	ssyncset.done $0x0;
	s31 =	sld [smem:$0x7EC]  }
0x131: {  	s0 =	sld [smem:$0x7ED];
	[sflag:s10] =	ssyncadd.s32 $0xFFFFFC00  }
0x132: {  	[hbm4b:s30+s4] =	stream.strided.scatter [tilespmem:s21], [sflag:$0x2], $0x200, s5, s4, $0x38;
	[tilespmem:$0x6800] =	vst v63  }
0x133: {  	s11 =	simm.s32 $0xB  }
0x134: {  	[hbm4b:s31+s4] =	stream.strided.scatter [tilespmem:s0], [sflag:$0x2], $0x200, s5, s4, $0x38;
	[tilespmem:$0x6800] =	vst v63  }
0x135: {  	_ =	swait.ge [sflag:s11], $0x400  }
0x136: {  	s1 =	sld [smem:$0x7EE]  }
0x137: {  	[sflag:s11] =	ssyncset.done $0x0;
	s3 =	sld [smem:$0x7EF]  }
0x138: {  	s6 =	sld [smem:$0x7F0];
	[sflag:s11] =	ssyncadd.s32 $0xFFFFFC00  }
0x139: {  	[hbm4b:s1+s4] =	stream.strided.scatter [tilespmem:s16], [sflag:$0x2], $0x200, s5, s4, $0x38;
	[tilespmem:$0x6800] =	vst v63  }
0x13a: {  	s12 =	simm.s32 $0xC  }
0x13b: {  	[hbm4b:s3+s4] =	stream.strided.scatter [tilespmem:s6], [sflag:$0x2], $0x200, s5, s4, $0x38;
	[tilespmem:$0x6800] =	vst v63  }
0x13c: {  	_ =	swait.ge [sflag:s12], $0x400  }
0x13d: {  	s14 =	sld [smem:$0x7F1]  }
0x13e: {  	[sflag:s12] =	ssyncset.done $0x0;
	s15 =	sld [smem:$0x7F2]  }
0x13f: {  	s16 =	sld [smem:$0x7F3];
	[sflag:s12] =	ssyncadd.s32 $0xFFFFFC00  }
0x140: {  	[hbm4b:s14+s4] =	stream.strided.scatter [tilespmem:s22], [sflag:$0x2], $0x200, s5, s4, $0x38;
	[tilespmem:$0x6800] =	vst v63  }
0x141: {  	s13 =	simm.s32 $0xD  }
0x142: {  	[hbm4b:s15+s4] =	stream.strided.scatter [tilespmem:s16], [sflag:$0x2], $0x200, s5, s4, $0x38;
	[tilespmem:$0x6800] =	vst v63  }
0x143: {  	_ =	swait.ge [sflag:s13], $0x400  }
0x144: {  	s18 =	sld [smem:$0x7F4]  }
0x145: {  	[sflag:s13] =	ssyncset.done $0x0;
	s19 =	sld [smem:$0x7F5]  }
0x146: {  	s20 =	sld [smem:$0x7F6];
	[sflag:s13] =	ssyncadd.s32 $0xFFFFFC00  }
0x147: {  	[hbm4b:s18+s4] =	stream.strided.scatter [tilespmem:s23], [sflag:$0x2], $0x200, s5, s4, $0x38;
	[tilespmem:$0x6800] =	vst v63  }
0x148: {  	s14 =	simm.s32 $0xE  }
0x149: {  	[hbm4b:s19+s4] =	stream.strided.scatter [tilespmem:s20], [sflag:$0x2], $0x200, s5, s4, $0x38;
	[tilespmem:$0x6800] =	vst v63  }
0x14a: {  	_ =	swait.ge [sflag:s14], $0x400  }
0x14b: {  	s21 =	sld [smem:$0x7F7]  }
0x14c: {  	[sflag:s14] =	ssyncset.done $0x0;
	s22 =	sld [smem:$0x7F8]  }
0x14d: {  	s23 =	sld [smem:$0x7F9];
	[sflag:s14] =	ssyncadd.s32 $0xFFFFFC00  }
0x14e: {  	[hbm4b:s21+s4] =	stream.strided.scatter [tilespmem:s24], [sflag:$0x2], $0x200, s5, s4, $0x38;
	[tilespmem:$0x6800] =	vst v63  }
0x14f: {  	s15 =	simm.s32 $0xF  }
0x150: {  	[hbm4b:s22+s4] =	stream.strided.scatter [tilespmem:s23], [sflag:$0x2], $0x200, s5, s4, $0x38;
	[tilespmem:$0x6800] =	vst v63  }
0x151: {  	_ =	swait.ge [sflag:s15], $0x400  }
0x152: {  	s24 =	sld [smem:$0x7FA]  }
0x153: {  	[sflag:s15] =	ssyncset.done $0x0;
	s26 =	sld [smem:$0x7FB]  }
0x154: {  	s28 =	sld [smem:$0x7FC];
	[sflag:s15] =	ssyncadd.s32 $0xFFFFFC00  }
0x155: {  	[hbm4b:s24+s4] =	stream.strided.scatter [tilespmem:s25], [sflag:$0x2], $0x200, s5, s4, $0x38;
	[tilespmem:$0x6800] =	vst v63  }
0x156: {  	s16 =	simm.s32 $0x2  }
0x157: {  	[hbm4b:s26+s4] =	stream.strided.scatter [tilespmem:s28], [sflag:$0x2], $0x200, s5, s4, $0x38;
	[tilespmem:$0x6800] =	vst v63  }
0x158: {  	_ =	swait.ge [sflag:s16], $0x200  }
0x159: {  	[sflag:s16] =	ssyncset.done $0x0  }
0x15a: {  	[sflag:s16] =	ssyncadd.s32 $0xFFFFFE00  }
0x15b: {  	_ =	swait.ge [sflag:s16], $0x200  }
0x15c: {  	[sflag:s16] =	ssyncset.done $0x0  }
0x15d: {  	[sflag:s16] =	ssyncadd.s32 $0xFFFFFE00  }
0x15e: {  	_ =	swait.ge [sflag:s16], $0x200  }
0x15f: {  	[sflag:s16] =	ssyncset.done $0x0  }
0x160: {  	[sflag:s16] =	ssyncadd.s32 $0xFFFFFE00  }
0x161: {  	_ =	swait.ge [sflag:s16], $0x200  }
0x162: {  	[sflag:s16] =	ssyncset.done $0x0  }
0x163: {  	[sflag:s16] =	ssyncadd.s32 $0xFFFFFE00  }
0x164: {  	_ =	swait.ge [sflag:s16], $0x200  }
0x165: {  	[sflag:s16] =	ssyncset.done $0x0  }
0x166: {  	[sflag:s16] =	ssyncadd.s32 $0xFFFFFE00  }
0x167: {  	_ =	swait.ge [sflag:s16], $0x200  }
0x168: {  	[sflag:s16] =	ssyncset.done $0x0  }
0x169: {  	[sflag:s16] =	ssyncadd.s32 $0xFFFFFE00  }
0x16a: {  	_ =	swait.ge [sflag:s16], $0x200  }
0x16b: {  	[sflag:s16] =	ssyncset.done $0x0  }
0x16c: {  	[sflag:s16] =	ssyncadd.s32 $0xFFFFFE00  }
0x16d: {  	_ =	swait.ge [sflag:s16], $0x200  }
0x16e: {  	[sflag:s16] =	ssyncset.done $0x0  }
0x16f: {  	[sflag:s16] =	ssyncadd.s32 $0xFFFFFE00  }
0x170: {  	_ =	swait.ge [sflag:s16], $0x200  }
0x171: {  	[sflag:s16] =	ssyncset.done $0x0  }
0x172: {  	[sflag:s16] =	ssyncadd.s32 $0xFFFFFE00  }
0x173: {  	_ =	swait.ge [sflag:s16], $0x200  }
0x174: {  	[sflag:s16] =	ssyncset.done $0x0  }
0x175: {  	[sflag:s16] =	ssyncadd.s32 $0xFFFFFE00  }
0x176: {  	_ =	swait.ge [sflag:s16], $0x200  }
0x177: {  	[sflag:s16] =	ssyncset.done $0x0  }
0x178: {  	[sflag:s16] =	ssyncadd.s32 $0xFFFFFE00  }
0x179: {  	_ =	swait.ge [sflag:s16], $0x200  }
0x17a: {  	[sflag:s16] =	ssyncset.done $0x0  }
0x17b: {  	[sflag:s16] =	ssyncadd.s32 $0xFFFFFE00  }
0x17c: {  	_ =	swait.ge [sflag:s16], $0x200  }
0x17d: {  	[sflag:s16] =	ssyncset.done $0x0  }
0x17e: {  	[sflag:s16] =	ssyncadd.s32 $0xFFFFFE00  }
0x17f: {  	_ =	swait.ge [sflag:s16], $0x200  }
0x180: {  	[sflag:s16] =	ssyncset.done $0x0  }
0x181: {  	[sflag:s16] =	ssyncadd.s32 $0xFFFFFE00  }
0x182: {  	_ =	swait.ge [sflag:s16], $0x200  }
0x183: {  	[sflag:s16] =	ssyncset.done $0x0  }
0x184: {  	[sflag:s16] =	ssyncadd.s32 $0xFFFFFE00  }
0x185: {  	_ =	swait.ge [sflag:s16], $0x200  }
0x186: {  	[sflag:s16] =	ssyncset.done $0x0  }
0x187: {  	[sflag:s16] =	ssyncadd.s32 $0xFFFFFE00  }
0x188: {  	_ =	swait.ge [sflag:s16], $0x200  }
0x189: {  	[sflag:s16] =	ssyncset.done $0x0  }
0x18a: {  	[sflag:s16] =	ssyncadd.s32 $0xFFFFFE00  }
0x18b: {  	_ =	swait.ge [sflag:s16], $0x200  }
0x18c: {  	[sflag:s16] =	ssyncset.done $0x0  }
0x18d: {  	[sflag:s16] =	ssyncadd.s32 $0xFFFFFE00  }
0x18e: {  	_ =	swait.ge [sflag:s16], $0x200  }
0x18f: {  	[sflag:s16] =	ssyncset.done $0x0  }
0x190: {  	[sflag:s16] =	ssyncadd.s32 $0xFFFFFE00  }
0x191: {  	_ =	swait.ge [sflag:s16], $0x200  }
0x192: {  	[sflag:s16] =	ssyncset.done $0x0  }
0x193: {  	[sflag:s16] =	ssyncadd.s32 $0xFFFFFE00  }
0x194: {  	_ =	swait.ge [sflag:s16], $0x200  }
0x195: {  	[sflag:s16] =	ssyncset.done $0x0  }
0x196: {  	[sflag:s16] =	ssyncadd.s32 $0xFFFFFE00  }
0x197: {  	_ =	swait.ge [sflag:s16], $0x200  }
0x198: {  	[sflag:s16] =	ssyncset.done $0x0  }
0x199: {  	[sflag:s16] =	ssyncadd.s32 $0xFFFFFE00  }
0x19a: {  	_ =	swait.ge [sflag:s16], $0x200  }
0x19b: {  	[sflag:s16] =	ssyncset.done $0x0  }
0x19c: {  	[sflag:s16] =	ssyncadd.s32 $0xFFFFFE00  }
0x19d: {  	_ =	swait.ge [sflag:s16], $0x200  }
0x19e: {  	s29 =	sld [smem:$0x7FD];
	_ =	sdelay $0x2  }
0x19f: {  	s30 =	ssub.s32 $0x2, s29  }
0x1a0: {  	s31 =	sshrl.u32 s30, $0x1  }
0x1a1: {  	s18 =	ssub.s32 s30, s31  }
0x1a2: {  	s18 =	smax.u32 s18, $0x1  }
0x1a3: {  	[sflag:s16] =	ssyncset.done $0x0;
	p0 =	sne.s32 s18, $0x1  }
.Ltmp0:
0x1a4: {  	[sflag:s16] =	ssyncadd.s32 $0xFFFFFE00;
	(pc) =	sbr.rel @!p0 .LBB2_2-.Ltmp0, $4  }
0x1a5: {  	_ =	swait.ge [sflag:s16], $0x200  }
0x1a6: {  	[sflag:s16] =	ssyncset.done $0x0  }
0x1a7: {  	[sflag:s16] =	ssyncadd.s32 $0xFFFFFE00  }
0x1a8: {  	_ =	swait.ge [sflag:s16], $0x200;
	s18 =	sadd.s32 $0xFFFFFFFF, s18  }
.LBB2_1:
0x1a9: {  	s19 =	sld [smem:$0x7CB]  }
0x1aa: {  	s22 =	rddreg [dreg:$0xa]  }
0x1ab: {  	s23 =	rddreg [dreg:$0x9]  }
0x1ac: {  	s24 =	rddreg [dreg:$0x8]  }
0x1ad: {  	s21 =	rddreg [dreg:$0x7]  }
0x1ae: {  	s20 =	rddreg [dreg:$0x6]  }
0x1af: {  	s25 =	sld [smem:$0x7CC]  }
0x1b0: {  	s26 =	rddreg [dreg:$0x5]  }
0x1b1: {  	s28 =	sld [smem:$0x7CD]  }
0x1b2: {  	s29 =	sld [smem:$0x7CE]  }
0x1b3: {  	s30 =	rddreg [dreg:$0x4]  }
0x1b4: {  	s31 =	sld [smem:$0x7CF]  }
0x1b5: {  	[sflag:s16] =	ssyncset.done $0x0;
	s0 =	sld [smem:$0x7D0]  }
0x1b6: {  	s3 =	simm.s32 $0x0;
	s1 =	sld [smem:$0x7D2];
	[sflag:s16] =	ssyncadd.s32 $0xFFFFFE00  }
0x1b7: {  	[tilespmem:s3], [sflag:$0x1] =	stream.strided.gather [hbm4b:s30+s4], $0x200, s5, s4, $0x38;
	[tilespmem:$0x6800] =	vst v63  }
0x1b8: {  	s6 =	rddreg [dreg:$0xb]  }
0x1b9: {  	[tilespmem:s29], [sflag:$0x1] =	stream.strided.gather [hbm4b:s26+s4], $0x200, s5, s4, $0x38;
	[tilespmem:$0x6800] =	vst v63  }
0x1ba: {  	s30 =	sld [smem:$0x7D1]  }
0x1bb: {  	[tilespmem:s5], [sflag:$0x1] =	stream.strided.gather [hbm4b:s20+s4], $0x200, s5, s4, $0x38;
	[tilespmem:$0x6800] =	vst v63  }
0x1bc: {  	s26 =	sld [smem:$0x7D3]  }
0x1bd: {  	[tilespmem:s28], [sflag:$0x1] =	stream.strided.gather [hbm4b:s21+s4], $0x200, s5, s4, $0x38;
	[tilespmem:$0x6800] =	vst v63  }
0x1be: {  	s29 =	sld [smem:$0x7D4];
	s28 =	simm.s32 $0x800  }
0x1bf: {  	[tilespmem:s28], [sflag:$0x1] =	stream.strided.gather [hbm4b:s24+s4], $0x200, s5, s4, $0x38;
	[tilespmem:$0x6800] =	vst v63  }
0x1c0: {  	s20 =	sld [smem:$0x7D5]  }
0x1c1: {  	[tilespmem:s25], [sflag:$0x1] =	stream.strided.gather [hbm4b:s23+s4], $0x200, s5, s4, $0x38;
	[tilespmem:$0x6800] =	vst v63  }
0x1c2: {  	s21 =	sld [smem:$0x7D6];
	s25 =	simm.s32 $0xC00  }
0x1c3: {  	[tilespmem:s25], [sflag:$0x1] =	stream.strided.gather [hbm4b:s22+s4], $0x200, s5, s4, $0x38;
	[tilespmem:$0x6800] =	vst v63  }
0x1c4: {  	s24 =	sld [smem:$0x7D7]  }
0x1c5: {  	[tilespmem:s31], [sflag:$0x1] =	stream.strided.gather [hbm4b:s6+s4], $0x200, s5, s4, $0x38;
	[tilespmem:$0x6800] =	vst v63  }
0x1c6: {  	s22 =	rddreg [dreg:$0xc];
	s31 =	simm.s32 $0x1000  }
0x1c7: {  	[tilespmem:s31], [sflag:$0x1] =	stream.strided.gather [hbm4b:s22+s4], $0x200, s5, s4, $0x38;
	[tilespmem:$0x6800] =	vst v63  }
0x1c8: {  	s6 =	rddreg [dreg:$0xd]  }
0x1c9: {  	[tilespmem:s0], [sflag:$0x1] =	stream.strided.gather [hbm4b:s6+s4], $0x200, s5, s4, $0x38;
	[tilespmem:$0x6800] =	vst v63  }
0x1ca: {  	s23 =	simm.s32 $0x1400;
	s22 =	rddreg [dreg:$0xe]  }
0x1cb: {  	[tilespmem:s23], [sflag:$0x1] =	stream.strided.gather [hbm4b:s22+s4], $0x200, s5, s4, $0x38;
	[tilespmem:$0x6800] =	vst v63  }
0x1cc: {  	s6 =	rddreg [dreg:$0xf]  }
0x1cd: {  	[tilespmem:s30], [sflag:$0x1] =	stream.strided.gather [hbm4b:s6+s4], $0x200, s5, s4, $0x38;
	[tilespmem:$0x6800] =	vst v63  }
0x1ce: {  	s22 =	rddreg [dreg:$0x10];
	s30 =	simm.s32 $0x1800  }
0x1cf: {  	[tilespmem:s30], [sflag:$0x1] =	stream.strided.gather [hbm4b:s22+s4], $0x200, s5, s4, $0x38;
	[tilespmem:$0x6800] =	vst v63  }
0x1d0: {  	s6 =	rddreg [dreg:$0x11]  }
0x1d1: {  	[tilespmem:s1], [sflag:$0x1] =	stream.strided.gather [hbm4b:s6+s4], $0x200, s5, s4, $0x38;
	[tilespmem:$0x6800] =	vst v63  }
0x1d2: {  	s22 =	rddreg [dreg:$0x12];
	s6 =	simm.s32 $0x1C00  }
0x1d3: {  	[tilespmem:s6], [sflag:$0x1] =	stream.strided.gather [hbm4b:s22+s4], $0x200, s5, s4, $0x38;
	[tilespmem:$0x6800] =	vst v63  }
0x1d4: {  	s0 =	rddreg [dreg:$0x13]  }
0x1d5: {  	[tilespmem:s26], [sflag:$0x1] =	stream.strided.gather [hbm4b:s0+s4], $0x200, s5, s4, $0x38;
	[tilespmem:$0x6800] =	vst v63  }
0x1d6: {  	s1 =	rddreg [dreg:$0x14];
	s22 =	simm.s32 $0x2000  }
0x1d7: {  	[tilespmem:s22], [sflag:$0x1] =	stream.strided.gather [hbm4b:s1+s4], $0x200, s5, s4, $0x38;
	[tilespmem:$0x6800] =	vst v63  }
0x1d8: {  	s26 =	rddreg [dreg:$0x15]  }
0x1d9: {  	[tilespmem:s29], [sflag:$0x1] =	stream.strided.gather [hbm4b:s26+s4], $0x200, s5, s4, $0x38;
	[tilespmem:$0x6800] =	vst v63  }
0x1da: {  	s1 =	rddreg [dreg:$0x16];
	s26 =	simm.s32 $0x2400  }
0x1db: {  	[tilespmem:s26], [sflag:$0x1] =	stream.strided.gather [hbm4b:s1+s4], $0x200, s5, s4, $0x38;
	[tilespmem:$0x6800] =	vst v63  }
0x1dc: {  	s29 =	rddreg [dreg:$0x17]  }
0x1dd: {  	[tilespmem:s24], [sflag:$0x1] =	stream.strided.gather [hbm4b:s29+s4], $0x200, s5, s4, $0x38;
	[tilespmem:$0x6800] =	vst v63  }
0x1de: {  	s1 =	rddreg [dreg:$0x18];
	s24 =	simm.s32 $0x2800  }
0x1df: {  	[tilespmem:s24], [sflag:$0x1] =	stream.strided.gather [hbm4b:s1+s4], $0x200, s5, s4, $0x38;
	[tilespmem:$0x6800] =	vst v63  }
0x1e0: {  	s29 =	rddreg [dreg:$0x19]  }
0x1e1: {  	[tilespmem:s21], [sflag:$0x1] =	stream.strided.gather [hbm4b:s29+s4], $0x200, s5, s4, $0x38;
	[tilespmem:$0x6800] =	vst v63  }
0x1e2: {  	s1 =	rddreg [dreg:$0x1a];
	s21 =	simm.s32 $0x2C00  }
0x1e3: {  	[tilespmem:s21], [sflag:$0x1] =	stream.strided.gather [hbm4b:s1+s4], $0x200, s5, s4, $0x38;
	[tilespmem:$0x6800] =	vst v63  }
0x1e4: {  	s29 =	rddreg [dreg:$0x1b]  }
0x1e5: {  	[tilespmem:s19], [sflag:$0x1] =	stream.strided.gather [hbm4b:s29+s4], $0x200, s5, s4, $0x38;
	[tilespmem:$0x6800] =	vst v63  }
0x1e6: {  	s1 =	rddreg [dreg:$0x1c];
	s19 =	simm.s32 $0x3000  }
0x1e7: {  	[tilespmem:s19], [sflag:$0x1] =	stream.strided.gather [hbm4b:s1+s4], $0x200, s5, s4, $0x38;
	[tilespmem:$0x6800] =	vst v63  }
0x1e8: {  	s29 =	rddreg [dreg:$0x1d]  }
0x1e9: {  	[tilespmem:s20], [sflag:$0x1] =	stream.strided.gather [hbm4b:s29+s4], $0x200, s5, s4, $0x38;
	[tilespmem:$0x6800] =	vst v63  }
0x1ea: {  	_ =	swait.ge [sflag:s17], $0x200  }
0x1eb: {  	[sflag:s17] =	ssyncset.done $0x0  }
0x1ec: {  	[sflag:s17] =	ssyncadd.s32 $0xFFFFFE00  }
0x1ed: {  	_ =	swait.ge [sflag:s17], $0x200  }
0x1ee: {  	[sflag:s17] =	ssyncset.done $0x0  }
0x1ef: {  	[sflag:s17] =	ssyncadd.s32 $0xFFFFFE00  }
0x1f0: {  	_ =	swait.ge [sflag:s17], $0x200  }
0x1f1: {  	[sflag:s17] =	ssyncset.done $0x0  }
0x1f2: {  	[sflag:s17] =	ssyncadd.s32 $0xFFFFFE00  }
0x1f3: {  	_ =	swait.ge [sflag:s17], $0x200  }
0x1f4: {  	[sflag:s17] =	ssyncset.done $0x0  }
0x1f5: {  	[sflag:s17] =	ssyncadd.s32 $0xFFFFFE00  }
0x1f6: {  	_ =	swait.ge [sflag:s17], $0x200  }
0x1f7: {  	[sflag:s17] =	ssyncset.done $0x0  }
0x1f8: {  	[sflag:s17] =	ssyncadd.s32 $0xFFFFFE00  }
0x1f9: {  	_ =	swait.ge [sflag:s17], $0x200  }
0x1fa: {  	[sflag:s17] =	ssyncset.done $0x0  }
0x1fb: {  	[sflag:s17] =	ssyncadd.s32 $0xFFFFFE00  }
0x1fc: {  	_ =	swait.ge [sflag:s17], $0x200  }
0x1fd: {  	[sflag:s17] =	ssyncset.done $0x0  }
0x1fe: {  	[sflag:s17] =	ssyncadd.s32 $0xFFFFFE00  }
0x1ff: {  	_ =	swait.ge [sflag:s17], $0x200  }
0x200: {  	[sflag:s17] =	ssyncset.done $0x0  }
0x201: {  	[sflag:s17] =	ssyncadd.s32 $0xFFFFFE00  }
0x202: {  	_ =	swait.ge [sflag:s17], $0x200  }
0x203: {  	[sflag:s17] =	ssyncset.done $0x0  }
0x204: {  	[sflag:s17] =	ssyncadd.s32 $0xFFFFFE00  }
0x205: {  	_ =	swait.ge [sflag:s17], $0x200  }
0x206: {  	[sflag:s17] =	ssyncset.done $0x0  }
0x207: {  	[sflag:s17] =	ssyncadd.s32 $0xFFFFFE00  }
0x208: {  	_ =	swait.ge [sflag:s17], $0x200  }
0x209: {  	[sflag:s17] =	ssyncset.done $0x0  }
0x20a: {  	[sflag:s17] =	ssyncadd.s32 $0xFFFFFE00  }
0x20b: {  	_ =	swait.ge [sflag:s17], $0x200  }
0x20c: {  	[sflag:s17] =	ssyncset.done $0x0  }
0x20d: {  	[sflag:s17] =	ssyncadd.s32 $0xFFFFFE00  }
0x20e: {  	_ =	swait.ge [sflag:s17], $0x200  }
0x20f: {  	[sflag:s17] =	ssyncset.done $0x0  }
0x210: {  	[sflag:s17] =	ssyncadd.s32 $0xFFFFFE00  }
0x211: {  	_ =	swait.ge [sflag:s17], $0x200  }
0x212: {  	[sflag:s17] =	ssyncset.done $0x0  }
0x213: {  	[sflag:s17] =	ssyncadd.s32 $0xFFFFFE00  }
0x214: {  	_ =	swait.ge [sflag:s17], $0x200  }
0x215: {  	[sflag:s17] =	ssyncset.done $0x0  }
0x216: {  	[sflag:s17] =	ssyncadd.s32 $0xFFFFFE00  }
0x217: {  	_ =	swait.ge [sflag:s17], $0x200  }
0x218: {  	[sflag:s17] =	ssyncset.done $0x0  }
0x219: {  	[sflag:s17] =	ssyncadd.s32 $0xFFFFFE00  }
0x21a: {  	_ =	swait.ge [sflag:s17], $0x200  }
0x21b: {  	[sflag:s17] =	ssyncset.done $0x0  }
0x21c: {  	[sflag:s17] =	ssyncadd.s32 $0xFFFFFE00  }
0x21d: {  	_ =	swait.ge [sflag:s17], $0x200  }
0x21e: {  	[sflag:s17] =	ssyncset.done $0x0  }
0x21f: {  	[sflag:s17] =	ssyncadd.s32 $0xFFFFFE00  }
0x220: {  	_ =	swait.ge [sflag:s17], $0x200  }
0x221: {  	[sflag:s17] =	ssyncset.done $0x0  }
0x222: {  	[sflag:s17] =	ssyncadd.s32 $0xFFFFFE00  }
0x223: {  	_ =	swait.ge [sflag:s17], $0x200  }
0x224: {  	[sflag:s17] =	ssyncset.done $0x0  }
0x225: {  	[sflag:s17] =	ssyncadd.s32 $0xFFFFFE00  }
0x226: {  	_ =	swait.ge [sflag:s17], $0x200  }
0x227: {  	[sflag:s17] =	ssyncset.done $0x0  }
0x228: {  	[sflag:s17] =	ssyncadd.s32 $0xFFFFFE00  }
0x229: {  	_ =	swait.ge [sflag:s17], $0x200  }
0x22a: {  	[sflag:s17] =	ssyncset.done $0x0  }
0x22b: {  	[sflag:s17] =	ssyncadd.s32 $0xFFFFFE00  }
0x22c: {  	_ =	swait.ge [sflag:s17], $0x200  }
0x22d: {  	[sflag:s17] =	ssyncset.done $0x0  }
0x22e: {  	[sflag:s17] =	ssyncadd.s32 $0xFFFFFE00  }
0x22f: {  	_ =	swait.ge [sflag:s17], $0x200  }
0x230: {  	[sflag:s17] =	ssyncset.done $0x0  }
0x231: {  	[sflag:s17] =	ssyncadd.s32 $0xFFFFFE00  }
0x232: {  	_ =	swait.ge [sflag:s17], $0x200  }
0x233: {  	[sflag:s17] =	ssyncset.done $0x0  }
0x234: {  	[sflag:s17] =	ssyncadd.s32 $0xFFFFFE00  }
0x235: {  	_ =	swait.ge [sflag:s17], $0x200  }
0x236: {  	[sflag:s17] =	ssyncset.done $0x0  }
0x237: {  	s20 =	simm.s32 $0x3400;
	[sflag:s17] =	ssyncadd.s32 $0xFFFFFE00  }
0x238: {  	[tilespmem:s20], [sflag:$0x3] =	stream.indirect.gather [hbm4b:s2+s5], $0x1, s3, s5, $0xb8;
	[tilespmem:$0x6800] =	vst v63  }
0x239: {  	s3 =	simm.s32 $0x3800  }
0x23a: {  	[tilespmem:s3], [sflag:$0x4] =	stream.indirect.gather [hbm4b:s2+s5], $0x1, s5, s5, $0xb8;
	[tilespmem:$0x6800] =	vst v63  }
0x23b: {  	s29 =	simm.s32 $0x3C00  }
0x23c: {  	[tilespmem:s29], [sflag:$0x5] =	stream.indirect.gather [hbm4b:s2+s5], $0x1, s28, s5, $0xb8;
	[tilespmem:$0x6800] =	vst v63  }
0x23d: {  	s28 =	simm.s32 $0x4000  }
0x23e: {  	[tilespmem:s28], [sflag:$0x6] =	stream.indirect.gather [hbm4b:s2+s5], $0x1, s25, s5, $0xb8;
	[tilespmem:$0x6800] =	vst v63  }
0x23f: {  	s25 =	simm.s32 $0x4400  }
0x240: {  	[tilespmem:s25], [sflag:$0x7] =	stream.indirect.gather [hbm4b:s2+s5], $0x1, s31, s5, $0xb8;
	[tilespmem:$0x6800] =	vst v63  }
0x241: {  	s31 =	simm.s32 $0x4800  }
0x242: {  	[tilespmem:s31], [sflag:$0x8] =	stream.indirect.gather [hbm4b:s2+s5], $0x1, s23, s5, $0xb8;
	[tilespmem:$0x6800] =	vst v63  }
0x243: {  	s23 =	simm.s32 $0x4C00  }
0x244: {  	[tilespmem:s23], [sflag:$0x9] =	stream.indirect.gather [hbm4b:s2+s5], $0x1, s30, s5, $0xb8;
	[tilespmem:$0x6800] =	vst v63  }
0x245: {  	s30 =	simm.s32 $0x5000  }
0x246: {  	[tilespmem:s30], [sflag:$0xA] =	stream.indirect.gather [hbm4b:s2+s5], $0x1, s6, s5, $0xb8;
	[tilespmem:$0x6800] =	vst v63  }
0x247: {  	s6 =	simm.s32 $0x5400  }
0x248: {  	[tilespmem:s6], [sflag:$0xB] =	stream.indirect.gather [hbm4b:s2+s5], $0x1, s22, s5, $0xb8;
	[tilespmem:$0x6800] =	vst v63  }
0x249: {  	s22 =	simm.s32 $0x5800  }
0x24a: {  	[tilespmem:s22], [sflag:$0xC] =	stream.indirect.gather [hbm4b:s2+s5], $0x1, s26, s5, $0xb8;
	[tilespmem:$0x6800] =	vst v63  }
0x24b: {  	s26 =	simm.s32 $0x5C00  }
0x24c: {  	[tilespmem:s26], [sflag:$0xD] =	stream.indirect.gather [hbm4b:s2+s5], $0x1, s24, s5, $0xb8;
	[tilespmem:$0x6800] =	vst v63  }
0x24d: {  	s24 =	simm.s32 $0x6000  }
0x24e: {  	[tilespmem:s24], [sflag:$0xE] =	stream.indirect.gather [hbm4b:s2+s5], $0x1, s21, s5, $0xb8;
	[tilespmem:$0x6800] =	vst v63  }
0x24f: {  	s21 =	simm.s32 $0x6400  }
0x250: {  	[tilespmem:s21], [sflag:$0xF] =	stream.indirect.gather [hbm4b:s2+s5], $0x1, s19, s5, $0xb8;
	[tilespmem:$0x6800] =	vst v63  }
0x251: {  	s19 =	simm.s32 $0x3  }
0x252: {  	_ =	swait.ge [sflag:s19], $0x400  }
0x253: {  	[sflag:s19] =	ssyncset.done $0x0;
	s0 =	rddreg [dreg:$0x1e]  }
0x254: {  	[sflag:s19] =	ssyncadd.s32 $0xFFFFFC00;
	s19 =	sld [smem:$0x7D8]  }
0x255: {  	[hbm4b:s0+s4] =	stream.strided.scatter [tilespmem:s20], [sflag:$0x2], $0x200, s5, s4, $0x38;
	[tilespmem:$0x6800] =	vst v63  }
0x256: {  	s1 =	rddreg [dreg:$0x1f];
	s20 =	simm.s32 $0x4  }
0x257: {  	[hbm4b:s1+s4] =	stream.strided.scatter [tilespmem:s19], [sflag:$0x2], $0x200, s5, s4, $0x38;
	[tilespmem:$0x6800] =	vst v63  }
0x258: {  	_ =	swait.ge [sflag:s20], $0x400  }
0x259: {  	s0 =	sld [smem:$0x7D9]  }
0x25a: {  	[sflag:s20] =	ssyncset.done $0x0;
	s19 =	sld [smem:$0x7DA]  }
0x25b: {  	[sflag:s20] =	ssyncadd.s32 $0xFFFFFC00;
	s20 =	sld [smem:$0x7DB]  }
0x25c: {  	[hbm4b:s0+s4] =	stream.strided.scatter [tilespmem:s3], [sflag:$0x2], $0x200, s5, s4, $0x38;
	[tilespmem:$0x6800] =	vst v63  }
0x25d: {  	s0 =	simm.s32 $0x5  }
0x25e: {  	[hbm4b:s19+s4] =	stream.strided.scatter [tilespmem:s20], [sflag:$0x2], $0x200, s5, s4, $0x38;
	[tilespmem:$0x6800] =	vst v63  }
0x25f: {  	_ =	swait.ge [sflag:s0], $0x400  }
0x260: {  	s3 =	sld [smem:$0x7DC]  }
0x261: {  	[sflag:s0] =	ssyncset.done $0x0;
	s19 =	sld [smem:$0x7DD]  }
0x262: {  	s20 =	sld [smem:$0x7DE];
	[sflag:s0] =	ssyncadd.s32 $0xFFFFFC00  }
0x263: {  	[hbm4b:s3+s4] =	stream.strided.scatter [tilespmem:s29], [sflag:$0x2], $0x200, s5, s4, $0x38;
	[tilespmem:$0x6800] =	vst v63  }
0x264: {  	s3 =	simm.s32 $0x6  }
0x265: {  	[hbm4b:s19+s4] =	stream.strided.scatter [tilespmem:s20], [sflag:$0x2], $0x200, s5, s4, $0x38;
	[tilespmem:$0x6800] =	vst v63  }
0x266: {  	_ =	swait.ge [sflag:s3], $0x400  }
0x267: {  	s19 =	sld [smem:$0x7DF]  }
0x268: {  	[sflag:s3] =	ssyncset.done $0x0;
	s20 =	sld [smem:$0x7E0]  }
0x269: {  	s29 =	sld [smem:$0x7E1];
	[sflag:s3] =	ssyncadd.s32 $0xFFFFFC00  }
0x26a: {  	[hbm4b:s19+s4] =	stream.strided.scatter [tilespmem:s28], [sflag:$0x2], $0x200, s5, s4, $0x38;
	[tilespmem:$0x6800] =	vst v63  }
0x26b: {  	_ = 	snop  }
0x26c: {  	[hbm4b:s20+s4] =	stream.strided.scatter [tilespmem:s29], [sflag:$0x2], $0x200, s5, s4, $0x38;
	[tilespmem:$0x6800] =	vst v63  }
0x26d: {  	_ =	swait.ge [sflag:s7], $0x400  }
0x26e: {  	s3 =	sld [smem:$0x7E2]  }
0x26f: {  	[sflag:s7] =	ssyncset.done $0x0;
	s19 =	sld [smem:$0x7E3]  }
0x270: {  	s20 =	sld [smem:$0x7E4];
	[sflag:s7] =	ssyncadd.s32 $0xFFFFFC00  }
0x271: {  	[hbm4b:s3+s4] =	stream.strided.scatter [tilespmem:s25], [sflag:$0x2], $0x200, s5, s4, $0x38;
	[tilespmem:$0x6800] =	vst v63  }
0x272: {  	_ = 	snop  }
0x273: {  	[hbm4b:s19+s4] =	stream.strided.scatter [tilespmem:s20], [sflag:$0x2], $0x200, s5, s4, $0x38;
	[tilespmem:$0x6800] =	vst v63  }
0x274: {  	_ =	swait.ge [sflag:s8], $0x400  }
0x275: {  	s25 =	sld [smem:$0x7E5]  }
0x276: {  	[sflag:s8] =	ssyncset.done $0x0;
	s28 =	sld [smem:$0x7E6]  }
0x277: {  	s29 =	sld [smem:$0x7E7];
	[sflag:s8] =	ssyncadd.s32 $0xFFFFFC00  }
0x278: {  	[hbm4b:s25+s4] =	stream.strided.scatter [tilespmem:s31], [sflag:$0x2], $0x200, s5, s4, $0x38;
	[tilespmem:$0x6800] =	vst v63  }
0x279: {  	_ = 	snop  }
0x27a: {  	[hbm4b:s28+s4] =	stream.strided.scatter [tilespmem:s29], [sflag:$0x2], $0x200, s5, s4, $0x38;
	[tilespmem:$0x6800] =	vst v63  }
0x27b: {  	_ =	swait.ge [sflag:s9], $0x400  }
0x27c: {  	s3 =	sld [smem:$0x7E8]  }
0x27d: {  	[sflag:s9] =	ssyncset.done $0x0;
	s19 =	sld [smem:$0x7E9]  }
0x27e: {  	s20 =	sld [smem:$0x7EA];
	[sflag:s9] =	ssyncadd.s32 $0xFFFFFC00  }
0x27f: {  	[hbm4b:s3+s4] =	stream.strided.scatter [tilespmem:s23], [sflag:$0x2], $0x200, s5, s4, $0x38;
	[tilespmem:$0x6800] =	vst v63  }
0x280: {  	_ = 	snop  }
0x281: {  	[hbm4b:s19+s4] =	stream.strided.scatter [tilespmem:s20], [sflag:$0x2], $0x200, s5, s4, $0x38;
	[tilespmem:$0x6800] =	vst v63  }
0x282: {  	_ =	swait.ge [sflag:s10], $0x400  }
0x283: {  	s23 =	sld [smem:$0x7EB]  }
0x284: {  	[sflag:s10] =	ssyncset.done $0x0;
	s25 =	sld [smem:$0x7EC]  }
0x285: {  	s28 =	sld [smem:$0x7ED];
	[sflag:s10] =	ssyncadd.s32 $0xFFFFFC00  }
0x286: {  	[hbm4b:s23+s4] =	stream.strided.scatter [tilespmem:s30], [sflag:$0x2], $0x200, s5, s4, $0x38;
	[tilespmem:$0x6800] =	vst v63  }
0x287: {  	_ = 	snop  }
0x288: {  	[hbm4b:s25+s4] =	stream.strided.scatter [tilespmem:s28], [sflag:$0x2], $0x200, s5, s4, $0x38;
	[tilespmem:$0x6800] =	vst v63  }
0x289: {  	_ =	swait.ge [sflag:s11], $0x400  }
0x28a: {  	s29 =	sld [smem:$0x7EE]  }
0x28b: {  	[sflag:s11] =	ssyncset.done $0x0;
	s30 =	sld [smem:$0x7EF]  }
0x28c: {  	s31 =	sld [smem:$0x7F0];
	[sflag:s11] =	ssyncadd.s32 $0xFFFFFC00  }
0x28d: {  	[hbm4b:s29+s4] =	stream.strided.scatter [tilespmem:s6], [sflag:$0x2], $0x200, s5, s4, $0x38;
	[tilespmem:$0x6800] =	vst v63  }
0x28e: {  	_ = 	snop  }
0x28f: {  	[hbm4b:s30+s4] =	stream.strided.scatter [tilespmem:s31], [sflag:$0x2], $0x200, s5, s4, $0x38;
	[tilespmem:$0x6800] =	vst v63  }
0x290: {  	_ =	swait.ge [sflag:s12], $0x400  }
0x291: {  	s1 =	sld [smem:$0x7F1]  }
0x292: {  	[sflag:s12] =	ssyncset.done $0x0;
	s3 =	sld [smem:$0x7F2]  }
0x293: {  	s6 =	sld [smem:$0x7F3];
	[sflag:s12] =	ssyncadd.s32 $0xFFFFFC00  }
0x294: {  	[hbm4b:s1+s4] =	stream.strided.scatter [tilespmem:s22], [sflag:$0x2], $0x200, s5, s4, $0x38;
	[tilespmem:$0x6800] =	vst v63  }
0x295: {  	_ = 	snop  }
0x296: {  	[hbm4b:s3+s4] =	stream.strided.scatter [tilespmem:s6], [sflag:$0x2], $0x200, s5, s4, $0x38;
	[tilespmem:$0x6800] =	vst v63  }
0x297: {  	_ =	swait.ge [sflag:s13], $0x400  }
0x298: {  	s20 =	sld [smem:$0x7F4]  }
0x299: {  	[sflag:s13] =	ssyncset.done $0x0;
	s22 =	sld [smem:$0x7F5]  }
0x29a: {  	s23 =	sld [smem:$0x7F6];
	[sflag:s13] =	ssyncadd.s32 $0xFFFFFC00  }
0x29b: {  	[hbm4b:s20+s4] =	stream.strided.scatter [tilespmem:s26], [sflag:$0x2], $0x200, s5, s4, $0x38;
	[tilespmem:$0x6800] =	vst v63  }
0x29c: {  	_ = 	snop  }
0x29d: {  	[hbm4b:s22+s4] =	stream.strided.scatter [tilespmem:s23], [sflag:$0x2], $0x200, s5, s4, $0x38;
	[tilespmem:$0x6800] =	vst v63  }
0x29e: {  	_ =	swait.ge [sflag:s14], $0x400  }
0x29f: {  	s25 =	sld [smem:$0x7F7]  }
0x2a0: {  	[sflag:s14] =	ssyncset.done $0x0;
	s26 =	sld [smem:$0x7F8]  }
0x2a1: {  	s28 =	sld [smem:$0x7F9];
	[sflag:s14] =	ssyncadd.s32 $0xFFFFFC00  }
0x2a2: {  	[hbm4b:s25+s4] =	stream.strided.scatter [tilespmem:s24], [sflag:$0x2], $0x200, s5, s4, $0x38;
	[tilespmem:$0x6800] =	vst v63  }
0x2a3: {  	_ = 	snop  }
0x2a4: {  	[hbm4b:s26+s4] =	stream.strided.scatter [tilespmem:s28], [sflag:$0x2], $0x200, s5, s4, $0x38;
	[tilespmem:$0x6800] =	vst v63  }
0x2a5: {  	_ =	swait.ge [sflag:s15], $0x400  }
0x2a6: {  	s29 =	sld [smem:$0x7FA]  }
0x2a7: {  	[sflag:s15] =	ssyncset.done $0x0;
	s30 =	sld [smem:$0x7FB]  }
0x2a8: {  	s31 =	sld [smem:$0x7FC];
	[sflag:s15] =	ssyncadd.s32 $0xFFFFFC00  }
0x2a9: {  	[hbm4b:s29+s4] =	stream.strided.scatter [tilespmem:s21], [sflag:$0x2], $0x200, s5, s4, $0x38;
	[tilespmem:$0x6800] =	vst v63  }
0x2aa: {  	_ = 	snop  }
0x2ab: {  	[hbm4b:s30+s4] =	stream.strided.scatter [tilespmem:s31], [sflag:$0x2], $0x200, s5, s4, $0x38;
	[tilespmem:$0x6800] =	vst v63  }
0x2ac: {  	_ =	swait.ge [sflag:s16], $0x200  }
0x2ad: {  	[sflag:s16] =	ssyncset.done $0x0  }
0x2ae: {  	[sflag:s16] =	ssyncadd.s32 $0xFFFFFE00  }
0x2af: {  	_ =	swait.ge [sflag:s16], $0x200  }
0x2b0: {  	[sflag:s16] =	ssyncset.done $0x0  }
0x2b1: {  	[sflag:s16] =	ssyncadd.s32 $0xFFFFFE00  }
0x2b2: {  	_ =	swait.ge [sflag:s16], $0x200  }
0x2b3: {  	[sflag:s16] =	ssyncset.done $0x0  }
0x2b4: {  	[sflag:s16] =	ssyncadd.s32 $0xFFFFFE00  }
0x2b5: {  	_ =	swait.ge [sflag:s16], $0x200  }
0x2b6: {  	[sflag:s16] =	ssyncset.done $0x0  }
0x2b7: {  	[sflag:s16] =	ssyncadd.s32 $0xFFFFFE00  }
0x2b8: {  	_ =	swait.ge [sflag:s16], $0x200  }
0x2b9: {  	[sflag:s16] =	ssyncset.done $0x0  }
0x2ba: {  	[sflag:s16] =	ssyncadd.s32 $0xFFFFFE00  }
0x2bb: {  	_ =	swait.ge [sflag:s16], $0x200  }
0x2bc: {  	[sflag:s16] =	ssyncset.done $0x0  }
0x2bd: {  	[sflag:s16] =	ssyncadd.s32 $0xFFFFFE00  }
0x2be: {  	_ =	swait.ge [sflag:s16], $0x200  }
0x2bf: {  	[sflag:s16] =	ssyncset.done $0x0  }
0x2c0: {  	[sflag:s16] =	ssyncadd.s32 $0xFFFFFE00  }
0x2c1: {  	_ =	swait.ge [sflag:s16], $0x200  }
0x2c2: {  	[sflag:s16] =	ssyncset.done $0x0  }
0x2c3: {  	[sflag:s16] =	ssyncadd.s32 $0xFFFFFE00  }
0x2c4: {  	_ =	swait.ge [sflag:s16], $0x200  }
0x2c5: {  	[sflag:s16] =	ssyncset.done $0x0  }
0x2c6: {  	[sflag:s16] =	ssyncadd.s32 $0xFFFFFE00  }
0x2c7: {  	_ =	swait.ge [sflag:s16], $0x200  }
0x2c8: {  	[sflag:s16] =	ssyncset.done $0x0  }
0x2c9: {  	[sflag:s16] =	ssyncadd.s32 $0xFFFFFE00  }
0x2ca: {  	_ =	swait.ge [sflag:s16], $0x200  }
0x2cb: {  	[sflag:s16] =	ssyncset.done $0x0  }
0x2cc: {  	[sflag:s16] =	ssyncadd.s32 $0xFFFFFE00  }
0x2cd: {  	_ =	swait.ge [sflag:s16], $0x200  }
0x2ce: {  	[sflag:s16] =	ssyncset.done $0x0  }
0x2cf: {  	[sflag:s16] =	ssyncadd.s32 $0xFFFFFE00  }
0x2d0: {  	_ =	swait.ge [sflag:s16], $0x200  }
0x2d1: {  	[sflag:s16] =	ssyncset.done $0x0  }
0x2d2: {  	[sflag:s16] =	ssyncadd.s32 $0xFFFFFE00  }
0x2d3: {  	_ =	swait.ge [sflag:s16], $0x200  }
0x2d4: {  	[sflag:s16] =	ssyncset.done $0x0  }
0x2d5: {  	[sflag:s16] =	ssyncadd.s32 $0xFFFFFE00  }
0x2d6: {  	_ =	swait.ge [sflag:s16], $0x200  }
0x2d7: {  	[sflag:s16] =	ssyncset.done $0x0  }
0x2d8: {  	[sflag:s16] =	ssyncadd.s32 $0xFFFFFE00  }
0x2d9: {  	_ =	swait.ge [sflag:s16], $0x200  }
0x2da: {  	[sflag:s16] =	ssyncset.done $0x0  }
0x2db: {  	[sflag:s16] =	ssyncadd.s32 $0xFFFFFE00  }
0x2dc: {  	_ =	swait.ge [sflag:s16], $0x200  }
0x2dd: {  	[sflag:s16] =	ssyncset.done $0x0  }
0x2de: {  	[sflag:s16] =	ssyncadd.s32 $0xFFFFFE00  }
0x2df: {  	_ =	swait.ge [sflag:s16], $0x200  }
0x2e0: {  	[sflag:s16] =	ssyncset.done $0x0  }
0x2e1: {  	[sflag:s16] =	ssyncadd.s32 $0xFFFFFE00  }
0x2e2: {  	_ =	swait.ge [sflag:s16], $0x200  }
0x2e3: {  	[sflag:s16] =	ssyncset.done $0x0  }
0x2e4: {  	[sflag:s16] =	ssyncadd.s32 $0xFFFFFE00  }
0x2e5: {  	_ =	swait.ge [sflag:s16], $0x200  }
0x2e6: {  	[sflag:s16] =	ssyncset.done $0x0  }
0x2e7: {  	[sflag:s16] =	ssyncadd.s32 $0xFFFFFE00  }
0x2e8: {  	_ =	swait.ge [sflag:s16], $0x200  }
0x2e9: {  	[sflag:s16] =	ssyncset.done $0x0  }
0x2ea: {  	[sflag:s16] =	ssyncadd.s32 $0xFFFFFE00  }
0x2eb: {  	_ =	swait.ge [sflag:s16], $0x200  }
0x2ec: {  	[sflag:s16] =	ssyncset.done $0x0  }
0x2ed: {  	[sflag:s16] =	ssyncadd.s32 $0xFFFFFE00  }
0x2ee: {  	_ =	swait.ge [sflag:s16], $0x200  }
0x2ef: {  	[sflag:s16] =	ssyncset.done $0x0  }
0x2f0: {  	[sflag:s16] =	ssyncadd.s32 $0xFFFFFE00  }
0x2f1: {  	_ =	swait.ge [sflag:s16], $0x200  }
0x2f2: {  	p0 =	sne.s32 s18, $0x1;
	[sflag:s16] =	ssyncset.done $0x0  }
.Ltmp1:
0x2f3: {  	[sflag:s16] =	ssyncadd.s32 $0xFFFFFE00;
	(pc) =	sbr.rel @p0 .LBB2_1-.Ltmp1, $4  }
0x2f4: {  	_ =	swait.ge [sflag:s16], $0x200  }
0x2f5: {  	[sflag:s16] =	ssyncset.done $0x0  }
0x2f6: {  	[sflag:s16] =	ssyncadd.s32 $0xFFFFFE00  }
0x2f7: {  	s18 =	sadd.s32 $0xFFFFFFFF, s18;
	_ =	swait.ge [sflag:s16], $0x200  }
.LBB2_2:
0x2f8: {  	[sflag:s16] =	ssyncset.done $0x0  }
0x2f9: {  	[sflag:s16] =	ssyncadd.s32 $0xFFFFFE00  }
0x2fa: {  	_ =	sfence.sel $0x180000  }
0x2fb: {  	[bflag:$0x0] =	sbarrier.arrive $0xFFFF  }
0x2fc: {  	_ =	strace $0x90000047  }
0x2fd: {  	s0 =	stileid.u32;
	[bflag:$0x2] =	sbarrier.arrive $0xFFFF  }
0x2fe: {  	p0 =	sne.s32 s0, $0x0;
	s0 =	rddreg [dreg:$0x3]  }
0x2ff: {  	s0 =	sadd.s32 @!p0 $0x100000, s0  }
0x300: {  	[sflag:s0] =	ssyncadd.tile.s32 @!p0 $0x1;
	_ =	shalt  }
.Lfunc_end2:
_tile_overlayer_lowered:
.L_overlay_start_2:
0x301: {  	(tag) =	ssettag $0x2  }
0x302: {  	s0 =	rddreg [dreg:$0x0];
	s2 =	stileid.u32  }
0x303: {  	s1 =	rddreg [dreg:$0x1];
	p0 =	sne.s32 s2, $0x0  }
0x304: {  	s3 =	rddreg [dreg:$0x2];
	[bflag:$0x3] =	sbarrier.arrive $0xFFFF;
	s2 =	simm.s32 @!p0 $0x1C10  }
0x305: {  	[timem:s3], [sflag:s2] =	dma.local @!p0 [hbm:s0], s1  }
0x306: {  	s0 =	simm.s32 @!p0 $0x10  }
0x307: {  	_ =	swait.ge @!p0 [sflag:s0], s1  }
0x308: {  	s1 =	ssub.s32 @!p0 $0x0, s1;
	[sflag:s0] =	ssyncset.done @!p0 $0x0  }
0x309: {  	[sflag:s0] =	ssyncadd.s32 @!p0 s1  }
0x30a: {  	[bflag:$0x3] =	sbarrier.arrive $0xFFFF  }
0x30b: {  	_ =	shalt  }

</sc_bundles>
